<compile_context>
chip_gen: v7x
topology: tpu7x:2x2x1
jax: 0.10.2.dev20260603
libtpu: 0.0.44.dev20260713+nightly
codegen_flags: <defaults>
</compile_context>

<pallas_src>
import functools

import jax
import jax.numpy as jnp
from jax import lax
from jax.experimental import pallas as pl
from jax.experimental.pallas import tpu as pltpu
from jax.experimental.pallas import tpu_sc as plsc

N = 100000
D = 128
H = 64
M = 65536
K = 3
BN = 4096
NP = 102400
NT = NP // BN
NR = NP // 128
NEG = float("-inf")

_PER_W = NP // 16


def _hist_body(hn_hbm, tn_hbm, out_hbm, idxh_v, idxt_v, ones_v,
               zbuf_v, hist_h_sh, hist_t_sh, sem):
  cid = lax.axis_index("c")
  sid = lax.axis_index("s")
  w = cid * 16 + sid

  for v in range(8):
    ones_v[pl.ds(v * 16, 16)] = jnp.ones((16,), jnp.float32)
  for v in range(128):
    zbuf_v[pl.ds(v * 16, 16)] = jnp.zeros((16,), jnp.float32)

  zb = sid * _PER_W
  zcopies = []
  for hist_sh in (hist_h_sh, hist_t_sh):
    for kchunk in range(3):
      zcopies.append(pltpu.async_copy(
          zbuf_v, hist_sh.at[pl.ds(zb + kchunk * 2048, 2048)], sem))
    zcopies.append(pltpu.async_copy(
        zbuf_v.at[pl.ds(0, 256)], hist_sh.at[pl.ds(zb + 3 * 2048, 256)], sem))
  pltpu.sync_copy(hn_hbm.at[pl.ds(w * 16, 16)], idxh_v)
  pltpu.sync_copy(tn_hbm.at[pl.ds(w * 16, 16)], idxt_v)
  for c in zcopies:
    c.wait()
  plsc.subcore_barrier()

  for idx_v, hist_sh in ((idxh_v, hist_h_sh), (idxt_v, hist_t_sh)):
    copies = [pltpu.async_copy(ones_v, hist_sh.at[idx_v.at[j]], sem, add=True)
              for j in range(16)]
    for c in copies:
      c.wait()
  plsc.subcore_barrier()

  c0 = pltpu.async_copy(hist_h_sh.at[pl.ds(zb, _PER_W)],
                        out_hbm.at[cid, 0, pl.ds(zb, _PER_W)], sem)
  c1 = pltpu.async_copy(hist_t_sh.at[pl.ds(zb, _PER_W)],
                        out_hbm.at[cid, 1, pl.ds(zb, _PER_W)], sem)
  c0.wait()
  c1.wait()


@functools.cache
def _hist_kernel_fn():
  return pl.kernel(
      _hist_body,
      out_type=jax.ShapeDtypeStruct((2, 2, NP), jnp.float32),
      mesh=plsc.VectorSubcoreMesh(core_axis_name="c", subcore_axis_name="s",
                                  num_cores=2, num_subcores=16),
      scratch_types=[
          pltpu.VMEM((16, 128), jnp.int32),
          pltpu.VMEM((16, 128), jnp.int32),
          pltpu.VMEM((128,), jnp.float32),
          pltpu.VMEM((2048,), jnp.float32),
          pltpu.VMEM_SHARED((NP,), jnp.float32),
          pltpu.VMEM_SHARED((NP,), jnp.float32),
          pltpu.SemaphoreType.DMA,
      ],
  )


def _hist_kernel(hn2, tn2):
  return _hist_kernel_fn()(hn2, tn2)


def _score_body(emb_ref, w1_ref, b1_ref, w2_ref, cen_ref, emb_hbm,
                sh_ref, st_ref, anc_v, cvec_v, sem):
  i = pl.program_id(0)

  @pl.when(i == 0)
  def _init():
    ch = pltpu.make_async_copy(emb_hbm.at[pl.ds(cen_ref[0], 1)],
                               anc_v.at[pl.ds(0, 1)], sem)
    ct = pltpu.make_async_copy(emb_hbm.at[pl.ds(cen_ref[1], 1)],
                               anc_v.at[pl.ds(1, 1)], sem)
    ch.start()
    ct.start()
    ch.wait()
    ct.wait()
    cvec_v[...] = (
        lax.dot_general(w1_ref[0:D, :], anc_v[...], (((0,), (1,)), ((), ())),
                        preferred_element_type=jnp.float32)
        + b1_ref[...])

  xt = lax.dot_general(w1_ref[D:2 * D, :], emb_ref[...],
                       (((0,), (1,)), ((), ())),
                       preferred_element_type=jnp.float32)
  hh = jnp.maximum(xt + cvec_v[:, 0:1], 0.0)
  ht = jnp.maximum(xt + cvec_v[:, 1:2], 0.0)
  w2c = w2_ref[...]
  sh = jnp.sum(hh * w2c, axis=0, keepdims=True)
  st = jnp.sum(ht * w2c, axis=0, keepdims=True)
  sh_ref[...] = sh.reshape(1, 1, BN)
  st_ref[...] = st.reshape(1, 1, BN)


def _scores(embed, W1, b1, W2, centers):
  return pl.pallas_call(
      _score_body,
      grid=(NT,),
      in_specs=[
          pl.BlockSpec((BN, D), lambda i: (i, 0)),
          pl.BlockSpec((2 * D, H), lambda i: (0, 0)),
          pl.BlockSpec((H, 1), lambda i: (0, 0)),
          pl.BlockSpec((H, 1), lambda i: (0, 0)),
          pl.BlockSpec(memory_space=pltpu.SMEM),
          pl.BlockSpec(memory_space=pltpu.HBM),
      ],
      out_specs=[
          pl.BlockSpec((1, 1, BN), lambda i: (i, 0, 0)),
          pl.BlockSpec((1, 1, BN), lambda i: (i, 0, 0)),
      ],
      out_shape=[
          jax.ShapeDtypeStruct((NT, 1, BN), jnp.float32),
          jax.ShapeDtypeStruct((NT, 1, BN), jnp.float32),
      ],
      scratch_shapes=[
          pltpu.VMEM((2, D), jnp.float32),
          pltpu.VMEM((H, 2), jnp.float32),
          pltpu.SemaphoreType.DMA,
      ],
  )(embed, W1, b1, W2, centers, embed)


def _wsum_body(nf_ref, h3_ref, ws_ref):
  i = pl.program_id(0)
  h3 = h3_ref[...]
  mh = h3[0][0:1, :] + h3[1][0:1, :]
  mt = h3[0][1:2, :] + h3[1][1:2, :]
  mm = jnp.concatenate([mh, mt], axis=0)
  rowid = i * BN + lax.broadcasted_iota(jnp.int32, (BN, 1), 0)
  blk = jnp.where(rowid < N, nf_ref[...], 0.0)
  contrib = lax.dot_general(mm, blk, (((1,), (0,)), ((), ())),
                            preferred_element_type=jnp.float32,
                            precision=lax.Precision.DEFAULT)

  @pl.when(i == 0)
  def _init():
    ws_ref[...] = jnp.zeros_like(ws_ref)

  ws_ref[...] += contrib


def _wsum(node_feat, hist):
  return pl.pallas_call(
      _wsum_body,
      grid=(NT,),
      in_specs=[
          pl.BlockSpec((BN, D), lambda i: (i, 0)),
          pl.BlockSpec((2, 2, BN), lambda i: (0, 0, i)),
      ],
      out_specs=pl.BlockSpec((2, D), lambda i: (0, 0)),
      out_shape=jax.ShapeDtypeStruct((2, D), jnp.float32),
  )(node_feat, hist)


def _final_body(sh_ref, st_ref, h4_ref, wsum_ref, wemb_ref, cen_ref, nf_hbm,
                out_ref, rows_v, sem):
  lin = (lax.broadcasted_iota(jnp.int32, (NR, 128), 0) * 128
         + lax.broadcasted_iota(jnp.int32, (NR, 128), 1))
  big = jnp.int32(2 ** 30)

  h4 = h4_ref[...]
  mult_h = h4[0, 0] + h4[1, 0]
  mult_t = h4[0, 1] + h4[1, 1]

  copies = []
  sels = []
  uses = []
  cnts = [[], []]
  for a, (sc_ref, own) in enumerate(
      ((sh_ref, mult_h), (st_ref, mult_t))):
    s_w = jnp.where(own > 0.0, sc_ref[...], NEG)
    rem = jnp.float32(K)
    for k in range(K):
      m = jnp.max(s_w)
      idx = jnp.min(jnp.where(s_w == m, lin, big))
      hit = lin == idx
      cnth = jnp.sum(jnp.where(hit, mult_h, 0.0))
      cntt = jnp.sum(jnp.where(hit, mult_t, 0.0))
      sels.append(idx)
      uses.append((rem > 0.0).astype(jnp.float32))
      cnts[0].append(cnth)
      cnts[1].append(cntt)
      rem = rem - (cnth if a == 0 else cntt)
      s_w = jnp.where(hit, NEG, s_w)
      cp = pltpu.make_async_copy(nf_hbm.at[pl.ds(idx, 1)],
                                 rows_v.at[pl.ds(a * K + k, 1)], sem)
      cp.start()
      copies.append(cp)

  for a in range(2):
    cp = pltpu.make_async_copy(nf_hbm.at[pl.ds(cen_ref[a], 1)],
                               rows_v.at[pl.ds(2 * K + a, 1)], sem)
    cp.start()
    copies.append(cp)
  for cp in copies:
    cp.wait()

  eff = []
  for j in range(2 * K):
    d = uses[j]
    for i2 in range(j):
      d = d * (1.0 - uses[i2] * (sels[i2] == sels[j]).astype(jnp.float32))
    eff.append(d)

  vrows = []
  for a in range(2):
    corr = jnp.zeros((1, D), jnp.float32)
    for j in range(2 * K):
      corr = corr + (eff[j] * cnts[a][j]) * rows_v[j:j + 1, :]
    keep = jnp.float32(1.0)
    for j in range(2 * K):
      hit = uses[j] * (sels[j] == cen_ref[a]).astype(jnp.float32)
      keep = keep * (1.0 - hit)
    agg = (wsum_ref[a:a + 1, :] - corr) * jnp.float32(1.0 / M)
    vrows.append(keep * rows_v[2 * K + a:2 * K + a + 1, :] + agg)

  v = jnp.concatenate(vrows, axis=0)
  out_ref[...] = jnp.dot(v, wemb_ref[...], preferred_element_type=jnp.float32)


def _final(sh, st, hist4, wsum, W_emb, centers, node_feat):
  full = pl.BlockSpec((NR, 128), lambda: (0, 0))
  return pl.pallas_call(
      _final_body,
      in_specs=[
          full, full,
          pl.BlockSpec((2, 2, NR, 128), lambda: (0, 0, 0, 0)),
          pl.BlockSpec((2, D), lambda: (0, 0)),
          pl.BlockSpec((D, D), lambda: (0, 0)),
          pl.BlockSpec(memory_space=pltpu.SMEM),
          pl.BlockSpec(memory_space=pltpu.HBM),
      ],
      out_specs=pl.BlockSpec((2, D), lambda: (0, 0)),
      out_shape=jax.ShapeDtypeStruct((2, D), jnp.float32),
      scratch_shapes=[
          pltpu.VMEM((2 * K + 2, D), jnp.float32),
          pltpu.SemaphoreType.DMA,
      ],
  )(sh, st, hist4, wsum, W_emb, centers, node_feat)


def kernel(embed, node_feat, head_neighbors, tail_neighbors, head, tail,
           W1, b1, W2, b2, W_emb):
  centers = jnp.stack([head, tail]).astype(jnp.int32)
  hn2 = head_neighbors.reshape(M // 128, 128)
  tn2 = tail_neighbors.reshape(M // 128, 128)

  hist = _hist_kernel(hn2, tn2)
  hist4 = hist.reshape(2, 2, NR, 128)

  sh, st = _scores(embed, W1, b1.reshape(H, 1), W2, centers)
  wsum = _wsum(node_feat, hist)

  out = _final(sh.reshape(NR, 128), st.reshape(NR, 128),
               hist4, wsum, W_emb, centers, node_feat)
  return out

# --- scband reference (transcript-rebuilt; emitter-appended) ---
"""Pipeline reference for scband-pgexplainer-55078660604627 (READ-ONLY COPY).

The authoritative reference and input builder live on the scoring server;
editing this copy changes nothing except your own understanding.
"""

import jax, jax.numpy as jnp
import numpy as np

N = 100000
D = 128
H = 64
M = 65536
K = 3


def setup_inputs(seed: int = 0) -> dict:
    key = jax.random.key(seed)
    ks = jax.random.split(key, 8)
    embed = jax.random.normal(ks[0], (N, D), dtype=jnp.float32)
    node_feat = jax.random.normal(ks[1], (N, D), dtype=jnp.float32)
    head_neighbors = jax.random.randint(ks[2], (M,), 0, N, dtype=jnp.int32)
    tail_neighbors = jax.random.randint(ks[3], (M,), 0, N, dtype=jnp.int32)
    # explainer MLP params: Linear(2*D -> H), ReLU, Linear(H -> 1)
    W1 = jax.random.normal(ks[4], (2 * D, H), dtype=jnp.float32) * 0.05
    b1 = jnp.zeros((H,), dtype=jnp.float32)
    W2 = jax.random.normal(ks[5], (H, 1), dtype=jnp.float32) * 0.05
    b2 = jnp.zeros((1,), dtype=jnp.float32)
    # simulated downstream GNN/model weight applied to masked features
    W_emb = jax.random.normal(ks[6], (D, D), dtype=jnp.float32) * (1.0 / np.sqrt(D))
    return {
        'embed': embed,
        'node_feat': node_feat,
        'head_neighbors': head_neighbors,
        'tail_neighbors': tail_neighbors,
        'head': 1234,
        'tail': 5678,
        'W1': W1,
        'b1': b1,
        'W2': W2,
        'b2': b2,
        'W_emb': W_emb,
    }


def reference(embed, node_feat, head_neighbors, tail_neighbors, head, tail, W1, b1, W2, b2, W_emb):
    # explainer MLP scores each (anchor, neighbor) pair via concatenated embeddings
    def mlp(e):
        h = jax.nn.relu(e @ W1 + b1)
        return (h @ W2 + b2)[:, 0]

    def select_topk(center, neigh):
        ce = jnp.broadcast_to(embed[center], (neigh.shape[0], D))
        ne = jnp.take(embed, neigh, axis=0)
        scores = mlp(jnp.concatenate([ce, ne], axis=-1))
        _, idx = jax.lax.top_k(scores, K)
        return jnp.take(neigh, idx)

    sel_h = select_topk(head, head_neighbors)
    sel_t = select_topk(tail, tail_neighbors)

    # mask (zero out) features of top-k selected nodes, like mask_node_dict[key][mask] = 0
    masked = node_feat.at[sel_h].set(0.0)
    masked = masked.at[sel_t].set(0.0)

    # recompute embeddings with masked features (simulated 1-layer message passing model)
    def embed_node(center, neigh):
        agg = jnp.mean(jnp.take(masked, neigh, axis=0), axis=0)
        return (masked[center] + agg) @ W_emb

    head_emb = embed_node(head, head_neighbors)
    tail_emb = embed_node(tail, tail_neighbors)
    return jnp.stack([head_emb, tail_emb], axis=0)

if __name__ == "__main__":
    import jax
    _d = setup_inputs()
    print(jax.jit(kernel)(*tuple(_d.values())))

</pallas_src>

<mosaic_0001>
#map = affine_map<(d0, d1) -> (0, 0)>
#map1 = affine_map<(d0, d1) -> (0, 0, 0)>
module attributes {stable_mosaic.version = 14 : i64} {
  func.func @_hist_body(%arg0: i32, %arg1: i32, %arg2: memref<512x128xi32, #tpu.memory_space<hbm>>, %arg3: memref<512x128xi32, #tpu.memory_space<hbm>>, %arg4: memref<2x2x102400xf32, #tpu.memory_space<hbm>>, %arg5: memref<16x128xi32, #tpu.memory_space<vmem>>, %arg6: memref<16x128xi32, #tpu.memory_space<vmem>>, %arg7: memref<128xf32, #tpu.memory_space<vmem>>, %arg8: memref<2048xf32, #tpu.memory_space<vmem>>, %arg9: memref<102400xf32, #tpu.memory_space<vmem_shared>>, %arg10: memref<102400xf32, #tpu.memory_space<vmem_shared>>, %arg11: memref<!tpu.dma_semaphore, #tpu.memory_space<semaphore_mem>>) attributes {dimension_semantics = [#tpu.dimension_semantics<core_parallel>, #tpu.dimension_semantics<subcore_parallel>], iteration_bounds = array<i64: 2, 16>, scalar_prefetch = 0 : i64, scratch_operands = 7 : i64, tpu.core_type = #tpu.core_type<sc_vector_subcore>, window_params = [{transform_indices = #map}, {transform_indices = #map}, {transform_indices = #map1}]} {
    %mul3A = arith.constant 16 : i32
    %mul3A_0 = arith.muli %arg0, %mul3A : i32
    %add3A = arith.addi %mul3A_0, %arg1 : i32
    %broadcast_in_dim3A = arith.constant 1.000000e+00 : f32
    %broadcast_in_dim3A_1 = vector.broadcast %broadcast_in_dim3A : f32 to vector<16xf32>
    %swap3A = arith.constant 0 : index
    %swap3A_2 = tpu.vector_load %arg7[%swap3A] {strides = array<i32>} : memref<128xf32, #tpu.memory_space<vmem>>, vector<16xf32>,
    %swap3A_3 = vector.shape_cast %swap3A_2 : vector<16xf32> to vector<16xf32>
    %swap3A_4 = vector.shape_cast %broadcast_in_dim3A_1 : vector<16xf32> to vector<16xf32>
    tpu.vector_store %arg7[%swap3A], %swap3A_4 {strides = array<i32>} : memref<128xf32, #tpu.memory_space<vmem>>, vector<16xf32>,
    %broadcast_in_dim3A_5 = arith.constant 1.000000e+00 : f32
    %broadcast_in_dim3A_6 = vector.broadcast %broadcast_in_dim3A_5 : f32 to vector<16xf32>
    %swap3A_7 = arith.constant 16 : index
    %swap3A_8 = tpu.vector_load %arg7[%swap3A_7] {strides = array<i32>} : memref<128xf32, #tpu.memory_space<vmem>>, vector<16xf32>,
    %swap3A_9 = vector.shape_cast %swap3A_8 : vector<16xf32> to vector<16xf32>
    %swap3A_10 = vector.shape_cast %broadcast_in_dim3A_6 : vector<16xf32> to vector<16xf32>
    tpu.vector_store %arg7[%swap3A_7], %swap3A_10 {strides = array<i32>} : memref<128xf32, #tpu.memory_space<vmem>>, vector<16xf32>,
    %broadcast_in_dim3A_11 = arith.constant 1.000000e+00 : f32
    %broadcast_in_dim3A_12 = vector.broadcast %broadcast_in_dim3A_11 : f32 to vector<16xf32>
    %swap3A_13 = arith.constant 32 : index
    %swap3A_14 = tpu.vector_load %arg7[%swap3A_13] {strides = array<i32>} : memref<128xf32, #tpu.memory_space<vmem>>, vector<16xf32>,
    %swap3A_15 = vector.shape_cast %swap3A_14 : vector<16xf32> to vector<16xf32>
    %swap3A_16 = vector.shape_cast %broadcast_in_dim3A_12 : vector<16xf32> to vector<16xf32>
    tpu.vector_store %arg7[%swap3A_13], %swap3A_16 {strides = array<i32>} : memref<128xf32, #tpu.memory_space<vmem>>, vector<16xf32>,
    %broadcast_in_dim3A_17 = arith.constant 1.000000e+00 : f32
    %broadcast_in_dim3A_18 = vector.broadcast %broadcast_in_dim3A_17 : f32 to vector<16xf32>
    %swap3A_19 = arith.constant 48 : index
    %swap3A_20 = tpu.vector_load %arg7[%swap3A_19] {strides = array<i32>} : memref<128xf32, #tpu.memory_space<vmem>>, vector<16xf32>,
    %swap3A_21 = vector.shape_cast %swap3A_20 : vector<16xf32> to vector<16xf32>
    %swap3A_22 = vector.shape_cast %broadcast_in_dim3A_18 : vector<16xf32> to vector<16xf32>
    tpu.vector_store %arg7[%swap3A_19], %swap3A_22 {strides = array<i32>} : memref<128xf32, #tpu.memory_space<vmem>>, vector<16xf32>,
    %broadcast_in_dim3A_23 = arith.constant 1.000000e+00 : f32
    %broadcast_in_dim3A_24 = vector.broadcast %broadcast_in_dim3A_23 : f32 to vector<16xf32>
    %swap3A_25 = arith.constant 64 : index
    %swap3A_26 = tpu.vector_load %arg7[%swap3A_25] {strides = array<i32>} : memref<128xf32, #tpu.memory_space<vmem>>, vector<16xf32>,
    %swap3A_27 = vector.shape_cast %swap3A_26 : vector<16xf32> to vector<16xf32>
    %swap3A_28 = vector.shape_cast %broadcast_in_dim3A_24 : vector<16xf32> to vector<16xf32>
    tpu.vector_store %arg7[%swap3A_25], %swap3A_28 {strides = array<i32>} : memref<128xf32, #tpu.memory_space<vmem>>, vector<16xf32>,
    %broadcast_in_dim3A_29 = arith.constant 1.000000e+00 : f32
    %broadcast_in_dim3A_30 = vector.broadcast %broadcast_in_dim3A_29 : f32 to vector<16xf32>
    %swap3A_31 = arith.constant 80 : index
    %swap3A_32 = tpu.vector_load %arg7[%swap3A_31] {strides = array<i32>} : memref<128xf32, #tpu.memory_space<vmem>>, vector<16xf32>,
    %swap3A_33 = vector.shape_cast %swap3A_32 : vector<16xf32> to vector<16xf32>
    %swap3A_34 = vector.shape_cast %broadcast_in_dim3A_30 : vector<16xf32> to vector<16xf32>
    tpu.vector_store %arg7[%swap3A_31], %swap3A_34 {strides = array<i32>} : memref<128xf32, #tpu.memory_space<vmem>>, vector<16xf32>,
    %broadcast_in_dim3A_35 = arith.constant 1.000000e+00 : f32
    %broadcast_in_dim3A_36 = vector.broadcast %broadcast_in_dim3A_35 : f32 to vector<16xf32>
    %swap3A_37 = arith.constant 96 : index
    %swap3A_38 = tpu.vector_load %arg7[%swap3A_37] {strides = array<i32>} : memref<128xf32, #tpu.memory_space<vmem>>, vector<16xf32>,
    %swap3A_39 = vector.shape_cast %swap3A_38 : vector<16xf32> to vector<16xf32>
    %swap3A_40 = vector.shape_cast %broadcast_in_dim3A_36 : vector<16xf32> to vector<16xf32>
    tpu.vector_store %arg7[%swap3A_37], %swap3A_40 {strides = array<i32>} : memref<128xf32, #tpu.memory_space<vmem>>, vector<16xf32>,
    %broadcast_in_dim3A_41 = arith.constant 1.000000e+00 : f32
    %broadcast_in_dim3A_42 = vector.broadcast %broadcast_in_dim3A_41 : f32 to vector<16xf32>
    %swap3A_43 = arith.constant 112 : index
    %swap3A_44 = tpu.vector_load %arg7[%swap3A_43] {strides = array<i32>} : memref<128xf32, #tpu.memory_space<vmem>>, vector<16xf32>,
    %swap3A_45 = vector.shape_cast %swap3A_44 : vector<16xf32> to vector<16xf32>
    %swap3A_46 = vector.shape_cast %broadcast_in_dim3A_42 : vector<16xf32> to vector<16xf32>
    tpu.vector_store %arg7[%swap3A_43], %swap3A_46 {strides = array<i32>} : memref<128xf32, #tpu.memory_space<vmem>>, vector<16xf32>,
    %broadcast_in_dim3A_47 = arith.constant 0.000000e+00 : f32
    %broadcast_in_dim3A_48 = vector.broadcast %broadcast_in_dim3A_47 : f32 to vector<16xf32>
    %swap3A_49 = arith.constant 0 : index
    %swap3A_50 = tpu.vector_load %arg8[%swap3A_49] {strides = array<i32>} : memref<2048xf32, #tpu.memory_space<vmem>>, vector<16xf32>,
    %swap3A_51 = vector.shape_cast %swap3A_50 : vector<16xf32> to vector<16xf32>
    %swap3A_52 = vector.shape_cast %broadcast_in_dim3A_48 : vector<16xf32> to vector<16xf32>
    tpu.vector_store %arg8[%swap3A_49], %swap3A_52 {strides = array<i32>} : memref<2048xf32, #tpu.memory_space<vmem>>, vector<16xf32>,
    %broadcast_in_dim3A_53 = arith.constant 0.000000e+00 : f32
    %broadcast_in_dim3A_54 = vector.broadcast %broadcast_in_dim3A_53 : f32 to vector<16xf32>
    %swap3A_55 = arith.constant 16 : index
    %swap3A_56 = tpu.vector_load %arg8[%swap3A_55] {strides = array<i32>} : memref<2048xf32, #tpu.memory_space<vmem>>, vector<16xf32>,
    %swap3A_57 = vector.shape_cast %swap3A_56 : vector<16xf32> to vector<16xf32>
    %swap3A_58 = vector.shape_cast %broadcast_in_dim3A_54 : vector<16xf32> to vector<16xf32>
    tpu.vector_store %arg8[%swap3A_55], %swap3A_58 {strides = array<i32>} : memref<2048xf32, #tpu.memory_space<vmem>>, vector<16xf32>,
    %broadcast_in_dim3A_59 = arith.constant 0.000000e+00 : f32
    %broadcast_in_dim3A_60 = vector.broadcast %broadcast_in_dim3A_59 : f32 to vector<16xf32>
    %swap3A_61 = arith.constant 32 : index
    %swap3A_62 = tpu.vector_load %arg8[%swap3A_61] {strides = array<i32>} : memref<2048xf32, #tpu.memory_space<vmem>>, vector<16xf32>,
    %swap3A_63 = vector.shape_cast %swap3A_62 : vector<16xf32> to vector<16xf32>
    %swap3A_64 = vector.shape_cast %broadcast_in_dim3A_60 : vector<16xf32> to vector<16xf32>
    tpu.vector_store %arg8[%swap3A_61], %swap3A_64 {strides = array<i32>} : memref<2048xf32, #tpu.memory_space<vmem>>, vector<16xf32>,
    %broadcast_in_dim3A_65 = arith.constant 0.000000e+00 : f32
    %broadcast_in_dim3A_66 = vector.broadcast %broadcast_in_dim3A_65 : f32 to vector<16xf32>
    %swap3A_67 = arith.constant 48 : index
    %swap3A_68 = tpu.vector_load %arg8[%swap3A_67] {strides = array<i32>} : memref<2048xf32, #tpu.memory_space<vmem>>, vector<16xf32>,
    %swap3A_69 = vector.shape_cast %swap3A_68 : vector<16xf32> to vector<16xf32>
    %swap3A_70 = vector.shape_cast %broadcast_in_dim3A_66 : vector<16xf32> to vector<16xf32>
    tpu.vector_store %arg8[%swap3A_67], %swap3A_70 {strides = array<i32>} : memref<2048xf32, #tpu.memory_space<vmem>>, vector<16xf32>,
    %broadcast_in_dim3A_71 = arith.constant 0.000000e+00 : f32
    %broadcast_in_dim3A_72 = vector.broadcast %broadcast_in_dim3A_71 : f32 to vector<16xf32>
    %swap3A_73 = arith.constant 64 : index
    %swap3A_74 = tpu.vector_load %arg8[%swap3A_73] {strides = array<i32>} : memref<2048xf32, #tpu.memory_space<vmem>>, vector<16xf32>,
    %swap3A_75 = vector.shape_cast %swap3A_74 : vector<16xf32> to vector<16xf32>
    %swap3A_76 = vector.shape_cast %broadcast_in_dim3A_72 : vector<16xf32> to vector<16xf32>
    tpu.vector_store %arg8[%swap3A_73], %swap3A_76 {strides = array<i32>} : memref<2048xf32, #tpu.memory_space<vmem>>, vector<16xf32>,
    %broadcast_in_dim3A_77 = arith.constant 0.000000e+00 : f32
    %broadcast_in_dim3A_78 = vector.broadcast %broadcast_in_dim3A_77 : f32 to vector<16xf32>
    %swap3A_79 = arith.constant 80 : index
    %swap3A_80 = tpu.vector_load %arg8[%swap3A_79] {strides = array<i32>} : memref<2048xf32, #tpu.memory_space<vmem>>, vector<16xf32>,
    %swap3A_81 = vector.shape_cast %swap3A_80 : vector<16xf32> to vector<16xf32>
    %swap3A_82 = vector.shape_cast %broadcast_in_dim3A_78 : vector<16xf32> to vector<16xf32>
    tpu.vector_store %arg8[%swap3A_79], %swap3A_82 {strides = array<i32>} : memref<2048xf32, #tpu.memory_space<vmem>>, vector<16xf32>,
    %broadcast_in_dim3A_83 = arith.constant 0.000000e+00 : f32
    %broadcast_in_dim3A_84 = vector.broadcast %broadcast_in_dim3A_83 : f32 to vector<16xf32>
    %swap3A_85 = arith.constant 96 : index
    %swap3A_86 = tpu.vector_load %arg8[%swap3A_85] {strides = array<i32>} : memref<2048xf32, #tpu.memory_space<vmem>>, vector<16xf32>,
    %swap3A_87 = vector.shape_cast %swap3A_86 : vector<16xf32> to vector<16xf32>
    %swap3A_88 = vector.shape_cast %broadcast_in_dim3A_84 : vector<16xf32> to vector<16xf32>
    tpu.vector_store %arg8[%swap3A_85], %swap3A_88 {strides = array<i32>} : memref<2048xf32, #tpu.memory_space<vmem>>, vector<16xf32>,
    %broadcast_in_dim3A_89 = arith.constant 0.000000e+00 : f32
    %broadcast_in_dim3A_90 = vector.broadcast %broadcast_in_dim3A_89 : f32 to vector<16xf32>
    %swap3A_91 = arith.constant 112 : index
    %swap3A_92 = tpu.vector_load %arg8[%swap3A_91] {strides = array<i32>} : memref<2048xf32, #tpu.memory_space<vmem>>, vector<16xf32>,
    %swap3A_93 = vector.shape_cast %swap3A_92 : vector<16xf32> to vector<16xf32>
    %swap3A_94 = vector.shape_cast %broadcast_in_dim3A_90 : vector<16xf32> to vector<16xf32>
    tpu.vector_store %arg8[%swap3A_91], %swap3A_94 {strides = array<i32>} : memref<2048xf32, #tpu.memory_space<vmem>>, vector<16xf32>,
    %broadcast_in_dim3A_95 = arith.constant 0.000000e+00 : f32
    %broadcast_in_dim3A_96 = vector.broadcast %broadcast_in_dim3A_95 : f32 to vector<16xf32>
    %swap3A_97 = arith.constant 128 : index
    %swap3A_98 = tpu.vector_load %arg8[%swap3A_97] {strides = array<i32>} : memref<2048xf32, #tpu.memory_space<vmem>>, vector<16xf32>,
    %swap3A_99 = vector.shape_cast %swap3A_98 : vector<16xf32> to vector<16xf32>
    %swap3A_100 = vector.shape_cast %broadcast_in_dim3A_96 : vector<16xf32> to vector<16xf32>
    tpu.vector_store %arg8[%swap3A_97], %swap3A_100 {strides = array<i32>} : memref<2048xf32, #tpu.memory_space<vmem>>, vector<16xf32>,
    %broadcast_in_dim3A_101 = arith.constant 0.000000e+00 : f32
    %broadcast_in_dim3A_102 = vector.broadcast %broadcast_in_dim3A_101 : f32 to vector<16xf32>
    %swap3A_103 = arith.constant 144 : index
    %swap3A_104 = tpu.vector_load %arg8[%swap3A_103] {strides = array<i32>} : memref<2048xf32, #tpu.memory_space<vmem>>, vector<16xf32>,
    %swap3A_105 = vector.shape_cast %swap3A_104 : vector<16xf32> to vector<16xf32>
    %swap3A_106 = vector.shape_cast %broadcast_in_dim3A_102 : vector<16xf32> to vector<16xf32>
    tpu.vector_store %arg8[%swap3A_103], %swap3A_106 {strides = array<i32>} : memref<2048xf32, #tpu.memory_space<vmem>>, vector<16xf32>,
    %broadcast_in_dim3A_107 = arith.constant 0.000000e+00 : f32
    %broadcast_in_dim3A_108 = vector.broadcast %broadcast_in_dim3A_107 : f32 to vector<16xf32>
    %swap3A_109 = arith.constant 160 : index
    %swap3A_110 = tpu.vector_load %arg8[%swap3A_109] {strides = array<i32>} : memref<2048xf32, #tpu.memory_space<vmem>>, vector<16xf32>,
    %swap3A_111 = vector.shape_cast %swap3A_110 : vector<16xf32> to vector<16xf32>
    %swap3A_112 = vector.shape_cast %broadcast_in_dim3A_108 : vector<16xf32> to vector<16xf32>
    tpu.vector_store %arg8[%swap3A_109], %swap3A_112 {strides = array<i32>} : memref<2048xf32, #tpu.memory_space<vmem>>, vector<16xf32>,
    %broadcast_in_dim3A_113 = arith.constant 0.000000e+00 : f32
    %broadcast_in_dim3A_114 = vector.broadcast %broadcast_in_dim3A_113 : f32 to vector<16xf32>
    %swap3A_115 = arith.constant 176 : index
    %swap3A_116 = tpu.vector_load %arg8[%swap3A_115] {strides = array<i32>} : memref<2048xf32, #tpu.memory_space<vmem>>, vector<16xf32>,
    %swap3A_117 = vector.shape_cast %swap3A_116 : vector<16xf32> to vector<16xf32>
    %swap3A_118 = vector.shape_cast %broadcast_in_dim3A_114 : vector<16xf32> to vector<16xf32>
    tpu.vector_store %arg8[%swap3A_115], %swap3A_118 {strides = array<i32>} : memref<2048xf32, #tpu.memory_space<vmem>>, vector<16xf32>,
    %broadcast_in_dim3A_119 = arith.constant 0.000000e+00 : f32
    %broadcast_in_dim3A_120 = vector.broadcast %broadcast_in_dim3A_119 : f32 to vector<16xf32>
    %swap3A_121 = arith.constant 192 : index
    %swap3A_122 = tpu.vector_load %arg8[%swap3A_121] {strides = array<i32>} : memref<2048xf32, #tpu.memory_space<vmem>>, vector<16xf32>,
    %swap3A_123 = vector.shape_cast %swap3A_122 : vector<16xf32> to vector<16xf32>
    %swap3A_124 = vector.shape_cast %broadcast_in_dim3A_120 : vector<16xf32> to vector<16xf32>
    tpu.vector_store %arg8[%swap3A_121], %swap3A_124 {strides = array<i32>} : memref<2048xf32, #tpu.memory_space<vmem>>, vector<16xf32>,
    %broadcast_in_dim3A_125 = arith.constant 0.000000e+00 : f32
    %broadcast_in_dim3A_126 = vector.broadcast %broadcast_in_dim3A_125 : f32 to vector<16xf32>
    %swap3A_127 = arith.constant 208 : index
    %swap3A_128 = tpu.vector_load %arg8[%swap3A_127] {strides = array<i32>} : memref<2048xf32, #tpu.memory_space<vmem>>, vector<16xf32>,
    %swap3A_129 = vector.shape_cast %swap3A_128 : vector<16xf32> to vector<16xf32>
    %swap3A_130 = vector.shape_cast %broadcast_in_dim3A_126 : vector<16xf32> to vector<16xf32>
    tpu.vector_store %arg8[%swap3A_127], %swap3A_130 {strides = array<i32>} : memref<2048xf32, #tpu.memory_space<vmem>>, vector<16xf32>,
    %broadcast_in_dim3A_131 = arith.constant 0.000000e+00 : f32
    %broadcast_in_dim3A_132 = vector.broadcast %broadcast_in_dim3A_131 : f32 to vector<16xf32>
    %swap3A_133 = arith.constant 224 : index
    %swap3A_134 = tpu.vector_load %arg8[%swap3A_133] {strides = array<i32>} : memref<2048xf32, #tpu.memory_space<vmem>>, vector<16xf32>,
    %swap3A_135 = vector.shape_cast %swap3A_134 : vector<16xf32> to vector<16xf32>
    %swap3A_136 = vector.shape_cast %broadcast_in_dim3A_132 : vector<16xf32> to vector<16xf32>
    tpu.vector_store %arg8[%swap3A_133], %swap3A_136 {strides = array<i32>} : memref<2048xf32, #tpu.memory_space<vmem>>, vector<16xf32>,
    %broadcast_in_dim3A_137 = arith.constant 0.000000e+00 : f32
    %broadcast_in_dim3A_138 = vector.broadcast %broadcast_in_dim3A_137 : f32 to vector<16xf32>
    %swap3A_139 = arith.constant 240 : index
    %swap3A_140 = tpu.vector_load %arg8[%swap3A_139] {strides = array<i32>} : memref<2048xf32, #tpu.memory_space<vmem>>, vector<16xf32>,
    %swap3A_141 = vector.shape_cast %swap3A_140 : vector<16xf32> to vector<16xf32>
    %swap3A_142 = vector.shape_cast %broadcast_in_dim3A_138 : vector<16xf32> to vector<16xf32>
    tpu.vector_store %arg8[%swap3A_139], %swap3A_142 {strides = array<i32>} : memref<2048xf32, #tpu.memory_space<vmem>>, vector<16xf32>,
    %broadcast_in_dim3A_143 = arith.constant 0.000000e+00 : f32
    %broadcast_in_dim3A_144 = vector.broadcast %broadcast_in_dim3A_143 : f32 to vector<16xf32>
    %swap3A_145 = arith.constant 256 : index
    %swap3A_146 = tpu.vector_load %arg8[%swap3A_145] {strides = array<i32>} : memref<2048xf32, #tpu.memory_space<vmem>>, vector<16xf32>,
    %swap3A_147 = vector.shape_cast %swap3A_146 : vector<16xf32> to vector<16xf32>
    %swap3A_148 = vector.shape_cast %broadcast_in_dim3A_144 : vector<16xf32> to vector<16xf32>
    tpu.vector_store %arg8[%swap3A_145], %swap3A_148 {strides = array<i32>} : memref<2048xf32, #tpu.memory_space<vmem>>, vector<16xf32>,
    %broadcast_in_dim3A_149 = arith.constant 0.000000e+00 : f32
    %broadcast_in_dim3A_150 = vector.broadcast %broadcast_in_dim3A_149 : f32 to vector<16xf32>
    %swap3A_151 = arith.constant 272 : index
    %swap3A_152 = tpu.vector_load %arg8[%swap3A_151] {strides = array<i32>} : memref<2048xf32, #tpu.memory_space<vmem>>, vector<16xf32>,
    %swap3A_153 = vector.shape_cast %swap3A_152 : vector<16xf32> to vector<16xf32>
    %swap3A_154 = vector.shape_cast %broadcast_in_dim3A_150 : vector<16xf32> to vector<16xf32>
    tpu.vector_store %arg8[%swap3A_151], %swap3A_154 {strides = array<i32>} : memref<2048xf32, #tpu.memory_space<vmem>>, vector<16xf32>,
    %broadcast_in_dim3A_155 = arith.constant 0.000000e+00 : f32
    %broadcast_in_dim3A_156 = vector.broadcast %broadcast_in_dim3A_155 : f32 to vector<16xf32>
    %swap3A_157 = arith.constant 288 : index
    %swap3A_158 = tpu.vector_load %arg8[%swap3A_157] {strides = array<i32>} : memref<2048xf32, #tpu.memory_space<vmem>>, vector<16xf32>,
    %swap3A_159 = vector.shape_cast %swap3A_158 : vector<16xf32> to vector<16xf32>
    %swap3A_160 = vector.shape_cast %broadcast_in_dim3A_156 : vector<16xf32> to vector<16xf32>
    tpu.vector_store %arg8[%swap3A_157], %swap3A_160 {strides = array<i32>} : memref<2048xf32, #tpu.memory_space<vmem>>, vector<16xf32>,
    %broadcast_in_dim3A_161 = arith.constant 0.000000e+00 : f32
    %broadcast_in_dim3A_162 = vector.broadcast %broadcast_in_dim3A_161 : f32 to vector<16xf32>
    %swap3A_163 = arith.constant 304 : index
    %swap3A_164 = tpu.vector_load %arg8[%swap3A_163] {strides = array<i32>} : memref<2048xf32, #tpu.memory_space<vmem>>, vector<16xf32>,
    %swap3A_165 = vector.shape_cast %swap3A_164 : vector<16xf32> to vector<16xf32>
    %swap3A_166 = vector.shape_cast %broadcast_in_dim3A_162 : vector<16xf32> to vector<16xf32>
    tpu.vector_store %arg8[%swap3A_163], %swap3A_166 {strides = array<i32>} : memref<2048xf32, #tpu.memory_space<vmem>>, vector<16xf32>,
    %broadcast_in_dim3A_167 = arith.constant 0.000000e+00 : f32
    %broadcast_in_dim3A_168 = vector.broadcast %broadcast_in_dim3A_167 : f32 to vector<16xf32>
    %swap3A_169 = arith.constant 320 : index
    %swap3A_170 = tpu.vector_load %arg8[%swap3A_169] {strides = array<i32>} : memref<2048xf32, #tpu.memory_space<vmem>>, vector<16xf32>,
    %swap3A_171 = vector.shape_cast %swap3A_170 : vector<16xf32> to vector<16xf32>
    %swap3A_172 = vector.shape_cast %broadcast_in_dim3A_168 : vector<16xf32> to vector<16xf32>
    tpu.vector_store %arg8[%swap3A_169], %swap3A_172 {strides = array<i32>} : memref<2048xf32, #tpu.memory_space<vmem>>, vector<16xf32>,
    %broadcast_in_dim3A_173 = arith.constant 0.000000e+00 : f32
    %broadcast_in_dim3A_174 = vector.broadcast %broadcast_in_dim3A_173 : f32 to vector<16xf32>
    %swap3A_175 = arith.constant 336 : index
    %swap3A_176 = tpu.vector_load %arg8[%swap3A_175] {strides = array<i32>} : memref<2048xf32, #tpu.memory_space<vmem>>, vector<16xf32>,
    %swap3A_177 = vector.shape_cast %swap3A_176 : vector<16xf32> to vector<16xf32>
    %swap3A_178 = vector.shape_cast %broadcast_in_dim3A_174 : vector<16xf32> to vector<16xf32>
    tpu.vector_store %arg8[%swap3A_175], %swap3A_178 {strides = array<i32>} : memref<2048xf32, #tpu.memory_space<vmem>>, vector<16xf32>,
    %broadcast_in_dim3A_179 = arith.constant 0.000000e+00 : f32
    %broadcast_in_dim3A_180 = vector.broadcast %broadcast_in_dim3A_179 : f32 to vector<16xf32>
    %swap3A_181 = arith.constant 352 : index
    %swap3A_182 = tpu.vector_load %arg8[%swap3A_181] {strides = array<i32>} : memref<2048xf32, #tpu.memory_space<vmem>>, vector<16xf32>,
    %swap3A_183 = vector.shape_cast %swap3A_182 : vector<16xf32> to vector<16xf32>
    %swap3A_184 = vector.shape_cast %broadcast_in_dim3A_180 : vector<16xf32> to vector<16xf32>
    tpu.vector_store %arg8[%swap3A_181], %swap3A_184 {strides = array<i32>} : memref<2048xf32, #tpu.memory_space<vmem>>, vector<16xf32>,
    %broadcast_in_dim3A_185 = arith.constant 0.000000e+00 : f32
    %broadcast_in_dim3A_186 = vector.broadcast %broadcast_in_dim3A_185 : f32 to vector<16xf32>
    %swap3A_187 = arith.constant 368 : index
    %swap3A_188 = tpu.vector_load %arg8[%swap3A_187] {strides = array<i32>} : memref<2048xf32, #tpu.memory_space<vmem>>, vector<16xf32>,
    %swap3A_189 = vector.shape_cast %swap3A_188 : vector<16xf32> to vector<16xf32>
    %swap3A_190 = vector.shape_cast %broadcast_in_dim3A_186 : vector<16xf32> to vector<16xf32>
    tpu.vector_store %arg8[%swap3A_187], %swap3A_190 {strides = array<i32>} : memref<2048xf32, #tpu.memory_space<vmem>>, vector<16xf32>,
    %broadcast_in_dim3A_191 = arith.constant 0.000000e+00 : f32
    %broadcast_in_dim3A_192 = vector.broadcast %broadcast_in_dim3A_191 : f32 to vector<16xf32>
    %swap3A_193 = arith.constant 384 : index
    %swap3A_194 = tpu.vector_load %arg8[%swap3A_193] {strides = array<i32>} : memref<2048xf32, #tpu.memory_space<vmem>>, vector<16xf32>,
    %swap3A_195 = vector.shape_cast %swap3A_194 : vector<16xf32> to vector<16xf32>
    %swap3A_196 = vector.shape_cast %broadcast_in_dim3A_192 : vector<16xf32> to vector<16xf32>
    tpu.vector_store %arg8[%swap3A_193], %swap3A_196 {strides = array<i32>} : memref<2048xf32, #tpu.memory_space<vmem>>, vector<16xf32>,
    %broadcast_in_dim3A_197 = arith.constant 0.000000e+00 : f32
    %broadcast_in_dim3A_198 = vector.broadcast %broadcast_in_dim3A_197 : f32 to vector<16xf32>
    %swap3A_199 = arith.constant 400 : index
    %swap3A_200 = tpu.vector_load %arg8[%swap3A_199] {strides = array<i32>} : memref<2048xf32, #tpu.memory_space<vmem>>, vector<16xf32>,
    %swap3A_201 = vector.shape_cast %swap3A_200 : vector<16xf32> to vector<16xf32>
    %swap3A_202 = vector.shape_cast %broadcast_in_dim3A_198 : vector<16xf32> to vector<16xf32>
    tpu.vector_store %arg8[%swap3A_199], %swap3A_202 {strides = array<i32>} : memref<2048xf32, #tpu.memory_space<vmem>>, vector<16xf32>,
    %broadcast_in_dim3A_203 = arith.constant 0.000000e+00 : f32
    %broadcast_in_dim3A_204 = vector.broadcast %broadcast_in_dim3A_203 : f32 to vector<16xf32>
    %swap3A_205 = arith.constant 416 : index
    %swap3A_206 = tpu.vector_load %arg8[%swap3A_205] {strides = array<i32>} : memref<2048xf32, #tpu.memory_space<vmem>>, vector<16xf32>,
    %swap3A_207 = vector.shape_cast %swap3A_206 : vector<16xf32> to vector<16xf32>
    %swap3A_208 = vector.shape_cast %broadcast_in_dim3A_204 : vector<16xf32> to vector<16xf32>
    tpu.vector_store %arg8[%swap3A_205], %swap3A_208 {strides = array<i32>} : memref<2048xf32, #tpu.memory_space<vmem>>, vector<16xf32>,
    %broadcast_in_dim3A_209 = arith.constant 0.000000e+00 : f32
    %broadcast_in_dim3A_210 = vector.broadcast %broadcast_in_dim3A_209 : f32 to vector<16xf32>
    %swap3A_211 = arith.constant 432 : index
    %swap3A_212 = tpu.vector_load %arg8[%swap3A_211] {strides = array<i32>} : memref<2048xf32, #tpu.memory_space<vmem>>, vector<16xf32>,
    %swap3A_213 = vector.shape_cast %swap3A_212 : vector<16xf32> to vector<16xf32>
    %swap3A_214 = vector.shape_cast %broadcast_in_dim3A_210 : vector<16xf32> to vector<16xf32>
    tpu.vector_store %arg8[%swap3A_211], %swap3A_214 {strides = array<i32>} : memref<2048xf32, #tpu.memory_space<vmem>>, vector<16xf32>,
    %broadcast_in_dim3A_215 = arith.constant 0.000000e+00 : f32
    %broadcast_in_dim3A_216 = vector.broadcast %broadcast_in_dim3A_215 : f32 to vector<16xf32>
    %swap3A_217 = arith.constant 448 : index
    %swap3A_218 = tpu.vector_load %arg8[%swap3A_217] {strides = array<i32>} : memref<2048xf32, #tpu.memory_space<vmem>>, vector<16xf32>,
    %swap3A_219 = vector.shape_cast %swap3A_218 : vector<16xf32> to vector<16xf32>
    %swap3A_220 = vector.shape_cast %broadcast_in_dim3A_216 : vector<16xf32> to vector<16xf32>
    tpu.vector_store %arg8[%swap3A_217], %swap3A_220 {strides = array<i32>} : memref<2048xf32, #tpu.memory_space<vmem>>, vector<16xf32>,
    %broadcast_in_dim3A_221 = arith.constant 0.000000e+00 : f32
    %broadcast_in_dim3A_222 = vector.broadcast %broadcast_in_dim3A_221 : f32 to vector<16xf32>
    %swap3A_223 = arith.constant 464 : index
    %swap3A_224 = tpu.vector_load %arg8[%swap3A_223] {strides = array<i32>} : memref<2048xf32, #tpu.memory_space<vmem>>, vector<16xf32>,
    %swap3A_225 = vector.shape_cast %swap3A_224 : vector<16xf32> to vector<16xf32>
    %swap3A_226 = vector.shape_cast %broadcast_in_dim3A_222 : vector<16xf32> to vector<16xf32>
    tpu.vector_store %arg8[%swap3A_223], %swap3A_226 {strides = array<i32>} : memref<2048xf32, #tpu.memory_space<vmem>>, vector<16xf32>,
    %broadcast_in_dim3A_227 = arith.constant 0.000000e+00 : f32
    %broadcast_in_dim3A_228 = vector.broadcast %broadcast_in_dim3A_227 : f32 to vector<16xf32>
    %swap3A_229 = arith.constant 480 : index
    %swap3A_230 = tpu.vector_load %arg8[%swap3A_229] {strides = array<i32>} : memref<2048xf32, #tpu.memory_space<vmem>>, vector<16xf32>,
    %swap3A_231 = vector.shape_cast %swap3A_230 : vector<16xf32> to vector<16xf32>
    %swap3A_232 = vector.shape_cast %broadcast_in_dim3A_228 : vector<16xf32> to vector<16xf32>
    tpu.vector_store %arg8[%swap3A_229], %swap3A_232 {strides = array<i32>} : memref<2048xf32, #tpu.memory_space<vmem>>, vector<16xf32>,
    %broadcast_in_dim3A_233 = arith.constant 0.000000e+00 : f32
    %broadcast_in_dim3A_234 = vector.broadcast %broadcast_in_dim3A_233 : f32 to vector<16xf32>
    %swap3A_235 = arith.constant 496 : index
    %swap3A_236 = tpu.vector_load %arg8[%swap3A_235] {strides = array<i32>} : memref<2048xf32, #tpu.memory_space<vmem>>, vector<16xf32>,
    %swap3A_237 = vector.shape_cast %swap3A_236 : vector<16xf32> to vector<16xf32>
    %swap3A_238 = vector.shape_cast %broadcast_in_dim3A_234 : vector<16xf32> to vector<16xf32>
    tpu.vector_store %arg8[%swap3A_235], %swap3A_238 {strides = array<i32>} : memref<2048xf32, #tpu.memory_space<vmem>>, vector<16xf32>,
    %broadcast_in_dim3A_239 = arith.constant 0.000000e+00 : f32
    %broadcast_in_dim3A_240 = vector.broadcast %broadcast_in_dim3A_239 : f32 to vector<16xf32>
    %swap3A_241 = arith.constant 512 : index
    %swap3A_242 = tpu.vector_load %arg8[%swap3A_241] {strides = array<i32>} : memref<2048xf32, #tpu.memory_space<vmem>>, vector<16xf32>,
    %swap3A_243 = vector.shape_cast %swap3A_242 : vector<16xf32> to vector<16xf32>
    %swap3A_244 = vector.shape_cast %broadcast_in_dim3A_240 : vector<16xf32> to vector<16xf32>
    tpu.vector_store %arg8[%swap3A_241], %swap3A_244 {strides = array<i32>} : memref<2048xf32, #tpu.memory_space<vmem>>, vector<16xf32>,
    %broadcast_in_dim3A_245 = arith.constant 0.000000e+00 : f32
    %broadcast_in_dim3A_246 = vector.broadcast %broadcast_in_dim3A_245 : f32 to vector<16xf32>
    %swap3A_247 = arith.constant 528 : index
    %swap3A_248 = tpu.vector_load %arg8[%swap3A_247] {strides = array<i32>} : memref<2048xf32, #tpu.memory_space<vmem>>, vector<16xf32>,
    %swap3A_249 = vector.shape_cast %swap3A_248 : vector<16xf32> to vector<16xf32>
    %swap3A_250 = vector.shape_cast %broadcast_in_dim3A_246 : vector<16xf32> to vector<16xf32>
    tpu.vector_store %arg8[%swap3A_247], %swap3A_250 {strides = array<i32>} : memref<2048xf32, #tpu.memory_space<vmem>>, vector<16xf32>,
    %broadcast_in_dim3A_251 = arith.constant 0.000000e+00 : f32
    %broadcast_in_dim3A_252 = vector.broadcast %broadcast_in_dim3A_251 : f32 to vector<16xf32>
    %swap3A_253 = arith.constant 544 : index
    %swap3A_254 = tpu.vector_load %arg8[%swap3A_253] {strides = array<i32>} : memref<2048xf32, #tpu.memory_space<vmem>>, vector<16xf32>,
    %swap3A_255 = vector.shape_cast %swap3A_254 : vector<16xf32> to vector<16xf32>
    %swap3A_256 = vector.shape_cast %broadcast_in_dim3A_252 : vector<16xf32> to vector<16xf32>
    tpu.vector_store %arg8[%swap3A_253], %swap3A_256 {strides = array<i32>} : memref<2048xf32, #tpu.memory_space<vmem>>, vector<16xf32>,
    %broadcast_in_dim3A_257 = arith.constant 0.000000e+00 : f32
    %broadcast_in_dim3A_258 = vector.broadcast %broadcast_in_dim3A_257 : f32 to vector<16xf32>
    %swap3A_259 = arith.constant 560 : index
    %swap3A_260 = tpu.vector_load %arg8[%swap3A_259] {strides = array<i32>} : memref<2048xf32, #tpu.memory_space<vmem>>, vector<16xf32>,
    %swap3A_261 = vector.shape_cast %swap3A_260 : vector<16xf32> to vector<16xf32>
    %swap3A_262 = vector.shape_cast %broadcast_in_dim3A_258 : vector<16xf32> to vector<16xf32>
    tpu.vector_store %arg8[%swap3A_259], %swap3A_262 {strides = array<i32>} : memref<2048xf32, #tpu.memory_space<vmem>>, vector<16xf32>,
    %broadcast_in_dim3A_263 = arith.constant 0.000000e+00 : f32
    %broadcast_in_dim3A_264 = vector.broadcast %broadcast_in_dim3A_263 : f32 to vector<16xf32>
    %swap3A_265 = arith.constant 576 : index
    %swap3A_266 = tpu.vector_load %arg8[%swap3A_265] {strides = array<i32>} : memref<2048xf32, #tpu.memory_space<vmem>>, vector<16xf32>,
    %swap3A_267 = vector.shape_cast %swap3A_266 : vector<16xf32> to vector<16xf32>
    %swap3A_268 = vector.shape_cast %broadcast_in_dim3A_264 : vector<16xf32> to vector<16xf32>
    tpu.vector_store %arg8[%swap3A_265], %swap3A_268 {strides = array<i32>} : memref<2048xf32, #tpu.memory_space<vmem>>, vector<16xf32>,
    %broadcast_in_dim3A_269 = arith.constant 0.000000e+00 : f32
    %broadcast_in_dim3A_270 = vector.broadcast %broadcast_in_dim3A_269 : f32 to vector<16xf32>
    %swap3A_271 = arith.constant 592 : index
    %swap3A_272 = tpu.vector_load %arg8[%swap3A_271] {strides = array<i32>} : memref<2048xf32, #tpu.memory_space<vmem>>, vector<16xf32>,
    %swap3A_273 = vector.shape_cast %swap3A_272 : vector<16xf32> to vector<16xf32>
    %swap3A_274 = vector.shape_cast %broadcast_in_dim3A_270 : vector<16xf32> to vector<16xf32>
    tpu.vector_store %arg8[%swap3A_271], %swap3A_274 {strides = array<i32>} : memref<2048xf32, #tpu.memory_space<vmem>>, vector<16xf32>,
    %broadcast_in_dim3A_275 = arith.constant 0.000000e+00 : f32
    %broadcast_in_dim3A_276 = vector.broadcast %broadcast_in_dim3A_275 : f32 to vector<16xf32>
    %swap3A_277 = arith.constant 608 : index
    %swap3A_278 = tpu.vector_load %arg8[%swap3A_277] {strides = array<i32>} : memref<2048xf32, #tpu.memory_space<vmem>>, vector<16xf32>,
    %swap3A_279 = vector.shape_cast %swap3A_278 : vector<16xf32> to vector<16xf32>
    %swap3A_280 = vector.shape_cast %broadcast_in_dim3A_276 : vector<16xf32> to vector<16xf32>
    tpu.vector_store %arg8[%swap3A_277], %swap3A_280 {strides = array<i32>} : memref<2048xf32, #tpu.memory_space<vmem>>, vector<16xf32>,
    %broadcast_in_dim3A_281 = arith.constant 0.000000e+00 : f32
    %broadcast_in_dim3A_282 = vector.broadcast %broadcast_in_dim3A_281 : f32 to vector<16xf32>
    %swap3A_283 = arith.constant 624 : index
    %swap3A_284 = tpu.vector_load %arg8[%swap3A_283] {strides = array<i32>} : memref<2048xf32, #tpu.memory_space<vmem>>, vector<16xf32>,
    %swap3A_285 = vector.shape_cast %swap3A_284 : vector<16xf32> to vector<16xf32>
    %swap3A_286 = vector.shape_cast %broadcast_in_dim3A_282 : vector<16xf32> to vector<16xf32>
    tpu.vector_store %arg8[%swap3A_283], %swap3A_286 {strides = array<i32>} : memref<2048xf32, #tpu.memory_space<vmem>>, vector<16xf32>,
    %broadcast_in_dim3A_287 = arith.constant 0.000000e+00 : f32
    %broadcast_in_dim3A_288 = vector.broadcast %broadcast_in_dim3A_287 : f32 to vector<16xf32>
    %swap3A_289 = arith.constant 640 : index
    %swap3A_290 = tpu.vector_load %arg8[%swap3A_289] {strides = array<i32>} : memref<2048xf32, #tpu.memory_space<vmem>>, vector<16xf32>,
    %swap3A_291 = vector.shape_cast %swap3A_290 : vector<16xf32> to vector<16xf32>
    %swap3A_292 = vector.shape_cast %broadcast_in_dim3A_288 : vector<16xf32> to vector<16xf32>
    tpu.vector_store %arg8[%swap3A_289], %swap3A_292 {strides = array<i32>} : memref<2048xf32, #tpu.memory_space<vmem>>, vector<16xf32>,
    %broadcast_in_dim3A_293 = arith.constant 0.000000e+00 : f32
    %broadcast_in_dim3A_294 = vector.broadcast %broadcast_in_dim3A_293 : f32 to vector<16xf32>
    %swap3A_295 = arith.constant 656 : index
    %swap3A_296 = tpu.vector_load %arg8[%swap3A_295] {strides = array<i32>} : memref<2048xf32, #tpu.memory_space<vmem>>, vector<16xf32>,
    %swap3A_297 = vector.shape_cast %swap3A_296 : vector<16xf32> to vector<16xf32>
    %swap3A_298 = vector.shape_cast %broadcast_in_dim3A_294 : vector<16xf32> to vector<16xf32>
    tpu.vector_store %arg8[%swap3A_295], %swap3A_298 {strides = array<i32>} : memref<2048xf32, #tpu.memory_space<vmem>>, vector<16xf32>,
    %broadcast_in_dim3A_299 = arith.constant 0.000000e+00 : f32
    %broadcast_in_dim3A_300 = vector.broadcast %broadcast_in_dim3A_299 : f32 to vector<16xf32>
    %swap3A_301 = arith.constant 672 : index
    %swap3A_302 = tpu.vector_load %arg8[%swap3A_301] {strides = array<i32>} : memref<2048xf32, #tpu.memory_space<vmem>>, vector<16xf32>,
    %swap3A_303 = vector.shape_cast %swap3A_302 : vector<16xf32> to vector<16xf32>
    %swap3A_304 = vector.shape_cast %broadcast_in_dim3A_300 : vector<16xf32> to vector<16xf32>
    tpu.vector_store %arg8[%swap3A_301], %swap3A_304 {strides = array<i32>} : memref<2048xf32, #tpu.memory_space<vmem>>, vector<16xf32>,
    %broadcast_in_dim3A_305 = arith.constant 0.000000e+00 : f32
    %broadcast_in_dim3A_306 = vector.broadcast %broadcast_in_dim3A_305 : f32 to vector<16xf32>
    %swap3A_307 = arith.constant 688 : index
    %swap3A_308 = tpu.vector_load %arg8[%swap3A_307] {strides = array<i32>} : memref<2048xf32, #tpu.memory_space<vmem>>, vector<16xf32>,
    %swap3A_309 = vector.shape_cast %swap3A_308 : vector<16xf32> to vector<16xf32>
    %swap3A_310 = vector.shape_cast %broadcast_in_dim3A_306 : vector<16xf32> to vector<16xf32>
    tpu.vector_store %arg8[%swap3A_307], %swap3A_310 {strides = array<i32>} : memref<2048xf32, #tpu.memory_space<vmem>>, vector<16xf32>,
    %broadcast_in_dim3A_311 = arith.constant 0.000000e+00 : f32
    %broadcast_in_dim3A_312 = vector.broadcast %broadcast_in_dim3A_311 : f32 to vector<16xf32>
    %swap3A_313 = arith.constant 704 : index
    %swap3A_314 = tpu.vector_load %arg8[%swap3A_313] {strides = array<i32>} : memref<2048xf32, #tpu.memory_space<vmem>>, vector<16xf32>,
    %swap3A_315 = vector.shape_cast %swap3A_314 : vector<16xf32> to vector<16xf32>
    %swap3A_316 = vector.shape_cast %broadcast_in_dim3A_312 : vector<16xf32> to vector<16xf32>
    tpu.vector_store %arg8[%swap3A_313], %swap3A_316 {strides = array<i32>} : memref<2048xf32, #tpu.memory_space<vmem>>, vector<16xf32>,
    %broadcast_in_dim3A_317 = arith.constant 0.000000e+00 : f32
    %broadcast_in_dim3A_318 = vector.broadcast %broadcast_in_dim3A_317 : f32 to vector<16xf32>
    %swap3A_319 = arith.constant 720 : index
    %swap3A_320 = tpu.vector_load %arg8[%swap3A_319] {strides = array<i32>} : memref<2048xf32, #tpu.memory_space<vmem>>, vector<16xf32>,
    %swap3A_321 = vector.shape_cast %swap3A_320 : vector<16xf32> to vector<16xf32>
    %swap3A_322 = vector.shape_cast %broadcast_in_dim3A_318 : vector<16xf32> to vector<16xf32>
    tpu.vector_store %arg8[%swap3A_319], %swap3A_322 {strides = array<i32>} : memref<2048xf32, #tpu.memory_space<vmem>>, vector<16xf32>,
    %broadcast_in_dim3A_323 = arith.constant 0.000000e+00 : f32
    %broadcast_in_dim3A_324 = vector.broadcast %broadcast_in_dim3A_323 : f32 to vector<16xf32>
    %swap3A_325 = arith.constant 736 : index
    %swap3A_326 = tpu.vector_load %arg8[%swap3A_325] {strides = array<i32>} : memref<2048xf32, #tpu.memory_space<vmem>>, vector<16xf32>,
    %swap3A_327 = vector.shape_cast %swap3A_326 : vector<16xf32> to vector<16xf32>
    %swap3A_328 = vector.shape_cast %broadcast_in_dim3A_324 : vector<16xf32> to vector<16xf32>
    tpu.vector_store %arg8[%swap3A_325], %swap3A_328 {strides = array<i32>} : memref<2048xf32, #tpu.memory_space<vmem>>, vector<16xf32>,
    %broadcast_in_dim3A_329 = arith.constant 0.000000e+00 : f32
    %broadcast_in_dim3A_330 = vector.broadcast %broadcast_in_dim3A_329 : f32 to vector<16xf32>
    %swap3A_331 = arith.constant 752 : index
    %swap3A_332 = tpu.vector_load %arg8[%swap3A_331] {strides = array<i32>} : memref<2048xf32, #tpu.memory_space<vmem>>, vector<16xf32>,
    %swap3A_333 = vector.shape_cast %swap3A_332 : vector<16xf32> to vector<16xf32>
    %swap3A_334 = vector.shape_cast %broadcast_in_dim3A_330 : vector<16xf32> to vector<16xf32>
    tpu.vector_store %arg8[%swap3A_331], %swap3A_334 {strides = array<i32>} : memref<2048xf32, #tpu.memory_space<vmem>>, vector<16xf32>,
    %broadcast_in_dim3A_335 = arith.constant 0.000000e+00 : f32
    %broadcast_in_dim3A_336 = vector.broadcast %broadcast_in_dim3A_335 : f32 to vector<16xf32>
    %swap3A_337 = arith.constant 768 : index
    %swap3A_338 = tpu.vector_load %arg8[%swap3A_337] {strides = array<i32>} : memref<2048xf32, #tpu.memory_space<vmem>>, vector<16xf32>,
    %swap3A_339 = vector.shape_cast %swap3A_338 : vector<16xf32> to vector<16xf32>
    %swap3A_340 = vector.shape_cast %broadcast_in_dim3A_336 : vector<16xf32> to vector<16xf32>
    tpu.vector_store %arg8[%swap3A_337], %swap3A_340 {strides = array<i32>} : memref<2048xf32, #tpu.memory_space<vmem>>, vector<16xf32>,
    %broadcast_in_dim3A_341 = arith.constant 0.000000e+00 : f32
    %broadcast_in_dim3A_342 = vector.broadcast %broadcast_in_dim3A_341 : f32 to vector<16xf32>
    %swap3A_343 = arith.constant 784 : index
    %swap3A_344 = tpu.vector_load %arg8[%swap3A_343] {strides = array<i32>} : memref<2048xf32, #tpu.memory_space<vmem>>, vector<16xf32>,
    %swap3A_345 = vector.shape_cast %swap3A_344 : vector<16xf32> to vector<16xf32>
    %swap3A_346 = vector.shape_cast %broadcast_in_dim3A_342 : vector<16xf32> to vector<16xf32>
    tpu.vector_store %arg8[%swap3A_343], %swap3A_346 {strides = array<i32>} : memref<2048xf32, #tpu.memory_space<vmem>>, vector<16xf32>,
    %broadcast_in_dim3A_347 = arith.constant 0.000000e+00 : f32
    %broadcast_in_dim3A_348 = vector.broadcast %broadcast_in_dim3A_347 : f32 to vector<16xf32>
    %swap3A_349 = arith.constant 800 : index
    %swap3A_350 = tpu.vector_load %arg8[%swap3A_349] {strides = array<i32>} : memref<2048xf32, #tpu.memory_space<vmem>>, vector<16xf32>,
    %swap3A_351 = vector.shape_cast %swap3A_350 : vector<16xf32> to vector<16xf32>
    %swap3A_352 = vector.shape_cast %broadcast_in_dim3A_348 : vector<16xf32> to vector<16xf32>
    tpu.vector_store %arg8[%swap3A_349], %swap3A_352 {strides = array<i32>} : memref<2048xf32, #tpu.memory_space<vmem>>, vector<16xf32>,
    %broadcast_in_dim3A_353 = arith.constant 0.000000e+00 : f32
    %broadcast_in_dim3A_354 = vector.broadcast %broadcast_in_dim3A_353 : f32 to vector<16xf32>
    %swap3A_355 = arith.constant 816 : index
    %swap3A_356 = tpu.vector_load %arg8[%swap3A_355] {strides = array<i32>} : memref<2048xf32, #tpu.memory_space<vmem>>, vector<16xf32>,
    %swap3A_357 = vector.shape_cast %swap3A_356 : vector<16xf32> to vector<16xf32>
    %swap3A_358 = vector.shape_cast %broadcast_in_dim3A_354 : vector<16xf32> to vector<16xf32>
    tpu.vector_store %arg8[%swap3A_355], %swap3A_358 {strides = array<i32>} : memref<2048xf32, #tpu.memory_space<vmem>>, vector<16xf32>,
    %broadcast_in_dim3A_359 = arith.constant 0.000000e+00 : f32
    %broadcast_in_dim3A_360 = vector.broadcast %broadcast_in_dim3A_359 : f32 to vector<16xf32>
    %swap3A_361 = arith.constant 832 : index
    %swap3A_362 = tpu.vector_load %arg8[%swap3A_361] {strides = array<i32>} : memref<2048xf32, #tpu.memory_space<vmem>>, vector<16xf32>,
    %swap3A_363 = vector.shape_cast %swap3A_362 : vector<16xf32> to vector<16xf32>
    %swap3A_364 = vector.shape_cast %broadcast_in_dim3A_360 : vector<16xf32> to vector<16xf32>
    tpu.vector_store %arg8[%swap3A_361], %swap3A_364 {strides = array<i32>} : memref<2048xf32, #tpu.memory_space<vmem>>, vector<16xf32>,
    %broadcast_in_dim3A_365 = arith.constant 0.000000e+00 : f32
    %broadcast_in_dim3A_366 = vector.broadcast %broadcast_in_dim3A_365 : f32 to vector<16xf32>
    %swap3A_367 = arith.constant 848 : index
    %swap3A_368 = tpu.vector_load %arg8[%swap3A_367] {strides = array<i32>} : memref<2048xf32, #tpu.memory_space<vmem>>, vector<16xf32>,
    %swap3A_369 = vector.shape_cast %swap3A_368 : vector<16xf32> to vector<16xf32>
    %swap3A_370 = vector.shape_cast %broadcast_in_dim3A_366 : vector<16xf32> to vector<16xf32>
    tpu.vector_store %arg8[%swap3A_367], %swap3A_370 {strides = array<i32>} : memref<2048xf32, #tpu.memory_space<vmem>>, vector<16xf32>,
    %broadcast_in_dim3A_371 = arith.constant 0.000000e+00 : f32
    %broadcast_in_dim3A_372 = vector.broadcast %broadcast_in_dim3A_371 : f32 to vector<16xf32>
    %swap3A_373 = arith.constant 864 : index
    %swap3A_374 = tpu.vector_load %arg8[%swap3A_373] {strides = array<i32>} : memref<2048xf32, #tpu.memory_space<vmem>>, vector<16xf32>,
    %swap3A_375 = vector.shape_cast %swap3A_374 : vector<16xf32> to vector<16xf32>
    %swap3A_376 = vector.shape_cast %broadcast_in_dim3A_372 : vector<16xf32> to vector<16xf32>
    tpu.vector_store %arg8[%swap3A_373], %swap3A_376 {strides = array<i32>} : memref<2048xf32, #tpu.memory_space<vmem>>, vector<16xf32>,
    %broadcast_in_dim3A_377 = arith.constant 0.000000e+00 : f32
    %broadcast_in_dim3A_378 = vector.broadcast %broadcast_in_dim3A_377 : f32 to vector<16xf32>
    %swap3A_379 = arith.constant 880 : index
    %swap3A_380 = tpu.vector_load %arg8[%swap3A_379] {strides = array<i32>} : memref<2048xf32, #tpu.memory_space<vmem>>, vector<16xf32>,
    %swap3A_381 = vector.shape_cast %swap3A_380 : vector<16xf32> to vector<16xf32>
    %swap3A_382 = vector.shape_cast %broadcast_in_dim3A_378 : vector<16xf32> to vector<16xf32>
    tpu.vector_store %arg8[%swap3A_379], %swap3A_382 {strides = array<i32>} : memref<2048xf32, #tpu.memory_space<vmem>>, vector<16xf32>,
    %broadcast_in_dim3A_383 = arith.constant 0.000000e+00 : f32
    %broadcast_in_dim3A_384 = vector.broadcast %broadcast_in_dim3A_383 : f32 to vector<16xf32>
    %swap3A_385 = arith.constant 896 : index
    %swap3A_386 = tpu.vector_load %arg8[%swap3A_385] {strides = array<i32>} : memref<2048xf32, #tpu.memory_space<vmem>>, vector<16xf32>,
    %swap3A_387 = vector.shape_cast %swap3A_386 : vector<16xf32> to vector<16xf32>
    %swap3A_388 = vector.shape_cast %broadcast_in_dim3A_384 : vector<16xf32> to vector<16xf32>
    tpu.vector_store %arg8[%swap3A_385], %swap3A_388 {strides = array<i32>} : memref<2048xf32, #tpu.memory_space<vmem>>, vector<16xf32>,
    %broadcast_in_dim3A_389 = arith.constant 0.000000e+00 : f32
    %broadcast_in_dim3A_390 = vector.broadcast %broadcast_in_dim3A_389 : f32 to vector<16xf32>
    %swap3A_391 = arith.constant 912 : index
    %swap3A_392 = tpu.vector_load %arg8[%swap3A_391] {strides = array<i32>} : memref<2048xf32, #tpu.memory_space<vmem>>, vector<16xf32>,
    %swap3A_393 = vector.shape_cast %swap3A_392 : vector<16xf32> to vector<16xf32>
    %swap3A_394 = vector.shape_cast %broadcast_in_dim3A_390 : vector<16xf32> to vector<16xf32>
    tpu.vector_store %arg8[%swap3A_391], %swap3A_394 {strides = array<i32>} : memref<2048xf32, #tpu.memory_space<vmem>>, vector<16xf32>,
    %broadcast_in_dim3A_395 = arith.constant 0.000000e+00 : f32
    %broadcast_in_dim3A_396 = vector.broadcast %broadcast_in_dim3A_395 : f32 to vector<16xf32>
    %swap3A_397 = arith.constant 928 : index
    %swap3A_398 = tpu.vector_load %arg8[%swap3A_397] {strides = array<i32>} : memref<2048xf32, #tpu.memory_space<vmem>>, vector<16xf32>,
    %swap3A_399 = vector.shape_cast %swap3A_398 : vector<16xf32> to vector<16xf32>
    %swap3A_400 = vector.shape_cast %broadcast_in_dim3A_396 : vector<16xf32> to vector<16xf32>
    tpu.vector_store %arg8[%swap3A_397], %swap3A_400 {strides = array<i32>} : memref<2048xf32, #tpu.memory_space<vmem>>, vector<16xf32>,
    %broadcast_in_dim3A_401 = arith.constant 0.000000e+00 : f32
    %broadcast_in_dim3A_402 = vector.broadcast %broadcast_in_dim3A_401 : f32 to vector<16xf32>
    %swap3A_403 = arith.constant 944 : index
    %swap3A_404 = tpu.vector_load %arg8[%swap3A_403] {strides = array<i32>} : memref<2048xf32, #tpu.memory_space<vmem>>, vector<16xf32>,
    %swap3A_405 = vector.shape_cast %swap3A_404 : vector<16xf32> to vector<16xf32>
    %swap3A_406 = vector.shape_cast %broadcast_in_dim3A_402 : vector<16xf32> to vector<16xf32>
    tpu.vector_store %arg8[%swap3A_403], %swap3A_406 {strides = array<i32>} : memref<2048xf32, #tpu.memory_space<vmem>>, vector<16xf32>,
    %broadcast_in_dim3A_407 = arith.constant 0.000000e+00 : f32
    %broadcast_in_dim3A_408 = vector.broadcast %broadcast_in_dim3A_407 : f32 to vector<16xf32>
    %swap3A_409 = arith.constant 960 : index
    %swap3A_410 = tpu.vector_load %arg8[%swap3A_409] {strides = array<i32>} : memref<2048xf32, #tpu.memory_space<vmem>>, vector<16xf32>,
    %swap3A_411 = vector.shape_cast %swap3A_410 : vector<16xf32> to vector<16xf32>
    %swap3A_412 = vector.shape_cast %broadcast_in_dim3A_408 : vector<16xf32> to vector<16xf32>
    tpu.vector_store %arg8[%swap3A_409], %swap3A_412 {strides = array<i32>} : memref<2048xf32, #tpu.memory_space<vmem>>, vector<16xf32>,
    %broadcast_in_dim3A_413 = arith.constant 0.000000e+00 : f32
    %broadcast_in_dim3A_414 = vector.broadcast %broadcast_in_dim3A_413 : f32 to vector<16xf32>
    %swap3A_415 = arith.constant 976 : index
    %swap3A_416 = tpu.vector_load %arg8[%swap3A_415] {strides = array<i32>} : memref<2048xf32, #tpu.memory_space<vmem>>, vector<16xf32>,
    %swap3A_417 = vector.shape_cast %swap3A_416 : vector<16xf32> to vector<16xf32>
    %swap3A_418 = vector.shape_cast %broadcast_in_dim3A_414 : vector<16xf32> to vector<16xf32>
    tpu.vector_store %arg8[%swap3A_415], %swap3A_418 {strides = array<i32>} : memref<2048xf32, #tpu.memory_space<vmem>>, vector<16xf32>,
    %broadcast_in_dim3A_419 = arith.constant 0.000000e+00 : f32
    %broadcast_in_dim3A_420 = vector.broadcast %broadcast_in_dim3A_419 : f32 to vector<16xf32>
    %swap3A_421 = arith.constant 992 : index
    %swap3A_422 = tpu.vector_load %arg8[%swap3A_421] {strides = array<i32>} : memref<2048xf32, #tpu.memory_space<vmem>>, vector<16xf32>,
    %swap3A_423 = vector.shape_cast %swap3A_422 : vector<16xf32> to vector<16xf32>
    %swap3A_424 = vector.shape_cast %broadcast_in_dim3A_420 : vector<16xf32> to vector<16xf32>
    tpu.vector_store %arg8[%swap3A_421], %swap3A_424 {strides = array<i32>} : memref<2048xf32, #tpu.memory_space<vmem>>, vector<16xf32>,
    %broadcast_in_dim3A_425 = arith.constant 0.000000e+00 : f32
    %broadcast_in_dim3A_426 = vector.broadcast %broadcast_in_dim3A_425 : f32 to vector<16xf32>
    %swap3A_427 = arith.constant 1008 : index
    %swap3A_428 = tpu.vector_load %arg8[%swap3A_427] {strides = array<i32>} : memref<2048xf32, #tpu.memory_space<vmem>>, vector<16xf32>,
    %swap3A_429 = vector.shape_cast %swap3A_428 : vector<16xf32> to vector<16xf32>
    %swap3A_430 = vector.shape_cast %broadcast_in_dim3A_426 : vector<16xf32> to vector<16xf32>
    tpu.vector_store %arg8[%swap3A_427], %swap3A_430 {strides = array<i32>} : memref<2048xf32, #tpu.memory_space<vmem>>, vector<16xf32>,
    %broadcast_in_dim3A_431 = arith.constant 0.000000e+00 : f32
    %broadcast_in_dim3A_432 = vector.broadcast %broadcast_in_dim3A_431 : f32 to vector<16xf32>
    %swap3A_433 = arith.constant 1024 : index
    %swap3A_434 = tpu.vector_load %arg8[%swap3A_433] {strides = array<i32>} : memref<2048xf32, #tpu.memory_space<vmem>>, vector<16xf32>,
    %swap3A_435 = vector.shape_cast %swap3A_434 : vector<16xf32> to vector<16xf32>
    %swap3A_436 = vector.shape_cast %broadcast_in_dim3A_432 : vector<16xf32> to vector<16xf32>
    tpu.vector_store %arg8[%swap3A_433], %swap3A_436 {strides = array<i32>} : memref<2048xf32, #tpu.memory_space<vmem>>, vector<16xf32>,
    %broadcast_in_dim3A_437 = arith.constant 0.000000e+00 : f32
    %broadcast_in_dim3A_438 = vector.broadcast %broadcast_in_dim3A_437 : f32 to vector<16xf32>
    %swap3A_439 = arith.constant 1040 : index
    %swap3A_440 = tpu.vector_load %arg8[%swap3A_439] {strides = array<i32>} : memref<2048xf32, #tpu.memory_space<vmem>>, vector<16xf32>,
    %swap3A_441 = vector.shape_cast %swap3A_440 : vector<16xf32> to vector<16xf32>
    %swap3A_442 = vector.shape_cast %broadcast_in_dim3A_438 : vector<16xf32> to vector<16xf32>
    tpu.vector_store %arg8[%swap3A_439], %swap3A_442 {strides = array<i32>} : memref<2048xf32, #tpu.memory_space<vmem>>, vector<16xf32>,
    %broadcast_in_dim3A_443 = arith.constant 0.000000e+00 : f32
    %broadcast_in_dim3A_444 = vector.broadcast %broadcast_in_dim3A_443 : f32 to vector<16xf32>
    %swap3A_445 = arith.constant 1056 : index
    %swap3A_446 = tpu.vector_load %arg8[%swap3A_445] {strides = array<i32>} : memref<2048xf32, #tpu.memory_space<vmem>>, vector<16xf32>,
    %swap3A_447 = vector.shape_cast %swap3A_446 : vector<16xf32> to vector<16xf32>
    %swap3A_448 = vector.shape_cast %broadcast_in_dim3A_444 : vector<16xf32> to vector<16xf32>
    tpu.vector_store %arg8[%swap3A_445], %swap3A_448 {strides = array<i32>} : memref<2048xf32, #tpu.memory_space<vmem>>, vector<16xf32>,
    %broadcast_in_dim3A_449 = arith.constant 0.000000e+00 : f32
    %broadcast_in_dim3A_450 = vector.broadcast %broadcast_in_dim3A_449 : f32 to vector<16xf32>
    %swap3A_451 = arith.constant 1072 : index
    %swap3A_452 = tpu.vector_load %arg8[%swap3A_451] {strides = array<i32>} : memref<2048xf32, #tpu.memory_space<vmem>>, vector<16xf32>,
    %swap3A_453 = vector.shape_cast %swap3A_452 : vector<16xf32> to vector<16xf32>
    %swap3A_454 = vector.shape_cast %broadcast_in_dim3A_450 : vector<16xf32> to vector<16xf32>
    tpu.vector_store %arg8[%swap3A_451], %swap3A_454 {strides = array<i32>} : memref<2048xf32, #tpu.memory_space<vmem>>, vector<16xf32>,
    %broadcast_in_dim3A_455 = arith.constant 0.000000e+00 : f32
    %broadcast_in_dim3A_456 = vector.broadcast %broadcast_in_dim3A_455 : f32 to vector<16xf32>
    %swap3A_457 = arith.constant 1088 : index
    %swap3A_458 = tpu.vector_load %arg8[%swap3A_457] {strides = array<i32>} : memref<2048xf32, #tpu.memory_space<vmem>>, vector<16xf32>,
    %swap3A_459 = vector.shape_cast %swap3A_458 : vector<16xf32> to vector<16xf32>
    %swap3A_460 = vector.shape_cast %broadcast_in_dim3A_456 : vector<16xf32> to vector<16xf32>
    tpu.vector_store %arg8[%swap3A_457], %swap3A_460 {strides = array<i32>} : memref<2048xf32, #tpu.memory_space<vmem>>, vector<16xf32>,
    %broadcast_in_dim3A_461 = arith.constant 0.000000e+00 : f32
    %broadcast_in_dim3A_462 = vector.broadcast %broadcast_in_dim3A_461 : f32 to vector<16xf32>
    %swap3A_463 = arith.constant 1104 : index
    %swap3A_464 = tpu.vector_load %arg8[%swap3A_463] {strides = array<i32>} : memref<2048xf32, #tpu.memory_space<vmem>>, vector<16xf32>,
    %swap3A_465 = vector.shape_cast %swap3A_464 : vector<16xf32> to vector<16xf32>
    %swap3A_466 = vector.shape_cast %broadcast_in_dim3A_462 : vector<16xf32> to vector<16xf32>
    tpu.vector_store %arg8[%swap3A_463], %swap3A_466 {strides = array<i32>} : memref<2048xf32, #tpu.memory_space<vmem>>, vector<16xf32>,
    %broadcast_in_dim3A_467 = arith.constant 0.000000e+00 : f32
    %broadcast_in_dim3A_468 = vector.broadcast %broadcast_in_dim3A_467 : f32 to vector<16xf32>
    %swap3A_469 = arith.constant 1120 : index
    %swap3A_470 = tpu.vector_load %arg8[%swap3A_469] {strides = array<i32>} : memref<2048xf32, #tpu.memory_space<vmem>>, vector<16xf32>,
    %swap3A_471 = vector.shape_cast %swap3A_470 : vector<16xf32> to vector<16xf32>
    %swap3A_472 = vector.shape_cast %broadcast_in_dim3A_468 : vector<16xf32> to vector<16xf32>
    tpu.vector_store %arg8[%swap3A_469], %swap3A_472 {strides = array<i32>} : memref<2048xf32, #tpu.memory_space<vmem>>, vector<16xf32>,
    %broadcast_in_dim3A_473 = arith.constant 0.000000e+00 : f32
    %broadcast_in_dim3A_474 = vector.broadcast %broadcast_in_dim3A_473 : f32 to vector<16xf32>
    %swap3A_475 = arith.constant 1136 : index
    %swap3A_476 = tpu.vector_load %arg8[%swap3A_475] {strides = array<i32>} : memref<2048xf32, #tpu.memory_space<vmem>>, vector<16xf32>,
    %swap3A_477 = vector.shape_cast %swap3A_476 : vector<16xf32> to vector<16xf32>
    %swap3A_478 = vector.shape_cast %broadcast_in_dim3A_474 : vector<16xf32> to vector<16xf32>
    tpu.vector_store %arg8[%swap3A_475], %swap3A_478 {strides = array<i32>} : memref<2048xf32, #tpu.memory_space<vmem>>, vector<16xf32>,
    %broadcast_in_dim3A_479 = arith.constant 0.000000e+00 : f32
    %broadcast_in_dim3A_480 = vector.broadcast %broadcast_in_dim3A_479 : f32 to vector<16xf32>
    %swap3A_481 = arith.constant 1152 : index
    %swap3A_482 = tpu.vector_load %arg8[%swap3A_481] {strides = array<i32>} : memref<2048xf32, #tpu.memory_space<vmem>>, vector<16xf32>,
    %swap3A_483 = vector.shape_cast %swap3A_482 : vector<16xf32> to vector<16xf32>
    %swap3A_484 = vector.shape_cast %broadcast_in_dim3A_480 : vector<16xf32> to vector<16xf32>
    tpu.vector_store %arg8[%swap3A_481], %swap3A_484 {strides = array<i32>} : memref<2048xf32, #tpu.memory_space<vmem>>, vector<16xf32>,
    %broadcast_in_dim3A_485 = arith.constant 0.000000e+00 : f32
    %broadcast_in_dim3A_486 = vector.broadcast %broadcast_in_dim3A_485 : f32 to vector<16xf32>
    %swap3A_487 = arith.constant 1168 : index
    %swap3A_488 = tpu.vector_load %arg8[%swap3A_487] {strides = array<i32>} : memref<2048xf32, #tpu.memory_space<vmem>>, vector<16xf32>,
    %swap3A_489 = vector.shape_cast %swap3A_488 : vector<16xf32> to vector<16xf32>
    %swap3A_490 = vector.shape_cast %broadcast_in_dim3A_486 : vector<16xf32> to vector<16xf32>
    tpu.vector_store %arg8[%swap3A_487], %swap3A_490 {strides = array<i32>} : memref<2048xf32, #tpu.memory_space<vmem>>, vector<16xf32>,
    %broadcast_in_dim3A_491 = arith.constant 0.000000e+00 : f32
    %broadcast_in_dim3A_492 = vector.broadcast %broadcast_in_dim3A_491 : f32 to vector<16xf32>
    %swap3A_493 = arith.constant 1184 : index
    %swap3A_494 = tpu.vector_load %arg8[%swap3A_493] {strides = array<i32>} : memref<2048xf32, #tpu.memory_space<vmem>>, vector<16xf32>,
    %swap3A_495 = vector.shape_cast %swap3A_494 : vector<16xf32> to vector<16xf32>
    %swap3A_496 = vector.shape_cast %broadcast_in_dim3A_492 : vector<16xf32> to vector<16xf32>
    tpu.vector_store %arg8[%swap3A_493], %swap3A_496 {strides = array<i32>} : memref<2048xf32, #tpu.memory_space<vmem>>, vector<16xf32>,
    %broadcast_in_dim3A_497 = arith.constant 0.000000e+00 : f32
    %broadcast_in_dim3A_498 = vector.broadcast %broadcast_in_dim3A_497 : f32 to vector<16xf32>
    %swap3A_499 = arith.constant 1200 : index
    %swap3A_500 = tpu.vector_load %arg8[%swap3A_499] {strides = array<i32>} : memref<2048xf32, #tpu.memory_space<vmem>>, vector<16xf32>,
    %swap3A_501 = vector.shape_cast %swap3A_500 : vector<16xf32> to vector<16xf32>
    %swap3A_502 = vector.shape_cast %broadcast_in_dim3A_498 : vector<16xf32> to vector<16xf32>
    tpu.vector_store %arg8[%swap3A_499], %swap3A_502 {strides = array<i32>} : memref<2048xf32, #tpu.memory_space<vmem>>, vector<16xf32>,
    %broadcast_in_dim3A_503 = arith.constant 0.000000e+00 : f32
    %broadcast_in_dim3A_504 = vector.broadcast %broadcast_in_dim3A_503 : f32 to vector<16xf32>
    %swap3A_505 = arith.constant 1216 : index
    %swap3A_506 = tpu.vector_load %arg8[%swap3A_505] {strides = array<i32>} : memref<2048xf32, #tpu.memory_space<vmem>>, vector<16xf32>,
    %swap3A_507 = vector.shape_cast %swap3A_506 : vector<16xf32> to vector<16xf32>
    %swap3A_508 = vector.shape_cast %broadcast_in_dim3A_504 : vector<16xf32> to vector<16xf32>
    tpu.vector_store %arg8[%swap3A_505], %swap3A_508 {strides = array<i32>} : memref<2048xf32, #tpu.memory_space<vmem>>, vector<16xf32>,
    %broadcast_in_dim3A_509 = arith.constant 0.000000e+00 : f32
    %broadcast_in_dim3A_510 = vector.broadcast %broadcast_in_dim3A_509 : f32 to vector<16xf32>
    %swap3A_511 = arith.constant 1232 : index
    %swap3A_512 = tpu.vector_load %arg8[%swap3A_511] {strides = array<i32>} : memref<2048xf32, #tpu.memory_space<vmem>>, vector<16xf32>,
    %swap3A_513 = vector.shape_cast %swap3A_512 : vector<16xf32> to vector<16xf32>
    %swap3A_514 = vector.shape_cast %broadcast_in_dim3A_510 : vector<16xf32> to vector<16xf32>
    tpu.vector_store %arg8[%swap3A_511], %swap3A_514 {strides = array<i32>} : memref<2048xf32, #tpu.memory_space<vmem>>, vector<16xf32>,
    %broadcast_in_dim3A_515 = arith.constant 0.000000e+00 : f32
    %broadcast_in_dim3A_516 = vector.broadcast %broadcast_in_dim3A_515 : f32 to vector<16xf32>
    %swap3A_517 = arith.constant 1248 : index
    %swap3A_518 = tpu.vector_load %arg8[%swap3A_517] {strides = array<i32>} : memref<2048xf32, #tpu.memory_space<vmem>>, vector<16xf32>,
    %swap3A_519 = vector.shape_cast %swap3A_518 : vector<16xf32> to vector<16xf32>
    %swap3A_520 = vector.shape_cast %broadcast_in_dim3A_516 : vector<16xf32> to vector<16xf32>
    tpu.vector_store %arg8[%swap3A_517], %swap3A_520 {strides = array<i32>} : memref<2048xf32, #tpu.memory_space<vmem>>, vector<16xf32>,
    %broadcast_in_dim3A_521 = arith.constant 0.000000e+00 : f32
    %broadcast_in_dim3A_522 = vector.broadcast %broadcast_in_dim3A_521 : f32 to vector<16xf32>
    %swap3A_523 = arith.constant 1264 : index
    %swap3A_524 = tpu.vector_load %arg8[%swap3A_523] {strides = array<i32>} : memref<2048xf32, #tpu.memory_space<vmem>>, vector<16xf32>,
    %swap3A_525 = vector.shape_cast %swap3A_524 : vector<16xf32> to vector<16xf32>
    %swap3A_526 = vector.shape_cast %broadcast_in_dim3A_522 : vector<16xf32> to vector<16xf32>
    tpu.vector_store %arg8[%swap3A_523], %swap3A_526 {strides = array<i32>} : memref<2048xf32, #tpu.memory_space<vmem>>, vector<16xf32>,
    %broadcast_in_dim3A_527 = arith.constant 0.000000e+00 : f32
    %broadcast_in_dim3A_528 = vector.broadcast %broadcast_in_dim3A_527 : f32 to vector<16xf32>
    %swap3A_529 = arith.constant 1280 : index
    %swap3A_530 = tpu.vector_load %arg8[%swap3A_529] {strides = array<i32>} : memref<2048xf32, #tpu.memory_space<vmem>>, vector<16xf32>,
    %swap3A_531 = vector.shape_cast %swap3A_530 : vector<16xf32> to vector<16xf32>
    %swap3A_532 = vector.shape_cast %broadcast_in_dim3A_528 : vector<16xf32> to vector<16xf32>
    tpu.vector_store %arg8[%swap3A_529], %swap3A_532 {strides = array<i32>} : memref<2048xf32, #tpu.memory_space<vmem>>, vector<16xf32>,
    %broadcast_in_dim3A_533 = arith.constant 0.000000e+00 : f32
    %broadcast_in_dim3A_534 = vector.broadcast %broadcast_in_dim3A_533 : f32 to vector<16xf32>
    %swap3A_535 = arith.constant 1296 : index
    %swap3A_536 = tpu.vector_load %arg8[%swap3A_535] {strides = array<i32>} : memref<2048xf32, #tpu.memory_space<vmem>>, vector<16xf32>,
    %swap3A_537 = vector.shape_cast %swap3A_536 : vector<16xf32> to vector<16xf32>
    %swap3A_538 = vector.shape_cast %broadcast_in_dim3A_534 : vector<16xf32> to vector<16xf32>
    tpu.vector_store %arg8[%swap3A_535], %swap3A_538 {strides = array<i32>} : memref<2048xf32, #tpu.memory_space<vmem>>, vector<16xf32>,
    %broadcast_in_dim3A_539 = arith.constant 0.000000e+00 : f32
    %broadcast_in_dim3A_540 = vector.broadcast %broadcast_in_dim3A_539 : f32 to vector<16xf32>
    %swap3A_541 = arith.constant 1312 : index
    %swap3A_542 = tpu.vector_load %arg8[%swap3A_541] {strides = array<i32>} : memref<2048xf32, #tpu.memory_space<vmem>>, vector<16xf32>,
    %swap3A_543 = vector.shape_cast %swap3A_542 : vector<16xf32> to vector<16xf32>
    %swap3A_544 = vector.shape_cast %broadcast_in_dim3A_540 : vector<16xf32> to vector<16xf32>
    tpu.vector_store %arg8[%swap3A_541], %swap3A_544 {strides = array<i32>} : memref<2048xf32, #tpu.memory_space<vmem>>, vector<16xf32>,
    %broadcast_in_dim3A_545 = arith.constant 0.000000e+00 : f32
    %broadcast_in_dim3A_546 = vector.broadcast %broadcast_in_dim3A_545 : f32 to vector<16xf32>
    %swap3A_547 = arith.constant 1328 : index
    %swap3A_548 = tpu.vector_load %arg8[%swap3A_547] {strides = array<i32>} : memref<2048xf32, #tpu.memory_space<vmem>>, vector<16xf32>,
    %swap3A_549 = vector.shape_cast %swap3A_548 : vector<16xf32> to vector<16xf32>
    %swap3A_550 = vector.shape_cast %broadcast_in_dim3A_546 : vector<16xf32> to vector<16xf32>
    tpu.vector_store %arg8[%swap3A_547], %swap3A_550 {strides = array<i32>} : memref<2048xf32, #tpu.memory_space<vmem>>, vector<16xf32>,
    %broadcast_in_dim3A_551 = arith.constant 0.000000e+00 : f32
    %broadcast_in_dim3A_552 = vector.broadcast %broadcast_in_dim3A_551 : f32 to vector<16xf32>
    %swap3A_553 = arith.constant 1344 : index
    %swap3A_554 = tpu.vector_load %arg8[%swap3A_553] {strides = array<i32>} : memref<2048xf32, #tpu.memory_space<vmem>>, vector<16xf32>,
    %swap3A_555 = vector.shape_cast %swap3A_554 : vector<16xf32> to vector<16xf32>
    %swap3A_556 = vector.shape_cast %broadcast_in_dim3A_552 : vector<16xf32> to vector<16xf32>
    tpu.vector_store %arg8[%swap3A_553], %swap3A_556 {strides = array<i32>} : memref<2048xf32, #tpu.memory_space<vmem>>, vector<16xf32>,
    %broadcast_in_dim3A_557 = arith.constant 0.000000e+00 : f32
    %broadcast_in_dim3A_558 = vector.broadcast %broadcast_in_dim3A_557 : f32 to vector<16xf32>
    %swap3A_559 = arith.constant 1360 : index
    %swap3A_560 = tpu.vector_load %arg8[%swap3A_559] {strides = array<i32>} : memref<2048xf32, #tpu.memory_space<vmem>>, vector<16xf32>,
    %swap3A_561 = vector.shape_cast %swap3A_560 : vector<16xf32> to vector<16xf32>
    %swap3A_562 = vector.shape_cast %broadcast_in_dim3A_558 : vector<16xf32> to vector<16xf32>
    tpu.vector_store %arg8[%swap3A_559], %swap3A_562 {strides = array<i32>} : memref<2048xf32, #tpu.memory_space<vmem>>, vector<16xf32>,
    %broadcast_in_dim3A_563 = arith.constant 0.000000e+00 : f32
    %broadcast_in_dim3A_564 = vector.broadcast %broadcast_in_dim3A_563 : f32 to vector<16xf32>
    %swap3A_565 = arith.constant 1376 : index
    %swap3A_566 = tpu.vector_load %arg8[%swap3A_565] {strides = array<i32>} : memref<2048xf32, #tpu.memory_space<vmem>>, vector<16xf32>,
    %swap3A_567 = vector.shape_cast %swap3A_566 : vector<16xf32> to vector<16xf32>
    %swap3A_568 = vector.shape_cast %broadcast_in_dim3A_564 : vector<16xf32> to vector<16xf32>
    tpu.vector_store %arg8[%swap3A_565], %swap3A_568 {strides = array<i32>} : memref<2048xf32, #tpu.memory_space<vmem>>, vector<16xf32>,
    %broadcast_in_dim3A_569 = arith.constant 0.000000e+00 : f32
    %broadcast_in_dim3A_570 = vector.broadcast %broadcast_in_dim3A_569 : f32 to vector<16xf32>
    %swap3A_571 = arith.constant 1392 : index
    %swap3A_572 = tpu.vector_load %arg8[%swap3A_571] {strides = array<i32>} : memref<2048xf32, #tpu.memory_space<vmem>>, vector<16xf32>,
    %swap3A_573 = vector.shape_cast %swap3A_572 : vector<16xf32> to vector<16xf32>
    %swap3A_574 = vector.shape_cast %broadcast_in_dim3A_570 : vector<16xf32> to vector<16xf32>
    tpu.vector_store %arg8[%swap3A_571], %swap3A_574 {strides = array<i32>} : memref<2048xf32, #tpu.memory_space<vmem>>, vector<16xf32>,
    %broadcast_in_dim3A_575 = arith.constant 0.000000e+00 : f32
    %broadcast_in_dim3A_576 = vector.broadcast %broadcast_in_dim3A_575 : f32 to vector<16xf32>
    %swap3A_577 = arith.constant 1408 : index
    %swap3A_578 = tpu.vector_load %arg8[%swap3A_577] {strides = array<i32>} : memref<2048xf32, #tpu.memory_space<vmem>>, vector<16xf32>,
    %swap3A_579 = vector.shape_cast %swap3A_578 : vector<16xf32> to vector<16xf32>
    %swap3A_580 = vector.shape_cast %broadcast_in_dim3A_576 : vector<16xf32> to vector<16xf32>
    tpu.vector_store %arg8[%swap3A_577], %swap3A_580 {strides = array<i32>} : memref<2048xf32, #tpu.memory_space<vmem>>, vector<16xf32>,
    %broadcast_in_dim3A_581 = arith.constant 0.000000e+00 : f32
    %broadcast_in_dim3A_582 = vector.broadcast %broadcast_in_dim3A_581 : f32 to vector<16xf32>
    %swap3A_583 = arith.constant 1424 : index
    %swap3A_584 = tpu.vector_load %arg8[%swap3A_583] {strides = array<i32>} : memref<2048xf32, #tpu.memory_space<vmem>>, vector<16xf32>,
    %swap3A_585 = vector.shape_cast %swap3A_584 : vector<16xf32> to vector<16xf32>
    %swap3A_586 = vector.shape_cast %broadcast_in_dim3A_582 : vector<16xf32> to vector<16xf32>
    tpu.vector_store %arg8[%swap3A_583], %swap3A_586 {strides = array<i32>} : memref<2048xf32, #tpu.memory_space<vmem>>, vector<16xf32>,
    %broadcast_in_dim3A_587 = arith.constant 0.000000e+00 : f32
    %broadcast_in_dim3A_588 = vector.broadcast %broadcast_in_dim3A_587 : f32 to vector<16xf32>
    %swap3A_589 = arith.constant 1440 : index
    %swap3A_590 = tpu.vector_load %arg8[%swap3A_589] {strides = array<i32>} : memref<2048xf32, #tpu.memory_space<vmem>>, vector<16xf32>,
    %swap3A_591 = vector.shape_cast %swap3A_590 : vector<16xf32> to vector<16xf32>
    %swap3A_592 = vector.shape_cast %broadcast_in_dim3A_588 : vector<16xf32> to vector<16xf32>
    tpu.vector_store %arg8[%swap3A_589], %swap3A_592 {strides = array<i32>} : memref<2048xf32, #tpu.memory_space<vmem>>, vector<16xf32>,
    %broadcast_in_dim3A_593 = arith.constant 0.000000e+00 : f32
    %broadcast_in_dim3A_594 = vector.broadcast %broadcast_in_dim3A_593 : f32 to vector<16xf32>
    %swap3A_595 = arith.constant 1456 : index
    %swap3A_596 = tpu.vector_load %arg8[%swap3A_595] {strides = array<i32>} : memref<2048xf32, #tpu.memory_space<vmem>>, vector<16xf32>,
    %swap3A_597 = vector.shape_cast %swap3A_596 : vector<16xf32> to vector<16xf32>
    %swap3A_598 = vector.shape_cast %broadcast_in_dim3A_594 : vector<16xf32> to vector<16xf32>
    tpu.vector_store %arg8[%swap3A_595], %swap3A_598 {strides = array<i32>} : memref<2048xf32, #tpu.memory_space<vmem>>, vector<16xf32>,
    %broadcast_in_dim3A_599 = arith.constant 0.000000e+00 : f32
    %broadcast_in_dim3A_600 = vector.broadcast %broadcast_in_dim3A_599 : f32 to vector<16xf32>
    %swap3A_601 = arith.constant 1472 : index
    %swap3A_602 = tpu.vector_load %arg8[%swap3A_601] {strides = array<i32>} : memref<2048xf32, #tpu.memory_space<vmem>>, vector<16xf32>,
    %swap3A_603 = vector.shape_cast %swap3A_602 : vector<16xf32> to vector<16xf32>
    %swap3A_604 = vector.shape_cast %broadcast_in_dim3A_600 : vector<16xf32> to vector<16xf32>
    tpu.vector_store %arg8[%swap3A_601], %swap3A_604 {strides = array<i32>} : memref<2048xf32, #tpu.memory_space<vmem>>, vector<16xf32>,
    %broadcast_in_dim3A_605 = arith.constant 0.000000e+00 : f32
    %broadcast_in_dim3A_606 = vector.broadcast %broadcast_in_dim3A_605 : f32 to vector<16xf32>
    %swap3A_607 = arith.constant 1488 : index
    %swap3A_608 = tpu.vector_load %arg8[%swap3A_607] {strides = array<i32>} : memref<2048xf32, #tpu.memory_space<vmem>>, vector<16xf32>,
    %swap3A_609 = vector.shape_cast %swap3A_608 : vector<16xf32> to vector<16xf32>
    %swap3A_610 = vector.shape_cast %broadcast_in_dim3A_606 : vector<16xf32> to vector<16xf32>
    tpu.vector_store %arg8[%swap3A_607], %swap3A_610 {strides = array<i32>} : memref<2048xf32, #tpu.memory_space<vmem>>, vector<16xf32>,
    %broadcast_in_dim3A_611 = arith.constant 0.000000e+00 : f32
    %broadcast_in_dim3A_612 = vector.broadcast %broadcast_in_dim3A_611 : f32 to vector<16xf32>
    %swap3A_613 = arith.constant 1504 : index
    %swap3A_614 = tpu.vector_load %arg8[%swap3A_613] {strides = array<i32>} : memref<2048xf32, #tpu.memory_space<vmem>>, vector<16xf32>,
    %swap3A_615 = vector.shape_cast %swap3A_614 : vector<16xf32> to vector<16xf32>
    %swap3A_616 = vector.shape_cast %broadcast_in_dim3A_612 : vector<16xf32> to vector<16xf32>
    tpu.vector_store %arg8[%swap3A_613], %swap3A_616 {strides = array<i32>} : memref<2048xf32, #tpu.memory_space<vmem>>, vector<16xf32>,
    %broadcast_in_dim3A_617 = arith.constant 0.000000e+00 : f32
    %broadcast_in_dim3A_618 = vector.broadcast %broadcast_in_dim3A_617 : f32 to vector<16xf32>
    %swap3A_619 = arith.constant 1520 : index
    %swap3A_620 = tpu.vector_load %arg8[%swap3A_619] {strides = array<i32>} : memref<2048xf32, #tpu.memory_space<vmem>>, vector<16xf32>,
    %swap3A_621 = vector.shape_cast %swap3A_620 : vector<16xf32> to vector<16xf32>
    %swap3A_622 = vector.shape_cast %broadcast_in_dim3A_618 : vector<16xf32> to vector<16xf32>
    tpu.vector_store %arg8[%swap3A_619], %swap3A_622 {strides = array<i32>} : memref<2048xf32, #tpu.memory_space<vmem>>, vector<16xf32>,
    %broadcast_in_dim3A_623 = arith.constant 0.000000e+00 : f32
    %broadcast_in_dim3A_624 = vector.broadcast %broadcast_in_dim3A_623 : f32 to vector<16xf32>
    %swap3A_625 = arith.constant 1536 : index
    %swap3A_626 = tpu.vector_load %arg8[%swap3A_625] {strides = array<i32>} : memref<2048xf32, #tpu.memory_space<vmem>>, vector<16xf32>,
    %swap3A_627 = vector.shape_cast %swap3A_626 : vector<16xf32> to vector<16xf32>
    %swap3A_628 = vector.shape_cast %broadcast_in_dim3A_624 : vector<16xf32> to vector<16xf32>
    tpu.vector_store %arg8[%swap3A_625], %swap3A_628 {strides = array<i32>} : memref<2048xf32, #tpu.memory_space<vmem>>, vector<16xf32>,
    %broadcast_in_dim3A_629 = arith.constant 0.000000e+00 : f32
    %broadcast_in_dim3A_630 = vector.broadcast %broadcast_in_dim3A_629 : f32 to vector<16xf32>
    %swap3A_631 = arith.constant 1552 : index
    %swap3A_632 = tpu.vector_load %arg8[%swap3A_631] {strides = array<i32>} : memref<2048xf32, #tpu.memory_space<vmem>>, vector<16xf32>,
    %swap3A_633 = vector.shape_cast %swap3A_632 : vector<16xf32> to vector<16xf32>
    %swap3A_634 = vector.shape_cast %broadcast_in_dim3A_630 : vector<16xf32> to vector<16xf32>
    tpu.vector_store %arg8[%swap3A_631], %swap3A_634 {strides = array<i32>} : memref<2048xf32, #tpu.memory_space<vmem>>, vector<16xf32>,
    %broadcast_in_dim3A_635 = arith.constant 0.000000e+00 : f32
    %broadcast_in_dim3A_636 = vector.broadcast %broadcast_in_dim3A_635 : f32 to vector<16xf32>
    %swap3A_637 = arith.constant 1568 : index
    %swap3A_638 = tpu.vector_load %arg8[%swap3A_637] {strides = array<i32>} : memref<2048xf32, #tpu.memory_space<vmem>>, vector<16xf32>,
    %swap3A_639 = vector.shape_cast %swap3A_638 : vector<16xf32> to vector<16xf32>
    %swap3A_640 = vector.shape_cast %broadcast_in_dim3A_636 : vector<16xf32> to vector<16xf32>
    tpu.vector_store %arg8[%swap3A_637], %swap3A_640 {strides = array<i32>} : memref<2048xf32, #tpu.memory_space<vmem>>, vector<16xf32>,
    %broadcast_in_dim3A_641 = arith.constant 0.000000e+00 : f32
    %broadcast_in_dim3A_642 = vector.broadcast %broadcast_in_dim3A_641 : f32 to vector<16xf32>
    %swap3A_643 = arith.constant 1584 : index
    %swap3A_644 = tpu.vector_load %arg8[%swap3A_643] {strides = array<i32>} : memref<2048xf32, #tpu.memory_space<vmem>>, vector<16xf32>,
    %swap3A_645 = vector.shape_cast %swap3A_644 : vector<16xf32> to vector<16xf32>
    %swap3A_646 = vector.shape_cast %broadcast_in_dim3A_642 : vector<16xf32> to vector<16xf32>
    tpu.vector_store %arg8[%swap3A_643], %swap3A_646 {strides = array<i32>} : memref<2048xf32, #tpu.memory_space<vmem>>, vector<16xf32>,
    %broadcast_in_dim3A_647 = arith.constant 0.000000e+00 : f32
    %broadcast_in_dim3A_648 = vector.broadcast %broadcast_in_dim3A_647 : f32 to vector<16xf32>
    %swap3A_649 = arith.constant 1600 : index
    %swap3A_650 = tpu.vector_load %arg8[%swap3A_649] {strides = array<i32>} : memref<2048xf32, #tpu.memory_space<vmem>>, vector<16xf32>,
    %swap3A_651 = vector.shape_cast %swap3A_650 : vector<16xf32> to vector<16xf32>
    %swap3A_652 = vector.shape_cast %broadcast_in_dim3A_648 : vector<16xf32> to vector<16xf32>
    tpu.vector_store %arg8[%swap3A_649], %swap3A_652 {strides = array<i32>} : memref<2048xf32, #tpu.memory_space<vmem>>, vector<16xf32>,
    %broadcast_in_dim3A_653 = arith.constant 0.000000e+00 : f32
    %broadcast_in_dim3A_654 = vector.broadcast %broadcast_in_dim3A_653 : f32 to vector<16xf32>
    %swap3A_655 = arith.constant 1616 : index
    %swap3A_656 = tpu.vector_load %arg8[%swap3A_655] {strides = array<i32>} : memref<2048xf32, #tpu.memory_space<vmem>>, vector<16xf32>,
    %swap3A_657 = vector.shape_cast %swap3A_656 : vector<16xf32> to vector<16xf32>
    %swap3A_658 = vector.shape_cast %broadcast_in_dim3A_654 : vector<16xf32> to vector<16xf32>
    tpu.vector_store %arg8[%swap3A_655], %swap3A_658 {strides = array<i32>} : memref<2048xf32, #tpu.memory_space<vmem>>, vector<16xf32>,
    %broadcast_in_dim3A_659 = arith.constant 0.000000e+00 : f32
    %broadcast_in_dim3A_660 = vector.broadcast %broadcast_in_dim3A_659 : f32 to vector<16xf32>
    %swap3A_661 = arith.constant 1632 : index
    %swap3A_662 = tpu.vector_load %arg8[%swap3A_661] {strides = array<i32>} : memref<2048xf32, #tpu.memory_space<vmem>>, vector<16xf32>,
    %swap3A_663 = vector.shape_cast %swap3A_662 : vector<16xf32> to vector<16xf32>
    %swap3A_664 = vector.shape_cast %broadcast_in_dim3A_660 : vector<16xf32> to vector<16xf32>
    tpu.vector_store %arg8[%swap3A_661], %swap3A_664 {strides = array<i32>} : memref<2048xf32, #tpu.memory_space<vmem>>, vector<16xf32>,
    %broadcast_in_dim3A_665 = arith.constant 0.000000e+00 : f32
    %broadcast_in_dim3A_666 = vector.broadcast %broadcast_in_dim3A_665 : f32 to vector<16xf32>
    %swap3A_667 = arith.constant 1648 : index
    %swap3A_668 = tpu.vector_load %arg8[%swap3A_667] {strides = array<i32>} : memref<2048xf32, #tpu.memory_space<vmem>>, vector<16xf32>,
    %swap3A_669 = vector.shape_cast %swap3A_668 : vector<16xf32> to vector<16xf32>
    %swap3A_670 = vector.shape_cast %broadcast_in_dim3A_666 : vector<16xf32> to vector<16xf32>
    tpu.vector_store %arg8[%swap3A_667], %swap3A_670 {strides = array<i32>} : memref<2048xf32, #tpu.memory_space<vmem>>, vector<16xf32>,
    %broadcast_in_dim3A_671 = arith.constant 0.000000e+00 : f32
    %broadcast_in_dim3A_672 = vector.broadcast %broadcast_in_dim3A_671 : f32 to vector<16xf32>
    %swap3A_673 = arith.constant 1664 : index
    %swap3A_674 = tpu.vector_load %arg8[%swap3A_673] {strides = array<i32>} : memref<2048xf32, #tpu.memory_space<vmem>>, vector<16xf32>,
    %swap3A_675 = vector.shape_cast %swap3A_674 : vector<16xf32> to vector<16xf32>
    %swap3A_676 = vector.shape_cast %broadcast_in_dim3A_672 : vector<16xf32> to vector<16xf32>
    tpu.vector_store %arg8[%swap3A_673], %swap3A_676 {strides = array<i32>} : memref<2048xf32, #tpu.memory_space<vmem>>, vector<16xf32>,
    %broadcast_in_dim3A_677 = arith.constant 0.000000e+00 : f32
    %broadcast_in_dim3A_678 = vector.broadcast %broadcast_in_dim3A_677 : f32 to vector<16xf32>
    %swap3A_679 = arith.constant 1680 : index
    %swap3A_680 = tpu.vector_load %arg8[%swap3A_679] {strides = array<i32>} : memref<2048xf32, #tpu.memory_space<vmem>>, vector<16xf32>,
    %swap3A_681 = vector.shape_cast %swap3A_680 : vector<16xf32> to vector<16xf32>
    %swap3A_682 = vector.shape_cast %broadcast_in_dim3A_678 : vector<16xf32> to vector<16xf32>
    tpu.vector_store %arg8[%swap3A_679], %swap3A_682 {strides = array<i32>} : memref<2048xf32, #tpu.memory_space<vmem>>, vector<16xf32>,
    %broadcast_in_dim3A_683 = arith.constant 0.000000e+00 : f32
    %broadcast_in_dim3A_684 = vector.broadcast %broadcast_in_dim3A_683 : f32 to vector<16xf32>
    %swap3A_685 = arith.constant 1696 : index
    %swap3A_686 = tpu.vector_load %arg8[%swap3A_685] {strides = array<i32>} : memref<2048xf32, #tpu.memory_space<vmem>>, vector<16xf32>,
    %swap3A_687 = vector.shape_cast %swap3A_686 : vector<16xf32> to vector<16xf32>
    %swap3A_688 = vector.shape_cast %broadcast_in_dim3A_684 : vector<16xf32> to vector<16xf32>
    tpu.vector_store %arg8[%swap3A_685], %swap3A_688 {strides = array<i32>} : memref<2048xf32, #tpu.memory_space<vmem>>, vector<16xf32>,
    %broadcast_in_dim3A_689 = arith.constant 0.000000e+00 : f32
    %broadcast_in_dim3A_690 = vector.broadcast %broadcast_in_dim3A_689 : f32 to vector<16xf32>
    %swap3A_691 = arith.constant 1712 : index
    %swap3A_692 = tpu.vector_load %arg8[%swap3A_691] {strides = array<i32>} : memref<2048xf32, #tpu.memory_space<vmem>>, vector<16xf32>,
    %swap3A_693 = vector.shape_cast %swap3A_692 : vector<16xf32> to vector<16xf32>
    %swap3A_694 = vector.shape_cast %broadcast_in_dim3A_690 : vector<16xf32> to vector<16xf32>
    tpu.vector_store %arg8[%swap3A_691], %swap3A_694 {strides = array<i32>} : memref<2048xf32, #tpu.memory_space<vmem>>, vector<16xf32>,
    %broadcast_in_dim3A_695 = arith.constant 0.000000e+00 : f32
    %broadcast_in_dim3A_696 = vector.broadcast %broadcast_in_dim3A_695 : f32 to vector<16xf32>
    %swap3A_697 = arith.constant 1728 : index
    %swap3A_698 = tpu.vector_load %arg8[%swap3A_697] {strides = array<i32>} : memref<2048xf32, #tpu.memory_space<vmem>>, vector<16xf32>,
    %swap3A_699 = vector.shape_cast %swap3A_698 : vector<16xf32> to vector<16xf32>
    %swap3A_700 = vector.shape_cast %broadcast_in_dim3A_696 : vector<16xf32> to vector<16xf32>
    tpu.vector_store %arg8[%swap3A_697], %swap3A_700 {strides = array<i32>} : memref<2048xf32, #tpu.memory_space<vmem>>, vector<16xf32>,
    %broadcast_in_dim3A_701 = arith.constant 0.000000e+00 : f32
    %broadcast_in_dim3A_702 = vector.broadcast %broadcast_in_dim3A_701 : f32 to vector<16xf32>
    %swap3A_703 = arith.constant 1744 : index
    %swap3A_704 = tpu.vector_load %arg8[%swap3A_703] {strides = array<i32>} : memref<2048xf32, #tpu.memory_space<vmem>>, vector<16xf32>,
    %swap3A_705 = vector.shape_cast %swap3A_704 : vector<16xf32> to vector<16xf32>
    %swap3A_706 = vector.shape_cast %broadcast_in_dim3A_702 : vector<16xf32> to vector<16xf32>
    tpu.vector_store %arg8[%swap3A_703], %swap3A_706 {strides = array<i32>} : memref<2048xf32, #tpu.memory_space<vmem>>, vector<16xf32>,
    %broadcast_in_dim3A_707 = arith.constant 0.000000e+00 : f32
    %broadcast_in_dim3A_708 = vector.broadcast %broadcast_in_dim3A_707 : f32 to vector<16xf32>
    %swap3A_709 = arith.constant 1760 : index
    %swap3A_710 = tpu.vector_load %arg8[%swap3A_709] {strides = array<i32>} : memref<2048xf32, #tpu.memory_space<vmem>>, vector<16xf32>,
    %swap3A_711 = vector.shape_cast %swap3A_710 : vector<16xf32> to vector<16xf32>
    %swap3A_712 = vector.shape_cast %broadcast_in_dim3A_708 : vector<16xf32> to vector<16xf32>
    tpu.vector_store %arg8[%swap3A_709], %swap3A_712 {strides = array<i32>} : memref<2048xf32, #tpu.memory_space<vmem>>, vector<16xf32>,
    %broadcast_in_dim3A_713 = arith.constant 0.000000e+00 : f32
    %broadcast_in_dim3A_714 = vector.broadcast %broadcast_in_dim3A_713 : f32 to vector<16xf32>
    %swap3A_715 = arith.constant 1776 : index
    %swap3A_716 = tpu.vector_load %arg8[%swap3A_715] {strides = array<i32>} : memref<2048xf32, #tpu.memory_space<vmem>>, vector<16xf32>,
    %swap3A_717 = vector.shape_cast %swap3A_716 : vector<16xf32> to vector<16xf32>
    %swap3A_718 = vector.shape_cast %broadcast_in_dim3A_714 : vector<16xf32> to vector<16xf32>
    tpu.vector_store %arg8[%swap3A_715], %swap3A_718 {strides = array<i32>} : memref<2048xf32, #tpu.memory_space<vmem>>, vector<16xf32>,
    %broadcast_in_dim3A_719 = arith.constant 0.000000e+00 : f32
    %broadcast_in_dim3A_720 = vector.broadcast %broadcast_in_dim3A_719 : f32 to vector<16xf32>
    %swap3A_721 = arith.constant 1792 : index
    %swap3A_722 = tpu.vector_load %arg8[%swap3A_721] {strides = array<i32>} : memref<2048xf32, #tpu.memory_space<vmem>>, vector<16xf32>,
    %swap3A_723 = vector.shape_cast %swap3A_722 : vector<16xf32> to vector<16xf32>
    %swap3A_724 = vector.shape_cast %broadcast_in_dim3A_720 : vector<16xf32> to vector<16xf32>
    tpu.vector_store %arg8[%swap3A_721], %swap3A_724 {strides = array<i32>} : memref<2048xf32, #tpu.memory_space<vmem>>, vector<16xf32>,
    %broadcast_in_dim3A_725 = arith.constant 0.000000e+00 : f32
    %broadcast_in_dim3A_726 = vector.broadcast %broadcast_in_dim3A_725 : f32 to vector<16xf32>
    %swap3A_727 = arith.constant 1808 : index
    %swap3A_728 = tpu.vector_load %arg8[%swap3A_727] {strides = array<i32>} : memref<2048xf32, #tpu.memory_space<vmem>>, vector<16xf32>,
    %swap3A_729 = vector.shape_cast %swap3A_728 : vector<16xf32> to vector<16xf32>
    %swap3A_730 = vector.shape_cast %broadcast_in_dim3A_726 : vector<16xf32> to vector<16xf32>
    tpu.vector_store %arg8[%swap3A_727], %swap3A_730 {strides = array<i32>} : memref<2048xf32, #tpu.memory_space<vmem>>, vector<16xf32>,
    %broadcast_in_dim3A_731 = arith.constant 0.000000e+00 : f32
    %broadcast_in_dim3A_732 = vector.broadcast %broadcast_in_dim3A_731 : f32 to vector<16xf32>
    %swap3A_733 = arith.constant 1824 : index
    %swap3A_734 = tpu.vector_load %arg8[%swap3A_733] {strides = array<i32>} : memref<2048xf32, #tpu.memory_space<vmem>>, vector<16xf32>,
    %swap3A_735 = vector.shape_cast %swap3A_734 : vector<16xf32> to vector<16xf32>
    %swap3A_736 = vector.shape_cast %broadcast_in_dim3A_732 : vector<16xf32> to vector<16xf32>
    tpu.vector_store %arg8[%swap3A_733], %swap3A_736 {strides = array<i32>} : memref<2048xf32, #tpu.memory_space<vmem>>, vector<16xf32>,
    %broadcast_in_dim3A_737 = arith.constant 0.000000e+00 : f32
    %broadcast_in_dim3A_738 = vector.broadcast %broadcast_in_dim3A_737 : f32 to vector<16xf32>
    %swap3A_739 = arith.constant 1840 : index
    %swap3A_740 = tpu.vector_load %arg8[%swap3A_739] {strides = array<i32>} : memref<2048xf32, #tpu.memory_space<vmem>>, vector<16xf32>,
    %swap3A_741 = vector.shape_cast %swap3A_740 : vector<16xf32> to vector<16xf32>
    %swap3A_742 = vector.shape_cast %broadcast_in_dim3A_738 : vector<16xf32> to vector<16xf32>
    tpu.vector_store %arg8[%swap3A_739], %swap3A_742 {strides = array<i32>} : memref<2048xf32, #tpu.memory_space<vmem>>, vector<16xf32>,
    %broadcast_in_dim3A_743 = arith.constant 0.000000e+00 : f32
    %broadcast_in_dim3A_744 = vector.broadcast %broadcast_in_dim3A_743 : f32 to vector<16xf32>
    %swap3A_745 = arith.constant 1856 : index
    %swap3A_746 = tpu.vector_load %arg8[%swap3A_745] {strides = array<i32>} : memref<2048xf32, #tpu.memory_space<vmem>>, vector<16xf32>,
    %swap3A_747 = vector.shape_cast %swap3A_746 : vector<16xf32> to vector<16xf32>
    %swap3A_748 = vector.shape_cast %broadcast_in_dim3A_744 : vector<16xf32> to vector<16xf32>
    tpu.vector_store %arg8[%swap3A_745], %swap3A_748 {strides = array<i32>} : memref<2048xf32, #tpu.memory_space<vmem>>, vector<16xf32>,
    %broadcast_in_dim3A_749 = arith.constant 0.000000e+00 : f32
    %broadcast_in_dim3A_750 = vector.broadcast %broadcast_in_dim3A_749 : f32 to vector<16xf32>
    %swap3A_751 = arith.constant 1872 : index
    %swap3A_752 = tpu.vector_load %arg8[%swap3A_751] {strides = array<i32>} : memref<2048xf32, #tpu.memory_space<vmem>>, vector<16xf32>,
    %swap3A_753 = vector.shape_cast %swap3A_752 : vector<16xf32> to vector<16xf32>
    %swap3A_754 = vector.shape_cast %broadcast_in_dim3A_750 : vector<16xf32> to vector<16xf32>
    tpu.vector_store %arg8[%swap3A_751], %swap3A_754 {strides = array<i32>} : memref<2048xf32, #tpu.memory_space<vmem>>, vector<16xf32>,
    %broadcast_in_dim3A_755 = arith.constant 0.000000e+00 : f32
    %broadcast_in_dim3A_756 = vector.broadcast %broadcast_in_dim3A_755 : f32 to vector<16xf32>
    %swap3A_757 = arith.constant 1888 : index
    %swap3A_758 = tpu.vector_load %arg8[%swap3A_757] {strides = array<i32>} : memref<2048xf32, #tpu.memory_space<vmem>>, vector<16xf32>,
    %swap3A_759 = vector.shape_cast %swap3A_758 : vector<16xf32> to vector<16xf32>
    %swap3A_760 = vector.shape_cast %broadcast_in_dim3A_756 : vector<16xf32> to vector<16xf32>
    tpu.vector_store %arg8[%swap3A_757], %swap3A_760 {strides = array<i32>} : memref<2048xf32, #tpu.memory_space<vmem>>, vector<16xf32>,
    %broadcast_in_dim3A_761 = arith.constant 0.000000e+00 : f32
    %broadcast_in_dim3A_762 = vector.broadcast %broadcast_in_dim3A_761 : f32 to vector<16xf32>
    %swap3A_763 = arith.constant 1904 : index
    %swap3A_764 = tpu.vector_load %arg8[%swap3A_763] {strides = array<i32>} : memref<2048xf32, #tpu.memory_space<vmem>>, vector<16xf32>,
    %swap3A_765 = vector.shape_cast %swap3A_764 : vector<16xf32> to vector<16xf32>
    %swap3A_766 = vector.shape_cast %broadcast_in_dim3A_762 : vector<16xf32> to vector<16xf32>
    tpu.vector_store %arg8[%swap3A_763], %swap3A_766 {strides = array<i32>} : memref<2048xf32, #tpu.memory_space<vmem>>, vector<16xf32>,
    %broadcast_in_dim3A_767 = arith.constant 0.000000e+00 : f32
    %broadcast_in_dim3A_768 = vector.broadcast %broadcast_in_dim3A_767 : f32 to vector<16xf32>
    %swap3A_769 = arith.constant 1920 : index
    %swap3A_770 = tpu.vector_load %arg8[%swap3A_769] {strides = array<i32>} : memref<2048xf32, #tpu.memory_space<vmem>>, vector<16xf32>,
    %swap3A_771 = vector.shape_cast %swap3A_770 : vector<16xf32> to vector<16xf32>
    %swap3A_772 = vector.shape_cast %broadcast_in_dim3A_768 : vector<16xf32> to vector<16xf32>
    tpu.vector_store %arg8[%swap3A_769], %swap3A_772 {strides = array<i32>} : memref<2048xf32, #tpu.memory_space<vmem>>, vector<16xf32>,
    %broadcast_in_dim3A_773 = arith.constant 0.000000e+00 : f32
    %broadcast_in_dim3A_774 = vector.broadcast %broadcast_in_dim3A_773 : f32 to vector<16xf32>
    %swap3A_775 = arith.constant 1936 : index
    %swap3A_776 = tpu.vector_load %arg8[%swap3A_775] {strides = array<i32>} : memref<2048xf32, #tpu.memory_space<vmem>>, vector<16xf32>,
    %swap3A_777 = vector.shape_cast %swap3A_776 : vector<16xf32> to vector<16xf32>
    %swap3A_778 = vector.shape_cast %broadcast_in_dim3A_774 : vector<16xf32> to vector<16xf32>
    tpu.vector_store %arg8[%swap3A_775], %swap3A_778 {strides = array<i32>} : memref<2048xf32, #tpu.memory_space<vmem>>, vector<16xf32>,
    %broadcast_in_dim3A_779 = arith.constant 0.000000e+00 : f32
    %broadcast_in_dim3A_780 = vector.broadcast %broadcast_in_dim3A_779 : f32 to vector<16xf32>
    %swap3A_781 = arith.constant 1952 : index
    %swap3A_782 = tpu.vector_load %arg8[%swap3A_781] {strides = array<i32>} : memref<2048xf32, #tpu.memory_space<vmem>>, vector<16xf32>,
    %swap3A_783 = vector.shape_cast %swap3A_782 : vector<16xf32> to vector<16xf32>
    %swap3A_784 = vector.shape_cast %broadcast_in_dim3A_780 : vector<16xf32> to vector<16xf32>
    tpu.vector_store %arg8[%swap3A_781], %swap3A_784 {strides = array<i32>} : memref<2048xf32, #tpu.memory_space<vmem>>, vector<16xf32>,
    %broadcast_in_dim3A_785 = arith.constant 0.000000e+00 : f32
    %broadcast_in_dim3A_786 = vector.broadcast %broadcast_in_dim3A_785 : f32 to vector<16xf32>
    %swap3A_787 = arith.constant 1968 : index
    %swap3A_788 = tpu.vector_load %arg8[%swap3A_787] {strides = array<i32>} : memref<2048xf32, #tpu.memory_space<vmem>>, vector<16xf32>,
    %swap3A_789 = vector.shape_cast %swap3A_788 : vector<16xf32> to vector<16xf32>
    %swap3A_790 = vector.shape_cast %broadcast_in_dim3A_786 : vector<16xf32> to vector<16xf32>
    tpu.vector_store %arg8[%swap3A_787], %swap3A_790 {strides = array<i32>} : memref<2048xf32, #tpu.memory_space<vmem>>, vector<16xf32>,
    %broadcast_in_dim3A_791 = arith.constant 0.000000e+00 : f32
    %broadcast_in_dim3A_792 = vector.broadcast %broadcast_in_dim3A_791 : f32 to vector<16xf32>
    %swap3A_793 = arith.constant 1984 : index
    %swap3A_794 = tpu.vector_load %arg8[%swap3A_793] {strides = array<i32>} : memref<2048xf32, #tpu.memory_space<vmem>>, vector<16xf32>,
    %swap3A_795 = vector.shape_cast %swap3A_794 : vector<16xf32> to vector<16xf32>
    %swap3A_796 = vector.shape_cast %broadcast_in_dim3A_792 : vector<16xf32> to vector<16xf32>
    tpu.vector_store %arg8[%swap3A_793], %swap3A_796 {strides = array<i32>} : memref<2048xf32, #tpu.memory_space<vmem>>, vector<16xf32>,
    %broadcast_in_dim3A_797 = arith.constant 0.000000e+00 : f32
    %broadcast_in_dim3A_798 = vector.broadcast %broadcast_in_dim3A_797 : f32 to vector<16xf32>
    %swap3A_799 = arith.constant 2000 : index
    %swap3A_800 = tpu.vector_load %arg8[%swap3A_799] {strides = array<i32>} : memref<2048xf32, #tpu.memory_space<vmem>>, vector<16xf32>,
    %swap3A_801 = vector.shape_cast %swap3A_800 : vector<16xf32> to vector<16xf32>
    %swap3A_802 = vector.shape_cast %broadcast_in_dim3A_798 : vector<16xf32> to vector<16xf32>
    tpu.vector_store %arg8[%swap3A_799], %swap3A_802 {strides = array<i32>} : memref<2048xf32, #tpu.memory_space<vmem>>, vector<16xf32>,
    %broadcast_in_dim3A_803 = arith.constant 0.000000e+00 : f32
    %broadcast_in_dim3A_804 = vector.broadcast %broadcast_in_dim3A_803 : f32 to vector<16xf32>
    %swap3A_805 = arith.constant 2016 : index
    %swap3A_806 = tpu.vector_load %arg8[%swap3A_805] {strides = array<i32>} : memref<2048xf32, #tpu.memory_space<vmem>>, vector<16xf32>,
    %swap3A_807 = vector.shape_cast %swap3A_806 : vector<16xf32> to vector<16xf32>
    %swap3A_808 = vector.shape_cast %broadcast_in_dim3A_804 : vector<16xf32> to vector<16xf32>
    tpu.vector_store %arg8[%swap3A_805], %swap3A_808 {strides = array<i32>} : memref<2048xf32, #tpu.memory_space<vmem>>, vector<16xf32>,
    %broadcast_in_dim3A_809 = arith.constant 0.000000e+00 : f32
    %broadcast_in_dim3A_810 = vector.broadcast %broadcast_in_dim3A_809 : f32 to vector<16xf32>
    %swap3A_811 = arith.constant 2032 : index
    %swap3A_812 = tpu.vector_load %arg8[%swap3A_811] {strides = array<i32>} : memref<2048xf32, #tpu.memory_space<vmem>>, vector<16xf32>,
    %swap3A_813 = vector.shape_cast %swap3A_812 : vector<16xf32> to vector<16xf32>
    %swap3A_814 = vector.shape_cast %broadcast_in_dim3A_810 : vector<16xf32> to vector<16xf32>
    tpu.vector_store %arg8[%swap3A_811], %swap3A_814 {strides = array<i32>} : memref<2048xf32, #tpu.memory_space<vmem>>, vector<16xf32>,
    %mul3A_815 = arith.constant 6400 : i32
    %mul3A_816 = arith.muli %arg1, %mul3A_815 : i32
    %add3A_817 = arith.constant 0 : i32
    %add3A_818 = arith.addi %mul3A_816, %add3A_817 : i32
    %dma_start3A = tpu.memref_slice %arg9[%add3A_818] : memref<102400xf32, #tpu.memory_space<vmem_shared>> -> memref<2048xf32, #tpu.memory_space<vmem_shared>>
    %dma_start3A_819 = tpu.memref_slice %arg9[%add3A_818] : memref<102400xf32, #tpu.memory_space<vmem_shared>> -> memref<2048xf32, #tpu.memory_space<vmem_shared>>
    tpu.enqueue_dma source(%arg8 : memref<2048xf32, #tpu.memory_space<vmem>>) target(%dma_start3A_819 : memref<2048xf32, #tpu.memory_space<vmem_shared>>) target_semaphore(%arg11 : memref<!tpu.dma_semaphore, #tpu.memory_space<semaphore_mem>>)
    %add3A_820 = arith.constant 2048 : i32
    %add3A_821 = arith.addi %mul3A_816, %add3A_820 : i32
    %dma_start3A_822 = tpu.memref_slice %arg9[%add3A_821] : memref<102400xf32, #tpu.memory_space<vmem_shared>> -> memref<2048xf32, #tpu.memory_space<vmem_shared>>
    %dma_start3A_823 = tpu.memref_slice %arg9[%add3A_821] : memref<102400xf32, #tpu.memory_space<vmem_shared>> -> memref<2048xf32, #tpu.memory_space<vmem_shared>>
    tpu.enqueue_dma source(%arg8 : memref<2048xf32, #tpu.memory_space<vmem>>) target(%dma_start3A_823 : memref<2048xf32, #tpu.memory_space<vmem_shared>>) target_semaphore(%arg11 : memref<!tpu.dma_semaphore, #tpu.memory_space<semaphore_mem>>)
    %add3A_824 = arith.constant 4096 : i32
    %add3A_825 = arith.addi %mul3A_816, %add3A_824 : i32
    %dma_start3A_826 = tpu.memref_slice %arg9[%add3A_825] : memref<102400xf32, #tpu.memory_space<vmem_shared>> -> memref<2048xf32, #tpu.memory_space<vmem_shared>>
    %dma_start3A_827 = tpu.memref_slice %arg9[%add3A_825] : memref<102400xf32, #tpu.memory_space<vmem_shared>> -> memref<2048xf32, #tpu.memory_space<vmem_shared>>
    tpu.enqueue_dma source(%arg8 : memref<2048xf32, #tpu.memory_space<vmem>>) target(%dma_start3A_827 : memref<2048xf32, #tpu.memory_space<vmem_shared>>) target_semaphore(%arg11 : memref<!tpu.dma_semaphore, #tpu.memory_space<semaphore_mem>>)
    %add3A_828 = arith.constant 6144 : i32
    %add3A_829 = arith.addi %mul3A_816, %add3A_828 : i32
    %dma_start3A_830 = arith.constant 0 : i32
    %dma_start3A_831 = tpu.memref_slice %arg8[%dma_start3A_830] : memref<2048xf32, #tpu.memory_space<vmem>> -> memref<256xf32, #tpu.memory_space<vmem>>
    %dma_start3A_832 = tpu.memref_slice %arg9[%add3A_829] : memref<102400xf32, #tpu.memory_space<vmem_shared>> -> memref<256xf32, #tpu.memory_space<vmem_shared>>
    %dma_start3A_833 = tpu.memref_slice %arg9[%add3A_829] : memref<102400xf32, #tpu.memory_space<vmem_shared>> -> memref<256xf32, #tpu.memory_space<vmem_shared>>
    %dma_start3A_834 = arith.constant 0 : i32
    %dma_start3A_835 = tpu.memref_slice %arg8[%dma_start3A_834] : memref<2048xf32, #tpu.memory_space<vmem>> -> memref<256xf32, #tpu.memory_space<vmem>>
    tpu.enqueue_dma source(%dma_start3A_835 : memref<256xf32, #tpu.memory_space<vmem>>) target(%dma_start3A_833 : memref<256xf32, #tpu.memory_space<vmem_shared>>) target_semaphore(%arg11 : memref<!tpu.dma_semaphore, #tpu.memory_space<semaphore_mem>>)
    %add3A_836 = arith.constant 0 : i32
    %add3A_837 = arith.addi %mul3A_816, %add3A_836 : i32
    %dma_start3A_838 = tpu.memref_slice %arg10[%add3A_837] : memref<102400xf32, #tpu.memory_space<vmem_shared>> -> memref<2048xf32, #tpu.memory_space<vmem_shared>>
    %dma_start3A_839 = tpu.memref_slice %arg10[%add3A_837] : memref<102400xf32, #tpu.memory_space<vmem_shared>> -> memref<2048xf32, #tpu.memory_space<vmem_shared>>
    tpu.enqueue_dma source(%arg8 : memref<2048xf32, #tpu.memory_space<vmem>>) target(%dma_start3A_839 : memref<2048xf32, #tpu.memory_space<vmem_shared>>) target_semaphore(%arg11 : memref<!tpu.dma_semaphore, #tpu.memory_space<semaphore_mem>>)
    %add3A_840 = arith.constant 2048 : i32
    %add3A_841 = arith.addi %mul3A_816, %add3A_840 : i32
    %dma_start3A_842 = tpu.memref_slice %arg10[%add3A_841] : memref<102400xf32, #tpu.memory_space<vmem_shared>> -> memref<2048xf32, #tpu.memory_space<vmem_shared>>
    %dma_start3A_843 = tpu.memref_slice %arg10[%add3A_841] : memref<102400xf32, #tpu.memory_space<vmem_shared>> -> memref<2048xf32, #tpu.memory_space<vmem_shared>>
    tpu.enqueue_dma source(%arg8 : memref<2048xf32, #tpu.memory_space<vmem>>) target(%dma_start3A_843 : memref<2048xf32, #tpu.memory_space<vmem_shared>>) target_semaphore(%arg11 : memref<!tpu.dma_semaphore, #tpu.memory_space<semaphore_mem>>)
    %add3A_844 = arith.constant 4096 : i32
    %add3A_845 = arith.addi %mul3A_816, %add3A_844 : i32
    %dma_start3A_846 = tpu.memref_slice %arg10[%add3A_845] : memref<102400xf32, #tpu.memory_space<vmem_shared>> -> memref<2048xf32, #tpu.memory_space<vmem_shared>>
    %dma_start3A_847 = tpu.memref_slice %arg10[%add3A_845] : memref<102400xf32, #tpu.memory_space<vmem_shared>> -> memref<2048xf32, #tpu.memory_space<vmem_shared>>
    tpu.enqueue_dma source(%arg8 : memref<2048xf32, #tpu.memory_space<vmem>>) target(%dma_start3A_847 : memref<2048xf32, #tpu.memory_space<vmem_shared>>) target_semaphore(%arg11 : memref<!tpu.dma_semaphore, #tpu.memory_space<semaphore_mem>>)
    %add3A_848 = arith.constant 6144 : i32
    %add3A_849 = arith.addi %mul3A_816, %add3A_848 : i32
    %dma_start3A_850 = arith.constant 0 : i32
    %dma_start3A_851 = tpu.memref_slice %arg8[%dma_start3A_850] : memref<2048xf32, #tpu.memory_space<vmem>> -> memref<256xf32, #tpu.memory_space<vmem>>
    %dma_start3A_852 = tpu.memref_slice %arg10[%add3A_849] : memref<102400xf32, #tpu.memory_space<vmem_shared>> -> memref<256xf32, #tpu.memory_space<vmem_shared>>
    %dma_start3A_853 = tpu.memref_slice %arg10[%add3A_849] : memref<102400xf32, #tpu.memory_space<vmem_shared>> -> memref<256xf32, #tpu.memory_space<vmem_shared>>
    %dma_start3A_854 = arith.constant 0 : i32
    %dma_start3A_855 = tpu.memref_slice %arg8[%dma_start3A_854] : memref<2048xf32, #tpu.memory_space<vmem>> -> memref<256xf32, #tpu.memory_space<vmem>>
    tpu.enqueue_dma source(%dma_start3A_855 : memref<256xf32, #tpu.memory_space<vmem>>) target(%dma_start3A_853 : memref<256xf32, #tpu.memory_space<vmem_shared>>) target_semaphore(%arg11 : memref<!tpu.dma_semaphore, #tpu.memory_space<semaphore_mem>>)
    %mul3A_856 = arith.constant 16 : i32
    %mul3A_857 = arith.muli %add3A, %mul3A_856 : i32
    "tpu.region"() ({
      %run_scoped3A = tpu.sem_alloc : memref<!tpu.dma_semaphore, #tpu.memory_space<semaphore_mem>>
      %dma_start3A_1284 = arith.constant 0 : i32
      %dma_start3A_1285 = tpu.memref_slice %arg2[%mul3A_857, %dma_start3A_1284] : memref<512x128xi32, #tpu.memory_space<hbm>> -> memref<16x128xi32, #tpu.memory_space<hbm>>
      %dma_start3A_1286 = arith.constant 0 : i32
      %dma_start3A_1287 = tpu.memref_slice %arg2[%mul3A_857, %dma_start3A_1286] : memref<512x128xi32, #tpu.memory_space<hbm>> -> memref<16x128xi32, #tpu.memory_space<hbm>>
      tpu.enqueue_dma source(%dma_start3A_1287 : memref<16x128xi32, #tpu.memory_space<hbm>>) target(%arg5 : memref<16x128xi32, #tpu.memory_space<vmem>>) target_semaphore(%run_scoped3A : memref<!tpu.dma_semaphore, #tpu.memory_space<semaphore_mem>>)
      %dma_wait3A_1288 = arith.constant 0 : i32
      %dma_wait3A_1289 = tpu.memref_slice %arg2[%mul3A_857, %dma_wait3A_1288] : memref<512x128xi32, #tpu.memory_space<hbm>> -> memref<16x128xi32, #tpu.memory_space<hbm>>
      %dma_wait3A_1290 = arith.constant 0 : i32
      %dma_wait3A_1291 = tpu.memref_slice %arg2[%mul3A_857, %dma_wait3A_1290] : memref<512x128xi32, #tpu.memory_space<hbm>> -> memref<16x128xi32, #tpu.memory_space<hbm>>
      tpu.wait_dma2 semaphore(%run_scoped3A : memref<!tpu.dma_semaphore, #tpu.memory_space<semaphore_mem>>) src(%dma_wait3A_1291 : memref<16x128xi32, #tpu.memory_space<hbm>>) dst(%arg5 : memref<16x128xi32, #tpu.memory_space<vmem>>)
      tpu.yield
    }) : () -> ()
    %mul3A_858 = arith.constant 16 : i32
    %mul3A_859 = arith.muli %add3A, %mul3A_858 : i32
    "tpu.region"() ({
      %run_scoped3A = tpu.sem_alloc : memref<!tpu.dma_semaphore, #tpu.memory_space<semaphore_mem>>
      %dma_start3A_1284 = arith.constant 0 : i32
      %dma_start3A_1285 = tpu.memref_slice %arg3[%mul3A_859, %dma_start3A_1284] : memref<512x128xi32, #tpu.memory_space<hbm>> -> memref<16x128xi32, #tpu.memory_space<hbm>>
      %dma_start3A_1286 = arith.constant 0 : i32
      %dma_start3A_1287 = tpu.memref_slice %arg3[%mul3A_859, %dma_start3A_1286] : memref<512x128xi32, #tpu.memory_space<hbm>> -> memref<16x128xi32, #tpu.memory_space<hbm>>
      tpu.enqueue_dma source(%dma_start3A_1287 : memref<16x128xi32, #tpu.memory_space<hbm>>) target(%arg6 : memref<16x128xi32, #tpu.memory_space<vmem>>) target_semaphore(%run_scoped3A : memref<!tpu.dma_semaphore, #tpu.memory_space<semaphore_mem>>)
      %dma_wait3A_1288 = arith.constant 0 : i32
      %dma_wait3A_1289 = tpu.memref_slice %arg3[%mul3A_859, %dma_wait3A_1288] : memref<512x128xi32, #tpu.memory_space<hbm>> -> memref<16x128xi32, #tpu.memory_space<hbm>>
      %dma_wait3A_1290 = arith.constant 0 : i32
      %dma_wait3A_1291 = tpu.memref_slice %arg3[%mul3A_859, %dma_wait3A_1290] : memref<512x128xi32, #tpu.memory_space<hbm>> -> memref<16x128xi32, #tpu.memory_space<hbm>>
      tpu.wait_dma2 semaphore(%run_scoped3A : memref<!tpu.dma_semaphore, #tpu.memory_space<semaphore_mem>>) src(%dma_wait3A_1291 : memref<16x128xi32, #tpu.memory_space<hbm>>) dst(%arg6 : memref<16x128xi32, #tpu.memory_space<vmem>>)
      tpu.yield
    }) : () -> ()
    %dma_wait3A = tpu.memref_slice %arg9[%add3A_818] : memref<102400xf32, #tpu.memory_space<vmem_shared>> -> memref<2048xf32, #tpu.memory_space<vmem_shared>>
    %dma_wait3A_860 = tpu.memref_slice %arg9[%add3A_818] : memref<102400xf32, #tpu.memory_space<vmem_shared>> -> memref<2048xf32, #tpu.memory_space<vmem_shared>>
    tpu.wait_dma2 semaphore(%arg11 : memref<!tpu.dma_semaphore, #tpu.memory_space<semaphore_mem>>) src(%arg8 : memref<2048xf32, #tpu.memory_space<vmem>>) dst(%dma_wait3A_860 : memref<2048xf32, #tpu.memory_space<vmem_shared>>)
    %dma_wait3A_861 = tpu.memref_slice %arg9[%add3A_821] : memref<102400xf32, #tpu.memory_space<vmem_shared>> -> memref<2048xf32, #tpu.memory_space<vmem_shared>>
    %dma_wait3A_862 = tpu.memref_slice %arg9[%add3A_821] : memref<102400xf32, #tpu.memory_space<vmem_shared>> -> memref<2048xf32, #tpu.memory_space<vmem_shared>>
    tpu.wait_dma2 semaphore(%arg11 : memref<!tpu.dma_semaphore, #tpu.memory_space<semaphore_mem>>) src(%arg8 : memref<2048xf32, #tpu.memory_space<vmem>>) dst(%dma_wait3A_862 : memref<2048xf32, #tpu.memory_space<vmem_shared>>)
    %dma_wait3A_863 = tpu.memref_slice %arg9[%add3A_825] : memref<102400xf32, #tpu.memory_space<vmem_shared>> -> memref<2048xf32, #tpu.memory_space<vmem_shared>>
    %dma_wait3A_864 = tpu.memref_slice %arg9[%add3A_825] : memref<102400xf32, #tpu.memory_space<vmem_shared>> -> memref<2048xf32, #tpu.memory_space<vmem_shared>>
    tpu.wait_dma2 semaphore(%arg11 : memref<!tpu.dma_semaphore, #tpu.memory_space<semaphore_mem>>) src(%arg8 : memref<2048xf32, #tpu.memory_space<vmem>>) dst(%dma_wait3A_864 : memref<2048xf32, #tpu.memory_space<vmem_shared>>)
    %dma_wait3A_865 = arith.constant 0 : i32
    %dma_wait3A_866 = tpu.memref_slice %arg8[%dma_wait3A_865] : memref<2048xf32, #tpu.memory_space<vmem>> -> memref<256xf32, #tpu.memory_space<vmem>>
    %dma_wait3A_867 = tpu.memref_slice %arg9[%add3A_829] : memref<102400xf32, #tpu.memory_space<vmem_shared>> -> memref<256xf32, #tpu.memory_space<vmem_shared>>
    %dma_wait3A_868 = tpu.memref_slice %arg9[%add3A_829] : memref<102400xf32, #tpu.memory_space<vmem_shared>> -> memref<256xf32, #tpu.memory_space<vmem_shared>>
    %dma_wait3A_869 = arith.constant 0 : i32
    %dma_wait3A_870 = tpu.memref_slice %arg8[%dma_wait3A_869] : memref<2048xf32, #tpu.memory_space<vmem>> -> memref<256xf32, #tpu.memory_space<vmem>>
    tpu.wait_dma2 semaphore(%arg11 : memref<!tpu.dma_semaphore, #tpu.memory_space<semaphore_mem>>) src(%dma_wait3A_870 : memref<256xf32, #tpu.memory_space<vmem>>) dst(%dma_wait3A_868 : memref<256xf32, #tpu.memory_space<vmem_shared>>)
    %dma_wait3A_871 = tpu.memref_slice %arg10[%add3A_837] : memref<102400xf32, #tpu.memory_space<vmem_shared>> -> memref<2048xf32, #tpu.memory_space<vmem_shared>>
    %dma_wait3A_872 = tpu.memref_slice %arg10[%add3A_837] : memref<102400xf32, #tpu.memory_space<vmem_shared>> -> memref<2048xf32, #tpu.memory_space<vmem_shared>>
    tpu.wait_dma2 semaphore(%arg11 : memref<!tpu.dma_semaphore, #tpu.memory_space<semaphore_mem>>) src(%arg8 : memref<2048xf32, #tpu.memory_space<vmem>>) dst(%dma_wait3A_872 : memref<2048xf32, #tpu.memory_space<vmem_shared>>)
    %dma_wait3A_873 = tpu.memref_slice %arg10[%add3A_841] : memref<102400xf32, #tpu.memory_space<vmem_shared>> -> memref<2048xf32, #tpu.memory_space<vmem_shared>>
    %dma_wait3A_874 = tpu.memref_slice %arg10[%add3A_841] : memref<102400xf32, #tpu.memory_space<vmem_shared>> -> memref<2048xf32, #tpu.memory_space<vmem_shared>>
    tpu.wait_dma2 semaphore(%arg11 : memref<!tpu.dma_semaphore, #tpu.memory_space<semaphore_mem>>) src(%arg8 : memref<2048xf32, #tpu.memory_space<vmem>>) dst(%dma_wait3A_874 : memref<2048xf32, #tpu.memory_space<vmem_shared>>)
    %dma_wait3A_875 = tpu.memref_slice %arg10[%add3A_845] : memref<102400xf32, #tpu.memory_space<vmem_shared>> -> memref<2048xf32, #tpu.memory_space<vmem_shared>>
    %dma_wait3A_876 = tpu.memref_slice %arg10[%add3A_845] : memref<102400xf32, #tpu.memory_space<vmem_shared>> -> memref<2048xf32, #tpu.memory_space<vmem_shared>>
    tpu.wait_dma2 semaphore(%arg11 : memref<!tpu.dma_semaphore, #tpu.memory_space<semaphore_mem>>) src(%arg8 : memref<2048xf32, #tpu.memory_space<vmem>>) dst(%dma_wait3A_876 : memref<2048xf32, #tpu.memory_space<vmem_shared>>)
    %dma_wait3A_877 = arith.constant 0 : i32
    %dma_wait3A_878 = tpu.memref_slice %arg8[%dma_wait3A_877] : memref<2048xf32, #tpu.memory_space<vmem>> -> memref<256xf32, #tpu.memory_space<vmem>>
    %dma_wait3A_879 = tpu.memref_slice %arg10[%add3A_849] : memref<102400xf32, #tpu.memory_space<vmem_shared>> -> memref<256xf32, #tpu.memory_space<vmem_shared>>
    %dma_wait3A_880 = tpu.memref_slice %arg10[%add3A_849] : memref<102400xf32, #tpu.memory_space<vmem_shared>> -> memref<256xf32, #tpu.memory_space<vmem_shared>>
    %dma_wait3A_881 = arith.constant 0 : i32
    %dma_wait3A_882 = tpu.memref_slice %arg8[%dma_wait3A_881] : memref<2048xf32, #tpu.memory_space<vmem>> -> memref<256xf32, #tpu.memory_space<vmem>>
    tpu.wait_dma2 semaphore(%arg11 : memref<!tpu.dma_semaphore, #tpu.memory_space<semaphore_mem>>) src(%dma_wait3A_882 : memref<256xf32, #tpu.memory_space<vmem>>) dst(%dma_wait3A_880 : memref<256xf32, #tpu.memory_space<vmem_shared>>)
    %barrier3A = arith.constant 0 : index
    tpu.barrier barrier_id(%barrier3A)
    %dma_start3A_883 = arith.constant 0 : i32
    %dma_start3A_884 = arith.constant 0 : i32
    %dma_start3A_885 = tpu.memref_slice %arg5[%dma_start3A_883, %dma_start3A_884] : memref<16x128xi32, #tpu.memory_space<vmem>> -> memref<1x128xi32, #tpu.memory_space<vmem>>
    %dma_start3A_886 = tpu.memref_squeeze %dma_start3A_885 : memref<1x128xi32, #tpu.memory_space<vmem>> -> memref<128xi32, #tpu.memory_space<vmem>>
    %dma_start3A_887 = arith.constant 0 : i32
    %dma_start3A_888 = tpu.memref_slice %arg9[%dma_start3A_887] : memref<102400xf32, #tpu.memory_space<vmem_shared>> -> memref<102400xf32, #tpu.memory_space<vmem_shared>>
    tpu.enqueue_indirect_dma source(%arg7 : memref<128xf32, #tpu.memory_space<vmem>>) target(%dma_start3A_888 : memref<102400xf32, #tpu.memory_space<vmem_shared>>) offsets(%dma_start3A_886 : memref<128xi32, #tpu.memory_space<vmem>>) semaphore(%arg11 : memref<!tpu.dma_semaphore, #tpu.memory_space<semaphore_mem>>) {add = true}
    %dma_start3A_889 = arith.constant 1 : i32
    %dma_start3A_890 = arith.constant 0 : i32
    %dma_start3A_891 = tpu.memref_slice %arg5[%dma_start3A_889, %dma_start3A_890] : memref<16x128xi32, #tpu.memory_space<vmem>> -> memref<1x128xi32, #tpu.memory_space<vmem>>
    %dma_start3A_892 = tpu.memref_squeeze %dma_start3A_891 : memref<1x128xi32, #tpu.memory_space<vmem>> -> memref<128xi32, #tpu.memory_space<vmem>>
    %dma_start3A_893 = arith.constant 0 : i32
    %dma_start3A_894 = tpu.memref_slice %arg9[%dma_start3A_893] : memref<102400xf32, #tpu.memory_space<vmem_shared>> -> memref<102400xf32, #tpu.memory_space<vmem_shared>>
    tpu.enqueue_indirect_dma source(%arg7 : memref<128xf32, #tpu.memory_space<vmem>>) target(%dma_start3A_894 : memref<102400xf32, #tpu.memory_space<vmem_shared>>) offsets(%dma_start3A_892 : memref<128xi32, #tpu.memory_space<vmem>>) semaphore(%arg11 : memref<!tpu.dma_semaphore, #tpu.memory_space<semaphore_mem>>) {add = true}
    %dma_start3A_895 = arith.constant 2 : i32
    %dma_start3A_896 = arith.constant 0 : i32
    %dma_start3A_897 = tpu.memref_slice %arg5[%dma_start3A_895, %dma_start3A_896] : memref<16x128xi32, #tpu.memory_space<vmem>> -> memref<1x128xi32, #tpu.memory_space<vmem>>
    %dma_start3A_898 = tpu.memref_squeeze %dma_start3A_897 : memref<1x128xi32, #tpu.memory_space<vmem>> -> memref<128xi32, #tpu.memory_space<vmem>>
    %dma_start3A_899 = arith.constant 0 : i32
    %dma_start3A_900 = tpu.memref_slice %arg9[%dma_start3A_899] : memref<102400xf32, #tpu.memory_space<vmem_shared>> -> memref<102400xf32, #tpu.memory_space<vmem_shared>>
    tpu.enqueue_indirect_dma source(%arg7 : memref<128xf32, #tpu.memory_space<vmem>>) target(%dma_start3A_900 : memref<102400xf32, #tpu.memory_space<vmem_shared>>) offsets(%dma_start3A_898 : memref<128xi32, #tpu.memory_space<vmem>>) semaphore(%arg11 : memref<!tpu.dma_semaphore, #tpu.memory_space<semaphore_mem>>) {add = true}
    %dma_start3A_901 = arith.constant 3 : i32
    %dma_start3A_902 = arith.constant 0 : i32
    %dma_start3A_903 = tpu.memref_slice %arg5[%dma_start3A_901, %dma_start3A_902] : memref<16x128xi32, #tpu.memory_space<vmem>> -> memref<1x128xi32, #tpu.memory_space<vmem>>
    %dma_start3A_904 = tpu.memref_squeeze %dma_start3A_903 : memref<1x128xi32, #tpu.memory_space<vmem>> -> memref<128xi32, #tpu.memory_space<vmem>>
    %dma_start3A_905 = arith.constant 0 : i32
    %dma_start3A_906 = tpu.memref_slice %arg9[%dma_start3A_905] : memref<102400xf32, #tpu.memory_space<vmem_shared>> -> memref<102400xf32, #tpu.memory_space<vmem_shared>>
    tpu.enqueue_indirect_dma source(%arg7 : memref<128xf32, #tpu.memory_space<vmem>>) target(%dma_start3A_906 : memref<102400xf32, #tpu.memory_space<vmem_shared>>) offsets(%dma_start3A_904 : memref<128xi32, #tpu.memory_space<vmem>>) semaphore(%arg11 : memref<!tpu.dma_semaphore, #tpu.memory_space<semaphore_mem>>) {add = true}
    %dma_start3A_907 = arith.constant 4 : i32
    %dma_start3A_908 = arith.constant 0 : i32
    %dma_start3A_909 = tpu.memref_slice %arg5[%dma_start3A_907, %dma_start3A_908] : memref<16x128xi32, #tpu.memory_space<vmem>> -> memref<1x128xi32, #tpu.memory_space<vmem>>
    %dma_start3A_910 = tpu.memref_squeeze %dma_start3A_909 : memref<1x128xi32, #tpu.memory_space<vmem>> -> memref<128xi32, #tpu.memory_space<vmem>>
    %dma_start3A_911 = arith.constant 0 : i32
    %dma_start3A_912 = tpu.memref_slice %arg9[%dma_start3A_911] : memref<102400xf32, #tpu.memory_space<vmem_shared>> -> memref<102400xf32, #tpu.memory_space<vmem_shared>>
    tpu.enqueue_indirect_dma source(%arg7 : memref<128xf32, #tpu.memory_space<vmem>>) target(%dma_start3A_912 : memref<102400xf32, #tpu.memory_space<vmem_shared>>) offsets(%dma_start3A_910 : memref<128xi32, #tpu.memory_space<vmem>>) semaphore(%arg11 : memref<!tpu.dma_semaphore, #tpu.memory_space<semaphore_mem>>) {add = true}
    %dma_start3A_913 = arith.constant 5 : i32
    %dma_start3A_914 = arith.constant 0 : i32
    %dma_start3A_915 = tpu.memref_slice %arg5[%dma_start3A_913, %dma_start3A_914] : memref<16x128xi32, #tpu.memory_space<vmem>> -> memref<1x128xi32, #tpu.memory_space<vmem>>
    %dma_start3A_916 = tpu.memref_squeeze %dma_start3A_915 : memref<1x128xi32, #tpu.memory_space<vmem>> -> memref<128xi32, #tpu.memory_space<vmem>>
    %dma_start3A_917 = arith.constant 0 : i32
    %dma_start3A_918 = tpu.memref_slice %arg9[%dma_start3A_917] : memref<102400xf32, #tpu.memory_space<vmem_shared>> -> memref<102400xf32, #tpu.memory_space<vmem_shared>>
    tpu.enqueue_indirect_dma source(%arg7 : memref<128xf32, #tpu.memory_space<vmem>>) target(%dma_start3A_918 : memref<102400xf32, #tpu.memory_space<vmem_shared>>) offsets(%dma_start3A_916 : memref<128xi32, #tpu.memory_space<vmem>>) semaphore(%arg11 : memref<!tpu.dma_semaphore, #tpu.memory_space<semaphore_mem>>) {add = true}
    %dma_start3A_919 = arith.constant 6 : i32
    %dma_start3A_920 = arith.constant 0 : i32
    %dma_start3A_921 = tpu.memref_slice %arg5[%dma_start3A_919, %dma_start3A_920] : memref<16x128xi32, #tpu.memory_space<vmem>> -> memref<1x128xi32, #tpu.memory_space<vmem>>
    %dma_start3A_922 = tpu.memref_squeeze %dma_start3A_921 : memref<1x128xi32, #tpu.memory_space<vmem>> -> memref<128xi32, #tpu.memory_space<vmem>>
    %dma_start3A_923 = arith.constant 0 : i32
    %dma_start3A_924 = tpu.memref_slice %arg9[%dma_start3A_923] : memref<102400xf32, #tpu.memory_space<vmem_shared>> -> memref<102400xf32, #tpu.memory_space<vmem_shared>>
    tpu.enqueue_indirect_dma source(%arg7 : memref<128xf32, #tpu.memory_space<vmem>>) target(%dma_start3A_924 : memref<102400xf32, #tpu.memory_space<vmem_shared>>) offsets(%dma_start3A_922 : memref<128xi32, #tpu.memory_space<vmem>>) semaphore(%arg11 : memref<!tpu.dma_semaphore, #tpu.memory_space<semaphore_mem>>) {add = true}
    %dma_start3A_925 = arith.constant 7 : i32
    %dma_start3A_926 = arith.constant 0 : i32
    %dma_start3A_927 = tpu.memref_slice %arg5[%dma_start3A_925, %dma_start3A_926] : memref<16x128xi32, #tpu.memory_space<vmem>> -> memref<1x128xi32, #tpu.memory_space<vmem>>
    %dma_start3A_928 = tpu.memref_squeeze %dma_start3A_927 : memref<1x128xi32, #tpu.memory_space<vmem>> -> memref<128xi32, #tpu.memory_space<vmem>>
    %dma_start3A_929 = arith.constant 0 : i32
    %dma_start3A_930 = tpu.memref_slice %arg9[%dma_start3A_929] : memref<102400xf32, #tpu.memory_space<vmem_shared>> -> memref<102400xf32, #tpu.memory_space<vmem_shared>>
    tpu.enqueue_indirect_dma source(%arg7 : memref<128xf32, #tpu.memory_space<vmem>>) target(%dma_start3A_930 : memref<102400xf32, #tpu.memory_space<vmem_shared>>) offsets(%dma_start3A_928 : memref<128xi32, #tpu.memory_space<vmem>>) semaphore(%arg11 : memref<!tpu.dma_semaphore, #tpu.memory_space<semaphore_mem>>) {add = true}
    %dma_start3A_931 = arith.constant 8 : i32
    %dma_start3A_932 = arith.constant 0 : i32
    %dma_start3A_933 = tpu.memref_slice %arg5[%dma_start3A_931, %dma_start3A_932] : memref<16x128xi32, #tpu.memory_space<vmem>> -> memref<1x128xi32, #tpu.memory_space<vmem>>
    %dma_start3A_934 = tpu.memref_squeeze %dma_start3A_933 : memref<1x128xi32, #tpu.memory_space<vmem>> -> memref<128xi32, #tpu.memory_space<vmem>>
    %dma_start3A_935 = arith.constant 0 : i32
    %dma_start3A_936 = tpu.memref_slice %arg9[%dma_start3A_935] : memref<102400xf32, #tpu.memory_space<vmem_shared>> -> memref<102400xf32, #tpu.memory_space<vmem_shared>>
    tpu.enqueue_indirect_dma source(%arg7 : memref<128xf32, #tpu.memory_space<vmem>>) target(%dma_start3A_936 : memref<102400xf32, #tpu.memory_space<vmem_shared>>) offsets(%dma_start3A_934 : memref<128xi32, #tpu.memory_space<vmem>>) semaphore(%arg11 : memref<!tpu.dma_semaphore, #tpu.memory_space<semaphore_mem>>) {add = true}
    %dma_start3A_937 = arith.constant 9 : i32
    %dma_start3A_938 = arith.constant 0 : i32
    %dma_start3A_939 = tpu.memref_slice %arg5[%dma_start3A_937, %dma_start3A_938] : memref<16x128xi32, #tpu.memory_space<vmem>> -> memref<1x128xi32, #tpu.memory_space<vmem>>
    %dma_start3A_940 = tpu.memref_squeeze %dma_start3A_939 : memref<1x128xi32, #tpu.memory_space<vmem>> -> memref<128xi32, #tpu.memory_space<vmem>>
    %dma_start3A_941 = arith.constant 0 : i32
    %dma_start3A_942 = tpu.memref_slice %arg9[%dma_start3A_941] : memref<102400xf32, #tpu.memory_space<vmem_shared>> -> memref<102400xf32, #tpu.memory_space<vmem_shared>>
    tpu.enqueue_indirect_dma source(%arg7 : memref<128xf32, #tpu.memory_space<vmem>>) target(%dma_start3A_942 : memref<102400xf32, #tpu.memory_space<vmem_shared>>) offsets(%dma_start3A_940 : memref<128xi32, #tpu.memory_space<vmem>>) semaphore(%arg11 : memref<!tpu.dma_semaphore, #tpu.memory_space<semaphore_mem>>) {add = true}
    %dma_start3A_943 = arith.constant 10 : i32
    %dma_start3A_944 = arith.constant 0 : i32
    %dma_start3A_945 = tpu.memref_slice %arg5[%dma_start3A_943, %dma_start3A_944] : memref<16x128xi32, #tpu.memory_space<vmem>> -> memref<1x128xi32, #tpu.memory_space<vmem>>
    %dma_start3A_946 = tpu.memref_squeeze %dma_start3A_945 : memref<1x128xi32, #tpu.memory_space<vmem>> -> memref<128xi32, #tpu.memory_space<vmem>>
    %dma_start3A_947 = arith.constant 0 : i32
    %dma_start3A_948 = tpu.memref_slice %arg9[%dma_start3A_947] : memref<102400xf32, #tpu.memory_space<vmem_shared>> -> memref<102400xf32, #tpu.memory_space<vmem_shared>>
    tpu.enqueue_indirect_dma source(%arg7 : memref<128xf32, #tpu.memory_space<vmem>>) target(%dma_start3A_948 : memref<102400xf32, #tpu.memory_space<vmem_shared>>) offsets(%dma_start3A_946 : memref<128xi32, #tpu.memory_space<vmem>>) semaphore(%arg11 : memref<!tpu.dma_semaphore, #tpu.memory_space<semaphore_mem>>) {add = true}
    %dma_start3A_949 = arith.constant 11 : i32
    %dma_start3A_950 = arith.constant 0 : i32
    %dma_start3A_951 = tpu.memref_slice %arg5[%dma_start3A_949, %dma_start3A_950] : memref<16x128xi32, #tpu.memory_space<vmem>> -> memref<1x128xi32, #tpu.memory_space<vmem>>
    %dma_start3A_952 = tpu.memref_squeeze %dma_start3A_951 : memref<1x128xi32, #tpu.memory_space<vmem>> -> memref<128xi32, #tpu.memory_space<vmem>>
    %dma_start3A_953 = arith.constant 0 : i32
    %dma_start3A_954 = tpu.memref_slice %arg9[%dma_start3A_953] : memref<102400xf32, #tpu.memory_space<vmem_shared>> -> memref<102400xf32, #tpu.memory_space<vmem_shared>>
    tpu.enqueue_indirect_dma source(%arg7 : memref<128xf32, #tpu.memory_space<vmem>>) target(%dma_start3A_954 : memref<102400xf32, #tpu.memory_space<vmem_shared>>) offsets(%dma_start3A_952 : memref<128xi32, #tpu.memory_space<vmem>>) semaphore(%arg11 : memref<!tpu.dma_semaphore, #tpu.memory_space<semaphore_mem>>) {add = true}
    %dma_start3A_955 = arith.constant 12 : i32
    %dma_start3A_956 = arith.constant 0 : i32
    %dma_start3A_957 = tpu.memref_slice %arg5[%dma_start3A_955, %dma_start3A_956] : memref<16x128xi32, #tpu.memory_space<vmem>> -> memref<1x128xi32, #tpu.memory_space<vmem>>
    %dma_start3A_958 = tpu.memref_squeeze %dma_start3A_957 : memref<1x128xi32, #tpu.memory_space<vmem>> -> memref<128xi32, #tpu.memory_space<vmem>>
    %dma_start3A_959 = arith.constant 0 : i32
    %dma_start3A_960 = tpu.memref_slice %arg9[%dma_start3A_959] : memref<102400xf32, #tpu.memory_space<vmem_shared>> -> memref<102400xf32, #tpu.memory_space<vmem_shared>>
    tpu.enqueue_indirect_dma source(%arg7 : memref<128xf32, #tpu.memory_space<vmem>>) target(%dma_start3A_960 : memref<102400xf32, #tpu.memory_space<vmem_shared>>) offsets(%dma_start3A_958 : memref<128xi32, #tpu.memory_space<vmem>>) semaphore(%arg11 : memref<!tpu.dma_semaphore, #tpu.memory_space<semaphore_mem>>) {add = true}
    %dma_start3A_961 = arith.constant 13 : i32
    %dma_start3A_962 = arith.constant 0 : i32
    %dma_start3A_963 = tpu.memref_slice %arg5[%dma_start3A_961, %dma_start3A_962] : memref<16x128xi32, #tpu.memory_space<vmem>> -> memref<1x128xi32, #tpu.memory_space<vmem>>
    %dma_start3A_964 = tpu.memref_squeeze %dma_start3A_963 : memref<1x128xi32, #tpu.memory_space<vmem>> -> memref<128xi32, #tpu.memory_space<vmem>>
    %dma_start3A_965 = arith.constant 0 : i32
    %dma_start3A_966 = tpu.memref_slice %arg9[%dma_start3A_965] : memref<102400xf32, #tpu.memory_space<vmem_shared>> -> memref<102400xf32, #tpu.memory_space<vmem_shared>>
    tpu.enqueue_indirect_dma source(%arg7 : memref<128xf32, #tpu.memory_space<vmem>>) target(%dma_start3A_966 : memref<102400xf32, #tpu.memory_space<vmem_shared>>) offsets(%dma_start3A_964 : memref<128xi32, #tpu.memory_space<vmem>>) semaphore(%arg11 : memref<!tpu.dma_semaphore, #tpu.memory_space<semaphore_mem>>) {add = true}
    %dma_start3A_967 = arith.constant 14 : i32
    %dma_start3A_968 = arith.constant 0 : i32
    %dma_start3A_969 = tpu.memref_slice %arg5[%dma_start3A_967, %dma_start3A_968] : memref<16x128xi32, #tpu.memory_space<vmem>> -> memref<1x128xi32, #tpu.memory_space<vmem>>
    %dma_start3A_970 = tpu.memref_squeeze %dma_start3A_969 : memref<1x128xi32, #tpu.memory_space<vmem>> -> memref<128xi32, #tpu.memory_space<vmem>>
    %dma_start3A_971 = arith.constant 0 : i32
    %dma_start3A_972 = tpu.memref_slice %arg9[%dma_start3A_971] : memref<102400xf32, #tpu.memory_space<vmem_shared>> -> memref<102400xf32, #tpu.memory_space<vmem_shared>>
    tpu.enqueue_indirect_dma source(%arg7 : memref<128xf32, #tpu.memory_space<vmem>>) target(%dma_start3A_972 : memref<102400xf32, #tpu.memory_space<vmem_shared>>) offsets(%dma_start3A_970 : memref<128xi32, #tpu.memory_space<vmem>>) semaphore(%arg11 : memref<!tpu.dma_semaphore, #tpu.memory_space<semaphore_mem>>) {add = true}
    %dma_start3A_973 = arith.constant 15 : i32
    %dma_start3A_974 = arith.constant 0 : i32
    %dma_start3A_975 = tpu.memref_slice %arg5[%dma_start3A_973, %dma_start3A_974] : memref<16x128xi32, #tpu.memory_space<vmem>> -> memref<1x128xi32, #tpu.memory_space<vmem>>
    %dma_start3A_976 = tpu.memref_squeeze %dma_start3A_975 : memref<1x128xi32, #tpu.memory_space<vmem>> -> memref<128xi32, #tpu.memory_space<vmem>>
    %dma_start3A_977 = arith.constant 0 : i32
    %dma_start3A_978 = tpu.memref_slice %arg9[%dma_start3A_977] : memref<102400xf32, #tpu.memory_space<vmem_shared>> -> memref<102400xf32, #tpu.memory_space<vmem_shared>>
    tpu.enqueue_indirect_dma source(%arg7 : memref<128xf32, #tpu.memory_space<vmem>>) target(%dma_start3A_978 : memref<102400xf32, #tpu.memory_space<vmem_shared>>) offsets(%dma_start3A_976 : memref<128xi32, #tpu.memory_space<vmem>>) semaphore(%arg11 : memref<!tpu.dma_semaphore, #tpu.memory_space<semaphore_mem>>) {add = true}
    %dma_wait3A_979 = arith.constant 0 : i32
    %dma_wait3A_980 = arith.constant 0 : i32
    %dma_wait3A_981 = tpu.memref_slice %arg5[%dma_wait3A_979, %dma_wait3A_980] : memref<16x128xi32, #tpu.memory_space<vmem>> -> memref<1x128xi32, #tpu.memory_space<vmem>>
    %dma_wait3A_982 = tpu.memref_squeeze %dma_wait3A_981 : memref<1x128xi32, #tpu.memory_space<vmem>> -> memref<128xi32, #tpu.memory_space<vmem>>
    %dma_wait3A_983 = arith.constant 0 : i32
    %dma_wait3A_984 = tpu.memref_slice %arg9[%dma_wait3A_983] : memref<102400xf32, #tpu.memory_space<vmem_shared>> -> memref<102400xf32, #tpu.memory_space<vmem_shared>>
    tpu.wait_indirect_dma semaphore(%arg11 : memref<!tpu.dma_semaphore, #tpu.memory_space<semaphore_mem>>) src(%arg7 : memref<128xf32, #tpu.memory_space<vmem>>) dst(%dma_wait3A_984 : memref<102400xf32, #tpu.memory_space<vmem_shared>>)
    %dma_wait3A_985 = arith.constant 1 : i32
    %dma_wait3A_986 = arith.constant 0 : i32
    %dma_wait3A_987 = tpu.memref_slice %arg5[%dma_wait3A_985, %dma_wait3A_986] : memref<16x128xi32, #tpu.memory_space<vmem>> -> memref<1x128xi32, #tpu.memory_space<vmem>>
    %dma_wait3A_988 = tpu.memref_squeeze %dma_wait3A_987 : memref<1x128xi32, #tpu.memory_space<vmem>> -> memref<128xi32, #tpu.memory_space<vmem>>
    %dma_wait3A_989 = arith.constant 0 : i32
    %dma_wait3A_990 = tpu.memref_slice %arg9[%dma_wait3A_989] : memref<102400xf32, #tpu.memory_space<vmem_shared>> -> memref<102400xf32, #tpu.memory_space<vmem_shared>>
    tpu.wait_indirect_dma semaphore(%arg11 : memref<!tpu.dma_semaphore, #tpu.memory_space<semaphore_mem>>) src(%arg7 : memref<128xf32, #tpu.memory_space<vmem>>) dst(%dma_wait3A_990 : memref<102400xf32, #tpu.memory_space<vmem_shared>>)
    %dma_wait3A_991 = arith.constant 2 : i32
    %dma_wait3A_992 = arith.constant 0 : i32
    %dma_wait3A_993 = tpu.memref_slice %arg5[%dma_wait3A_991, %dma_wait3A_992] : memref<16x128xi32, #tpu.memory_space<vmem>> -> memref<1x128xi32, #tpu.memory_space<vmem>>
    %dma_wait3A_994 = tpu.memref_squeeze %dma_wait3A_993 : memref<1x128xi32, #tpu.memory_space<vmem>> -> memref<128xi32, #tpu.memory_space<vmem>>
    %dma_wait3A_995 = arith.constant 0 : i32
    %dma_wait3A_996 = tpu.memref_slice %arg9[%dma_wait3A_995] : memref<102400xf32, #tpu.memory_space<vmem_shared>> -> memref<102400xf32, #tpu.memory_space<vmem_shared>>
    tpu.wait_indirect_dma semaphore(%arg11 : memref<!tpu.dma_semaphore, #tpu.memory_space<semaphore_mem>>) src(%arg7 : memref<128xf32, #tpu.memory_space<vmem>>) dst(%dma_wait3A_996 : memref<102400xf32, #tpu.memory_space<vmem_shared>>)
    %dma_wait3A_997 = arith.constant 3 : i32
    %dma_wait3A_998 = arith.constant 0 : i32
    %dma_wait3A_999 = tpu.memref_slice %arg5[%dma_wait3A_997, %dma_wait3A_998] : memref<16x128xi32, #tpu.memory_space<vmem>> -> memref<1x128xi32, #tpu.memory_space<vmem>>
    %dma_wait3A_1000 = tpu.memref_squeeze %dma_wait3A_999 : memref<1x128xi32, #tpu.memory_space<vmem>> -> memref<128xi32, #tpu.memory_space<vmem>>
    %dma_wait3A_1001 = arith.constant 0 : i32
    %dma_wait3A_1002 = tpu.memref_slice %arg9[%dma_wait3A_1001] : memref<102400xf32, #tpu.memory_space<vmem_shared>> -> memref<102400xf32, #tpu.memory_space<vmem_shared>>
    tpu.wait_indirect_dma semaphore(%arg11 : memref<!tpu.dma_semaphore, #tpu.memory_space<semaphore_mem>>) src(%arg7 : memref<128xf32, #tpu.memory_space<vmem>>) dst(%dma_wait3A_1002 : memref<102400xf32, #tpu.memory_space<vmem_shared>>)
    %dma_wait3A_1003 = arith.constant 4 : i32
    %dma_wait3A_1004 = arith.constant 0 : i32
    %dma_wait3A_1005 = tpu.memref_slice %arg5[%dma_wait3A_1003, %dma_wait3A_1004] : memref<16x128xi32, #tpu.memory_space<vmem>> -> memref<1x128xi32, #tpu.memory_space<vmem>>
    %dma_wait3A_1006 = tpu.memref_squeeze %dma_wait3A_1005 : memref<1x128xi32, #tpu.memory_space<vmem>> -> memref<128xi32, #tpu.memory_space<vmem>>
    %dma_wait3A_1007 = arith.constant 0 : i32
    %dma_wait3A_1008 = tpu.memref_slice %arg9[%dma_wait3A_1007] : memref<102400xf32, #tpu.memory_space<vmem_shared>> -> memref<102400xf32, #tpu.memory_space<vmem_shared>>
    tpu.wait_indirect_dma semaphore(%arg11 : memref<!tpu.dma_semaphore, #tpu.memory_space<semaphore_mem>>) src(%arg7 : memref<128xf32, #tpu.memory_space<vmem>>) dst(%dma_wait3A_1008 : memref<102400xf32, #tpu.memory_space<vmem_shared>>)
    %dma_wait3A_1009 = arith.constant 5 : i32
    %dma_wait3A_1010 = arith.constant 0 : i32
    %dma_wait3A_1011 = tpu.memref_slice %arg5[%dma_wait3A_1009, %dma_wait3A_1010] : memref<16x128xi32, #tpu.memory_space<vmem>> -> memref<1x128xi32, #tpu.memory_space<vmem>>
    %dma_wait3A_1012 = tpu.memref_squeeze %dma_wait3A_1011 : memref<1x128xi32, #tpu.memory_space<vmem>> -> memref<128xi32, #tpu.memory_space<vmem>>
    %dma_wait3A_1013 = arith.constant 0 : i32
    %dma_wait3A_1014 = tpu.memref_slice %arg9[%dma_wait3A_1013] : memref<102400xf32, #tpu.memory_space<vmem_shared>> -> memref<102400xf32, #tpu.memory_space<vmem_shared>>
    tpu.wait_indirect_dma semaphore(%arg11 : memref<!tpu.dma_semaphore, #tpu.memory_space<semaphore_mem>>) src(%arg7 : memref<128xf32, #tpu.memory_space<vmem>>) dst(%dma_wait3A_1014 : memref<102400xf32, #tpu.memory_space<vmem_shared>>)
    %dma_wait3A_1015 = arith.constant 6 : i32
    %dma_wait3A_1016 = arith.constant 0 : i32
    %dma_wait3A_1017 = tpu.memref_slice %arg5[%dma_wait3A_1015, %dma_wait3A_1016] : memref<16x128xi32, #tpu.memory_space<vmem>> -> memref<1x128xi32, #tpu.memory_space<vmem>>
    %dma_wait3A_1018 = tpu.memref_squeeze %dma_wait3A_1017 : memref<1x128xi32, #tpu.memory_space<vmem>> -> memref<128xi32, #tpu.memory_space<vmem>>
    %dma_wait3A_1019 = arith.constant 0 : i32
    %dma_wait3A_1020 = tpu.memref_slice %arg9[%dma_wait3A_1019] : memref<102400xf32, #tpu.memory_space<vmem_shared>> -> memref<102400xf32, #tpu.memory_space<vmem_shared>>
    tpu.wait_indirect_dma semaphore(%arg11 : memref<!tpu.dma_semaphore, #tpu.memory_space<semaphore_mem>>) src(%arg7 : memref<128xf32, #tpu.memory_space<vmem>>) dst(%dma_wait3A_1020 : memref<102400xf32, #tpu.memory_space<vmem_shared>>)
    %dma_wait3A_1021 = arith.constant 7 : i32
    %dma_wait3A_1022 = arith.constant 0 : i32
    %dma_wait3A_1023 = tpu.memref_slice %arg5[%dma_wait3A_1021, %dma_wait3A_1022] : memref<16x128xi32, #tpu.memory_space<vmem>> -> memref<1x128xi32, #tpu.memory_space<vmem>>
    %dma_wait3A_1024 = tpu.memref_squeeze %dma_wait3A_1023 : memref<1x128xi32, #tpu.memory_space<vmem>> -> memref<128xi32, #tpu.memory_space<vmem>>
    %dma_wait3A_1025 = arith.constant 0 : i32
    %dma_wait3A_1026 = tpu.memref_slice %arg9[%dma_wait3A_1025] : memref<102400xf32, #tpu.memory_space<vmem_shared>> -> memref<102400xf32, #tpu.memory_space<vmem_shared>>
    tpu.wait_indirect_dma semaphore(%arg11 : memref<!tpu.dma_semaphore, #tpu.memory_space<semaphore_mem>>) src(%arg7 : memref<128xf32, #tpu.memory_space<vmem>>) dst(%dma_wait3A_1026 : memref<102400xf32, #tpu.memory_space<vmem_shared>>)
    %dma_wait3A_1027 = arith.constant 8 : i32
    %dma_wait3A_1028 = arith.constant 0 : i32
    %dma_wait3A_1029 = tpu.memref_slice %arg5[%dma_wait3A_1027, %dma_wait3A_1028] : memref<16x128xi32, #tpu.memory_space<vmem>> -> memref<1x128xi32, #tpu.memory_space<vmem>>
    %dma_wait3A_1030 = tpu.memref_squeeze %dma_wait3A_1029 : memref<1x128xi32, #tpu.memory_space<vmem>> -> memref<128xi32, #tpu.memory_space<vmem>>
    %dma_wait3A_1031 = arith.constant 0 : i32
    %dma_wait3A_1032 = tpu.memref_slice %arg9[%dma_wait3A_1031] : memref<102400xf32, #tpu.memory_space<vmem_shared>> -> memref<102400xf32, #tpu.memory_space<vmem_shared>>
    tpu.wait_indirect_dma semaphore(%arg11 : memref<!tpu.dma_semaphore, #tpu.memory_space<semaphore_mem>>) src(%arg7 : memref<128xf32, #tpu.memory_space<vmem>>) dst(%dma_wait3A_1032 : memref<102400xf32, #tpu.memory_space<vmem_shared>>)
    %dma_wait3A_1033 = arith.constant 9 : i32
    %dma_wait3A_1034 = arith.constant 0 : i32
    %dma_wait3A_1035 = tpu.memref_slice %arg5[%dma_wait3A_1033, %dma_wait3A_1034] : memref<16x128xi32, #tpu.memory_space<vmem>> -> memref<1x128xi32, #tpu.memory_space<vmem>>
    %dma_wait3A_1036 = tpu.memref_squeeze %dma_wait3A_1035 : memref<1x128xi32, #tpu.memory_space<vmem>> -> memref<128xi32, #tpu.memory_space<vmem>>
    %dma_wait3A_1037 = arith.constant 0 : i32
    %dma_wait3A_1038 = tpu.memref_slice %arg9[%dma_wait3A_1037] : memref<102400xf32, #tpu.memory_space<vmem_shared>> -> memref<102400xf32, #tpu.memory_space<vmem_shared>>
    tpu.wait_indirect_dma semaphore(%arg11 : memref<!tpu.dma_semaphore, #tpu.memory_space<semaphore_mem>>) src(%arg7 : memref<128xf32, #tpu.memory_space<vmem>>) dst(%dma_wait3A_1038 : memref<102400xf32, #tpu.memory_space<vmem_shared>>)
    %dma_wait3A_1039 = arith.constant 10 : i32
    %dma_wait3A_1040 = arith.constant 0 : i32
    %dma_wait3A_1041 = tpu.memref_slice %arg5[%dma_wait3A_1039, %dma_wait3A_1040] : memref<16x128xi32, #tpu.memory_space<vmem>> -> memref<1x128xi32, #tpu.memory_space<vmem>>
    %dma_wait3A_1042 = tpu.memref_squeeze %dma_wait3A_1041 : memref<1x128xi32, #tpu.memory_space<vmem>> -> memref<128xi32, #tpu.memory_space<vmem>>
    %dma_wait3A_1043 = arith.constant 0 : i32
    %dma_wait3A_1044 = tpu.memref_slice %arg9[%dma_wait3A_1043] : memref<102400xf32, #tpu.memory_space<vmem_shared>> -> memref<102400xf32, #tpu.memory_space<vmem_shared>>
    tpu.wait_indirect_dma semaphore(%arg11 : memref<!tpu.dma_semaphore, #tpu.memory_space<semaphore_mem>>) src(%arg7 : memref<128xf32, #tpu.memory_space<vmem>>) dst(%dma_wait3A_1044 : memref<102400xf32, #tpu.memory_space<vmem_shared>>)
    %dma_wait3A_1045 = arith.constant 11 : i32
    %dma_wait3A_1046 = arith.constant 0 : i32
    %dma_wait3A_1047 = tpu.memref_slice %arg5[%dma_wait3A_1045, %dma_wait3A_1046] : memref<16x128xi32, #tpu.memory_space<vmem>> -> memref<1x128xi32, #tpu.memory_space<vmem>>
    %dma_wait3A_1048 = tpu.memref_squeeze %dma_wait3A_1047 : memref<1x128xi32, #tpu.memory_space<vmem>> -> memref<128xi32, #tpu.memory_space<vmem>>
    %dma_wait3A_1049 = arith.constant 0 : i32
    %dma_wait3A_1050 = tpu.memref_slice %arg9[%dma_wait3A_1049] : memref<102400xf32, #tpu.memory_space<vmem_shared>> -> memref<102400xf32, #tpu.memory_space<vmem_shared>>
    tpu.wait_indirect_dma semaphore(%arg11 : memref<!tpu.dma_semaphore, #tpu.memory_space<semaphore_mem>>) src(%arg7 : memref<128xf32, #tpu.memory_space<vmem>>) dst(%dma_wait3A_1050 : memref<102400xf32, #tpu.memory_space<vmem_shared>>)
    %dma_wait3A_1051 = arith.constant 12 : i32
    %dma_wait3A_1052 = arith.constant 0 : i32
    %dma_wait3A_1053 = tpu.memref_slice %arg5[%dma_wait3A_1051, %dma_wait3A_1052] : memref<16x128xi32, #tpu.memory_space<vmem>> -> memref<1x128xi32, #tpu.memory_space<vmem>>
    %dma_wait3A_1054 = tpu.memref_squeeze %dma_wait3A_1053 : memref<1x128xi32, #tpu.memory_space<vmem>> -> memref<128xi32, #tpu.memory_space<vmem>>
    %dma_wait3A_1055 = arith.constant 0 : i32
    %dma_wait3A_1056 = tpu.memref_slice %arg9[%dma_wait3A_1055] : memref<102400xf32, #tpu.memory_space<vmem_shared>> -> memref<102400xf32, #tpu.memory_space<vmem_shared>>
    tpu.wait_indirect_dma semaphore(%arg11 : memref<!tpu.dma_semaphore, #tpu.memory_space<semaphore_mem>>) src(%arg7 : memref<128xf32, #tpu.memory_space<vmem>>) dst(%dma_wait3A_1056 : memref<102400xf32, #tpu.memory_space<vmem_shared>>)
    %dma_wait3A_1057 = arith.constant 13 : i32
    %dma_wait3A_1058 = arith.constant 0 : i32
    %dma_wait3A_1059 = tpu.memref_slice %arg5[%dma_wait3A_1057, %dma_wait3A_1058] : memref<16x128xi32, #tpu.memory_space<vmem>> -> memref<1x128xi32, #tpu.memory_space<vmem>>
    %dma_wait3A_1060 = tpu.memref_squeeze %dma_wait3A_1059 : memref<1x128xi32, #tpu.memory_space<vmem>> -> memref<128xi32, #tpu.memory_space<vmem>>
    %dma_wait3A_1061 = arith.constant 0 : i32
    %dma_wait3A_1062 = tpu.memref_slice %arg9[%dma_wait3A_1061] : memref<102400xf32, #tpu.memory_space<vmem_shared>> -> memref<102400xf32, #tpu.memory_space<vmem_shared>>
    tpu.wait_indirect_dma semaphore(%arg11 : memref<!tpu.dma_semaphore, #tpu.memory_space<semaphore_mem>>) src(%arg7 : memref<128xf32, #tpu.memory_space<vmem>>) dst(%dma_wait3A_1062 : memref<102400xf32, #tpu.memory_space<vmem_shared>>)
    %dma_wait3A_1063 = arith.constant 14 : i32
    %dma_wait3A_1064 = arith.constant 0 : i32
    %dma_wait3A_1065 = tpu.memref_slice %arg5[%dma_wait3A_1063, %dma_wait3A_1064] : memref<16x128xi32, #tpu.memory_space<vmem>> -> memref<1x128xi32, #tpu.memory_space<vmem>>
    %dma_wait3A_1066 = tpu.memref_squeeze %dma_wait3A_1065 : memref<1x128xi32, #tpu.memory_space<vmem>> -> memref<128xi32, #tpu.memory_space<vmem>>
    %dma_wait3A_1067 = arith.constant 0 : i32
    %dma_wait3A_1068 = tpu.memref_slice %arg9[%dma_wait3A_1067] : memref<102400xf32, #tpu.memory_space<vmem_shared>> -> memref<102400xf32, #tpu.memory_space<vmem_shared>>
    tpu.wait_indirect_dma semaphore(%arg11 : memref<!tpu.dma_semaphore, #tpu.memory_space<semaphore_mem>>) src(%arg7 : memref<128xf32, #tpu.memory_space<vmem>>) dst(%dma_wait3A_1068 : memref<102400xf32, #tpu.memory_space<vmem_shared>>)
    %dma_wait3A_1069 = arith.constant 15 : i32
    %dma_wait3A_1070 = arith.constant 0 : i32
    %dma_wait3A_1071 = tpu.memref_slice %arg5[%dma_wait3A_1069, %dma_wait3A_1070] : memref<16x128xi32, #tpu.memory_space<vmem>> -> memref<1x128xi32, #tpu.memory_space<vmem>>
    %dma_wait3A_1072 = tpu.memref_squeeze %dma_wait3A_1071 : memref<1x128xi32, #tpu.memory_space<vmem>> -> memref<128xi32, #tpu.memory_space<vmem>>
    %dma_wait3A_1073 = arith.constant 0 : i32
    %dma_wait3A_1074 = tpu.memref_slice %arg9[%dma_wait3A_1073] : memref<102400xf32, #tpu.memory_space<vmem_shared>> -> memref<102400xf32, #tpu.memory_space<vmem_shared>>
    tpu.wait_indirect_dma semaphore(%arg11 : memref<!tpu.dma_semaphore, #tpu.memory_space<semaphore_mem>>) src(%arg7 : memref<128xf32, #tpu.memory_space<vmem>>) dst(%dma_wait3A_1074 : memref<102400xf32, #tpu.memory_space<vmem_shared>>)
    %dma_start3A_1075 = arith.constant 0 : i32
    %dma_start3A_1076 = arith.constant 0 : i32
    %dma_start3A_1077 = tpu.memref_slice %arg6[%dma_start3A_1075, %dma_start3A_1076] : memref<16x128xi32, #tpu.memory_space<vmem>> -> memref<1x128xi32, #tpu.memory_space<vmem>>
    %dma_start3A_1078 = tpu.memref_squeeze %dma_start3A_1077 : memref<1x128xi32, #tpu.memory_space<vmem>> -> memref<128xi32, #tpu.memory_space<vmem>>
    %dma_start3A_1079 = arith.constant 0 : i32
    %dma_start3A_1080 = tpu.memref_slice %arg10[%dma_start3A_1079] : memref<102400xf32, #tpu.memory_space<vmem_shared>> -> memref<102400xf32, #tpu.memory_space<vmem_shared>>
    tpu.enqueue_indirect_dma source(%arg7 : memref<128xf32, #tpu.memory_space<vmem>>) target(%dma_start3A_1080 : memref<102400xf32, #tpu.memory_space<vmem_shared>>) offsets(%dma_start3A_1078 : memref<128xi32, #tpu.memory_space<vmem>>) semaphore(%arg11 : memref<!tpu.dma_semaphore, #tpu.memory_space<semaphore_mem>>) {add = true}
    %dma_start3A_1081 = arith.constant 1 : i32
    %dma_start3A_1082 = arith.constant 0 : i32
    %dma_start3A_1083 = tpu.memref_slice %arg6[%dma_start3A_1081, %dma_start3A_1082] : memref<16x128xi32, #tpu.memory_space<vmem>> -> memref<1x128xi32, #tpu.memory_space<vmem>>
    %dma_start3A_1084 = tpu.memref_squeeze %dma_start3A_1083 : memref<1x128xi32, #tpu.memory_space<vmem>> -> memref<128xi32, #tpu.memory_space<vmem>>
    %dma_start3A_1085 = arith.constant 0 : i32
    %dma_start3A_1086 = tpu.memref_slice %arg10[%dma_start3A_1085] : memref<102400xf32, #tpu.memory_space<vmem_shared>> -> memref<102400xf32, #tpu.memory_space<vmem_shared>>
    tpu.enqueue_indirect_dma source(%arg7 : memref<128xf32, #tpu.memory_space<vmem>>) target(%dma_start3A_1086 : memref<102400xf32, #tpu.memory_space<vmem_shared>>) offsets(%dma_start3A_1084 : memref<128xi32, #tpu.memory_space<vmem>>) semaphore(%arg11 : memref<!tpu.dma_semaphore, #tpu.memory_space<semaphore_mem>>) {add = true}
    %dma_start3A_1087 = arith.constant 2 : i32
    %dma_start3A_1088 = arith.constant 0 : i32
    %dma_start3A_1089 = tpu.memref_slice %arg6[%dma_start3A_1087, %dma_start3A_1088] : memref<16x128xi32, #tpu.memory_space<vmem>> -> memref<1x128xi32, #tpu.memory_space<vmem>>
    %dma_start3A_1090 = tpu.memref_squeeze %dma_start3A_1089 : memref<1x128xi32, #tpu.memory_space<vmem>> -> memref<128xi32, #tpu.memory_space<vmem>>
    %dma_start3A_1091 = arith.constant 0 : i32
    %dma_start3A_1092 = tpu.memref_slice %arg10[%dma_start3A_1091] : memref<102400xf32, #tpu.memory_space<vmem_shared>> -> memref<102400xf32, #tpu.memory_space<vmem_shared>>
    tpu.enqueue_indirect_dma source(%arg7 : memref<128xf32, #tpu.memory_space<vmem>>) target(%dma_start3A_1092 : memref<102400xf32, #tpu.memory_space<vmem_shared>>) offsets(%dma_start3A_1090 : memref<128xi32, #tpu.memory_space<vmem>>) semaphore(%arg11 : memref<!tpu.dma_semaphore, #tpu.memory_space<semaphore_mem>>) {add = true}
    %dma_start3A_1093 = arith.constant 3 : i32
    %dma_start3A_1094 = arith.constant 0 : i32
    %dma_start3A_1095 = tpu.memref_slice %arg6[%dma_start3A_1093, %dma_start3A_1094] : memref<16x128xi32, #tpu.memory_space<vmem>> -> memref<1x128xi32, #tpu.memory_space<vmem>>
    %dma_start3A_1096 = tpu.memref_squeeze %dma_start3A_1095 : memref<1x128xi32, #tpu.memory_space<vmem>> -> memref<128xi32, #tpu.memory_space<vmem>>
    %dma_start3A_1097 = arith.constant 0 : i32
    %dma_start3A_1098 = tpu.memref_slice %arg10[%dma_start3A_1097] : memref<102400xf32, #tpu.memory_space<vmem_shared>> -> memref<102400xf32, #tpu.memory_space<vmem_shared>>
    tpu.enqueue_indirect_dma source(%arg7 : memref<128xf32, #tpu.memory_space<vmem>>) target(%dma_start3A_1098 : memref<102400xf32, #tpu.memory_space<vmem_shared>>) offsets(%dma_start3A_1096 : memref<128xi32, #tpu.memory_space<vmem>>) semaphore(%arg11 : memref<!tpu.dma_semaphore, #tpu.memory_space<semaphore_mem>>) {add = true}
    %dma_start3A_1099 = arith.constant 4 : i32
    %dma_start3A_1100 = arith.constant 0 : i32
    %dma_start3A_1101 = tpu.memref_slice %arg6[%dma_start3A_1099, %dma_start3A_1100] : memref<16x128xi32, #tpu.memory_space<vmem>> -> memref<1x128xi32, #tpu.memory_space<vmem>>
    %dma_start3A_1102 = tpu.memref_squeeze %dma_start3A_1101 : memref<1x128xi32, #tpu.memory_space<vmem>> -> memref<128xi32, #tpu.memory_space<vmem>>
    %dma_start3A_1103 = arith.constant 0 : i32
    %dma_start3A_1104 = tpu.memref_slice %arg10[%dma_start3A_1103] : memref<102400xf32, #tpu.memory_space<vmem_shared>> -> memref<102400xf32, #tpu.memory_space<vmem_shared>>
    tpu.enqueue_indirect_dma source(%arg7 : memref<128xf32, #tpu.memory_space<vmem>>) target(%dma_start3A_1104 : memref<102400xf32, #tpu.memory_space<vmem_shared>>) offsets(%dma_start3A_1102 : memref<128xi32, #tpu.memory_space<vmem>>) semaphore(%arg11 : memref<!tpu.dma_semaphore, #tpu.memory_space<semaphore_mem>>) {add = true}
    %dma_start3A_1105 = arith.constant 5 : i32
    %dma_start3A_1106 = arith.constant 0 : i32
    %dma_start3A_1107 = tpu.memref_slice %arg6[%dma_start3A_1105, %dma_start3A_1106] : memref<16x128xi32, #tpu.memory_space<vmem>> -> memref<1x128xi32, #tpu.memory_space<vmem>>
    %dma_start3A_1108 = tpu.memref_squeeze %dma_start3A_1107 : memref<1x128xi32, #tpu.memory_space<vmem>> -> memref<128xi32, #tpu.memory_space<vmem>>
    %dma_start3A_1109 = arith.constant 0 : i32
    %dma_start3A_1110 = tpu.memref_slice %arg10[%dma_start3A_1109] : memref<102400xf32, #tpu.memory_space<vmem_shared>> -> memref<102400xf32, #tpu.memory_space<vmem_shared>>
    tpu.enqueue_indirect_dma source(%arg7 : memref<128xf32, #tpu.memory_space<vmem>>) target(%dma_start3A_1110 : memref<102400xf32, #tpu.memory_space<vmem_shared>>) offsets(%dma_start3A_1108 : memref<128xi32, #tpu.memory_space<vmem>>) semaphore(%arg11 : memref<!tpu.dma_semaphore, #tpu.memory_space<semaphore_mem>>) {add = true}
    %dma_start3A_1111 = arith.constant 6 : i32
    %dma_start3A_1112 = arith.constant 0 : i32
    %dma_start3A_1113 = tpu.memref_slice %arg6[%dma_start3A_1111, %dma_start3A_1112] : memref<16x128xi32, #tpu.memory_space<vmem>> -> memref<1x128xi32, #tpu.memory_space<vmem>>
    %dma_start3A_1114 = tpu.memref_squeeze %dma_start3A_1113 : memref<1x128xi32, #tpu.memory_space<vmem>> -> memref<128xi32, #tpu.memory_space<vmem>>
    %dma_start3A_1115 = arith.constant 0 : i32
    %dma_start3A_1116 = tpu.memref_slice %arg10[%dma_start3A_1115] : memref<102400xf32, #tpu.memory_space<vmem_shared>> -> memref<102400xf32, #tpu.memory_space<vmem_shared>>
    tpu.enqueue_indirect_dma source(%arg7 : memref<128xf32, #tpu.memory_space<vmem>>) target(%dma_start3A_1116 : memref<102400xf32, #tpu.memory_space<vmem_shared>>) offsets(%dma_start3A_1114 : memref<128xi32, #tpu.memory_space<vmem>>) semaphore(%arg11 : memref<!tpu.dma_semaphore, #tpu.memory_space<semaphore_mem>>) {add = true}
    %dma_start3A_1117 = arith.constant 7 : i32
    %dma_start3A_1118 = arith.constant 0 : i32
    %dma_start3A_1119 = tpu.memref_slice %arg6[%dma_start3A_1117, %dma_start3A_1118] : memref<16x128xi32, #tpu.memory_space<vmem>> -> memref<1x128xi32, #tpu.memory_space<vmem>>
    %dma_start3A_1120 = tpu.memref_squeeze %dma_start3A_1119 : memref<1x128xi32, #tpu.memory_space<vmem>> -> memref<128xi32, #tpu.memory_space<vmem>>
    %dma_start3A_1121 = arith.constant 0 : i32
    %dma_start3A_1122 = tpu.memref_slice %arg10[%dma_start3A_1121] : memref<102400xf32, #tpu.memory_space<vmem_shared>> -> memref<102400xf32, #tpu.memory_space<vmem_shared>>
    tpu.enqueue_indirect_dma source(%arg7 : memref<128xf32, #tpu.memory_space<vmem>>) target(%dma_start3A_1122 : memref<102400xf32, #tpu.memory_space<vmem_shared>>) offsets(%dma_start3A_1120 : memref<128xi32, #tpu.memory_space<vmem>>) semaphore(%arg11 : memref<!tpu.dma_semaphore, #tpu.memory_space<semaphore_mem>>) {add = true}
    %dma_start3A_1123 = arith.constant 8 : i32
    %dma_start3A_1124 = arith.constant 0 : i32
    %dma_start3A_1125 = tpu.memref_slice %arg6[%dma_start3A_1123, %dma_start3A_1124] : memref<16x128xi32, #tpu.memory_space<vmem>> -> memref<1x128xi32, #tpu.memory_space<vmem>>
    %dma_start3A_1126 = tpu.memref_squeeze %dma_start3A_1125 : memref<1x128xi32, #tpu.memory_space<vmem>> -> memref<128xi32, #tpu.memory_space<vmem>>
    %dma_start3A_1127 = arith.constant 0 : i32
    %dma_start3A_1128 = tpu.memref_slice %arg10[%dma_start3A_1127] : memref<102400xf32, #tpu.memory_space<vmem_shared>> -> memref<102400xf32, #tpu.memory_space<vmem_shared>>
    tpu.enqueue_indirect_dma source(%arg7 : memref<128xf32, #tpu.memory_space<vmem>>) target(%dma_start3A_1128 : memref<102400xf32, #tpu.memory_space<vmem_shared>>) offsets(%dma_start3A_1126 : memref<128xi32, #tpu.memory_space<vmem>>) semaphore(%arg11 : memref<!tpu.dma_semaphore, #tpu.memory_space<semaphore_mem>>) {add = true}
    %dma_start3A_1129 = arith.constant 9 : i32
    %dma_start3A_1130 = arith.constant 0 : i32
    %dma_start3A_1131 = tpu.memref_slice %arg6[%dma_start3A_1129, %dma_start3A_1130] : memref<16x128xi32, #tpu.memory_space<vmem>> -> memref<1x128xi32, #tpu.memory_space<vmem>>
    %dma_start3A_1132 = tpu.memref_squeeze %dma_start3A_1131 : memref<1x128xi32, #tpu.memory_space<vmem>> -> memref<128xi32, #tpu.memory_space<vmem>>
    %dma_start3A_1133 = arith.constant 0 : i32
    %dma_start3A_1134 = tpu.memref_slice %arg10[%dma_start3A_1133] : memref<102400xf32, #tpu.memory_space<vmem_shared>> -> memref<102400xf32, #tpu.memory_space<vmem_shared>>
    tpu.enqueue_indirect_dma source(%arg7 : memref<128xf32, #tpu.memory_space<vmem>>) target(%dma_start3A_1134 : memref<102400xf32, #tpu.memory_space<vmem_shared>>) offsets(%dma_start3A_1132 : memref<128xi32, #tpu.memory_space<vmem>>) semaphore(%arg11 : memref<!tpu.dma_semaphore, #tpu.memory_space<semaphore_mem>>) {add = true}
    %dma_start3A_1135 = arith.constant 10 : i32
    %dma_start3A_1136 = arith.constant 0 : i32
    %dma_start3A_1137 = tpu.memref_slice %arg6[%dma_start3A_1135, %dma_start3A_1136] : memref<16x128xi32, #tpu.memory_space<vmem>> -> memref<1x128xi32, #tpu.memory_space<vmem>>
    %dma_start3A_1138 = tpu.memref_squeeze %dma_start3A_1137 : memref<1x128xi32, #tpu.memory_space<vmem>> -> memref<128xi32, #tpu.memory_space<vmem>>
    %dma_start3A_1139 = arith.constant 0 : i32
    %dma_start3A_1140 = tpu.memref_slice %arg10[%dma_start3A_1139] : memref<102400xf32, #tpu.memory_space<vmem_shared>> -> memref<102400xf32, #tpu.memory_space<vmem_shared>>
    tpu.enqueue_indirect_dma source(%arg7 : memref<128xf32, #tpu.memory_space<vmem>>) target(%dma_start3A_1140 : memref<102400xf32, #tpu.memory_space<vmem_shared>>) offsets(%dma_start3A_1138 : memref<128xi32, #tpu.memory_space<vmem>>) semaphore(%arg11 : memref<!tpu.dma_semaphore, #tpu.memory_space<semaphore_mem>>) {add = true}
    %dma_start3A_1141 = arith.constant 11 : i32
    %dma_start3A_1142 = arith.constant 0 : i32
    %dma_start3A_1143 = tpu.memref_slice %arg6[%dma_start3A_1141, %dma_start3A_1142] : memref<16x128xi32, #tpu.memory_space<vmem>> -> memref<1x128xi32, #tpu.memory_space<vmem>>
    %dma_start3A_1144 = tpu.memref_squeeze %dma_start3A_1143 : memref<1x128xi32, #tpu.memory_space<vmem>> -> memref<128xi32, #tpu.memory_space<vmem>>
    %dma_start3A_1145 = arith.constant 0 : i32
    %dma_start3A_1146 = tpu.memref_slice %arg10[%dma_start3A_1145] : memref<102400xf32, #tpu.memory_space<vmem_shared>> -> memref<102400xf32, #tpu.memory_space<vmem_shared>>
    tpu.enqueue_indirect_dma source(%arg7 : memref<128xf32, #tpu.memory_space<vmem>>) target(%dma_start3A_1146 : memref<102400xf32, #tpu.memory_space<vmem_shared>>) offsets(%dma_start3A_1144 : memref<128xi32, #tpu.memory_space<vmem>>) semaphore(%arg11 : memref<!tpu.dma_semaphore, #tpu.memory_space<semaphore_mem>>) {add = true}
    %dma_start3A_1147 = arith.constant 12 : i32
    %dma_start3A_1148 = arith.constant 0 : i32
    %dma_start3A_1149 = tpu.memref_slice %arg6[%dma_start3A_1147, %dma_start3A_1148] : memref<16x128xi32, #tpu.memory_space<vmem>> -> memref<1x128xi32, #tpu.memory_space<vmem>>
    %dma_start3A_1150 = tpu.memref_squeeze %dma_start3A_1149 : memref<1x128xi32, #tpu.memory_space<vmem>> -> memref<128xi32, #tpu.memory_space<vmem>>
    %dma_start3A_1151 = arith.constant 0 : i32
    %dma_start3A_1152 = tpu.memref_slice %arg10[%dma_start3A_1151] : memref<102400xf32, #tpu.memory_space<vmem_shared>> -> memref<102400xf32, #tpu.memory_space<vmem_shared>>
    tpu.enqueue_indirect_dma source(%arg7 : memref<128xf32, #tpu.memory_space<vmem>>) target(%dma_start3A_1152 : memref<102400xf32, #tpu.memory_space<vmem_shared>>) offsets(%dma_start3A_1150 : memref<128xi32, #tpu.memory_space<vmem>>) semaphore(%arg11 : memref<!tpu.dma_semaphore, #tpu.memory_space<semaphore_mem>>) {add = true}
    %dma_start3A_1153 = arith.constant 13 : i32
    %dma_start3A_1154 = arith.constant 0 : i32
    %dma_start3A_1155 = tpu.memref_slice %arg6[%dma_start3A_1153, %dma_start3A_1154] : memref<16x128xi32, #tpu.memory_space<vmem>> -> memref<1x128xi32, #tpu.memory_space<vmem>>
    %dma_start3A_1156 = tpu.memref_squeeze %dma_start3A_1155 : memref<1x128xi32, #tpu.memory_space<vmem>> -> memref<128xi32, #tpu.memory_space<vmem>>
    %dma_start3A_1157 = arith.constant 0 : i32
    %dma_start3A_1158 = tpu.memref_slice %arg10[%dma_start3A_1157] : memref<102400xf32, #tpu.memory_space<vmem_shared>> -> memref<102400xf32, #tpu.memory_space<vmem_shared>>
    tpu.enqueue_indirect_dma source(%arg7 : memref<128xf32, #tpu.memory_space<vmem>>) target(%dma_start3A_1158 : memref<102400xf32, #tpu.memory_space<vmem_shared>>) offsets(%dma_start3A_1156 : memref<128xi32, #tpu.memory_space<vmem>>) semaphore(%arg11 : memref<!tpu.dma_semaphore, #tpu.memory_space<semaphore_mem>>) {add = true}
    %dma_start3A_1159 = arith.constant 14 : i32
    %dma_start3A_1160 = arith.constant 0 : i32
    %dma_start3A_1161 = tpu.memref_slice %arg6[%dma_start3A_1159, %dma_start3A_1160] : memref<16x128xi32, #tpu.memory_space<vmem>> -> memref<1x128xi32, #tpu.memory_space<vmem>>
    %dma_start3A_1162 = tpu.memref_squeeze %dma_start3A_1161 : memref<1x128xi32, #tpu.memory_space<vmem>> -> memref<128xi32, #tpu.memory_space<vmem>>
    %dma_start3A_1163 = arith.constant 0 : i32
    %dma_start3A_1164 = tpu.memref_slice %arg10[%dma_start3A_1163] : memref<102400xf32, #tpu.memory_space<vmem_shared>> -> memref<102400xf32, #tpu.memory_space<vmem_shared>>
    tpu.enqueue_indirect_dma source(%arg7 : memref<128xf32, #tpu.memory_space<vmem>>) target(%dma_start3A_1164 : memref<102400xf32, #tpu.memory_space<vmem_shared>>) offsets(%dma_start3A_1162 : memref<128xi32, #tpu.memory_space<vmem>>) semaphore(%arg11 : memref<!tpu.dma_semaphore, #tpu.memory_space<semaphore_mem>>) {add = true}
    %dma_start3A_1165 = arith.constant 15 : i32
    %dma_start3A_1166 = arith.constant 0 : i32
    %dma_start3A_1167 = tpu.memref_slice %arg6[%dma_start3A_1165, %dma_start3A_1166] : memref<16x128xi32, #tpu.memory_space<vmem>> -> memref<1x128xi32, #tpu.memory_space<vmem>>
    %dma_start3A_1168 = tpu.memref_squeeze %dma_start3A_1167 : memref<1x128xi32, #tpu.memory_space<vmem>> -> memref<128xi32, #tpu.memory_space<vmem>>
    %dma_start3A_1169 = arith.constant 0 : i32
    %dma_start3A_1170 = tpu.memref_slice %arg10[%dma_start3A_1169] : memref<102400xf32, #tpu.memory_space<vmem_shared>> -> memref<102400xf32, #tpu.memory_space<vmem_shared>>
    tpu.enqueue_indirect_dma source(%arg7 : memref<128xf32, #tpu.memory_space<vmem>>) target(%dma_start3A_1170 : memref<102400xf32, #tpu.memory_space<vmem_shared>>) offsets(%dma_start3A_1168 : memref<128xi32, #tpu.memory_space<vmem>>) semaphore(%arg11 : memref<!tpu.dma_semaphore, #tpu.memory_space<semaphore_mem>>) {add = true}
    %dma_wait3A_1171 = arith.constant 0 : i32
    %dma_wait3A_1172 = arith.constant 0 : i32
    %dma_wait3A_1173 = tpu.memref_slice %arg6[%dma_wait3A_1171, %dma_wait3A_1172] : memref<16x128xi32, #tpu.memory_space<vmem>> -> memref<1x128xi32, #tpu.memory_space<vmem>>
    %dma_wait3A_1174 = tpu.memref_squeeze %dma_wait3A_1173 : memref<1x128xi32, #tpu.memory_space<vmem>> -> memref<128xi32, #tpu.memory_space<vmem>>
    %dma_wait3A_1175 = arith.constant 0 : i32
    %dma_wait3A_1176 = tpu.memref_slice %arg10[%dma_wait3A_1175] : memref<102400xf32, #tpu.memory_space<vmem_shared>> -> memref<102400xf32, #tpu.memory_space<vmem_shared>>
    tpu.wait_indirect_dma semaphore(%arg11 : memref<!tpu.dma_semaphore, #tpu.memory_space<semaphore_mem>>) src(%arg7 : memref<128xf32, #tpu.memory_space<vmem>>) dst(%dma_wait3A_1176 : memref<102400xf32, #tpu.memory_space<vmem_shared>>)
    %dma_wait3A_1177 = arith.constant 1 : i32
    %dma_wait3A_1178 = arith.constant 0 : i32
    %dma_wait3A_1179 = tpu.memref_slice %arg6[%dma_wait3A_1177, %dma_wait3A_1178] : memref<16x128xi32, #tpu.memory_space<vmem>> -> memref<1x128xi32, #tpu.memory_space<vmem>>
    %dma_wait3A_1180 = tpu.memref_squeeze %dma_wait3A_1179 : memref<1x128xi32, #tpu.memory_space<vmem>> -> memref<128xi32, #tpu.memory_space<vmem>>
    %dma_wait3A_1181 = arith.constant 0 : i32
    %dma_wait3A_1182 = tpu.memref_slice %arg10[%dma_wait3A_1181] : memref<102400xf32, #tpu.memory_space<vmem_shared>> -> memref<102400xf32, #tpu.memory_space<vmem_shared>>
    tpu.wait_indirect_dma semaphore(%arg11 : memref<!tpu.dma_semaphore, #tpu.memory_space<semaphore_mem>>) src(%arg7 : memref<128xf32, #tpu.memory_space<vmem>>) dst(%dma_wait3A_1182 : memref<102400xf32, #tpu.memory_space<vmem_shared>>)
    %dma_wait3A_1183 = arith.constant 2 : i32
    %dma_wait3A_1184 = arith.constant 0 : i32
    %dma_wait3A_1185 = tpu.memref_slice %arg6[%dma_wait3A_1183, %dma_wait3A_1184] : memref<16x128xi32, #tpu.memory_space<vmem>> -> memref<1x128xi32, #tpu.memory_space<vmem>>
    %dma_wait3A_1186 = tpu.memref_squeeze %dma_wait3A_1185 : memref<1x128xi32, #tpu.memory_space<vmem>> -> memref<128xi32, #tpu.memory_space<vmem>>
    %dma_wait3A_1187 = arith.constant 0 : i32
    %dma_wait3A_1188 = tpu.memref_slice %arg10[%dma_wait3A_1187] : memref<102400xf32, #tpu.memory_space<vmem_shared>> -> memref<102400xf32, #tpu.memory_space<vmem_shared>>
    tpu.wait_indirect_dma semaphore(%arg11 : memref<!tpu.dma_semaphore, #tpu.memory_space<semaphore_mem>>) src(%arg7 : memref<128xf32, #tpu.memory_space<vmem>>) dst(%dma_wait3A_1188 : memref<102400xf32, #tpu.memory_space<vmem_shared>>)
    %dma_wait3A_1189 = arith.constant 3 : i32
    %dma_wait3A_1190 = arith.constant 0 : i32
    %dma_wait3A_1191 = tpu.memref_slice %arg6[%dma_wait3A_1189, %dma_wait3A_1190] : memref<16x128xi32, #tpu.memory_space<vmem>> -> memref<1x128xi32, #tpu.memory_space<vmem>>
    %dma_wait3A_1192 = tpu.memref_squeeze %dma_wait3A_1191 : memref<1x128xi32, #tpu.memory_space<vmem>> -> memref<128xi32, #tpu.memory_space<vmem>>
    %dma_wait3A_1193 = arith.constant 0 : i32
    %dma_wait3A_1194 = tpu.memref_slice %arg10[%dma_wait3A_1193] : memref<102400xf32, #tpu.memory_space<vmem_shared>> -> memref<102400xf32, #tpu.memory_space<vmem_shared>>
    tpu.wait_indirect_dma semaphore(%arg11 : memref<!tpu.dma_semaphore, #tpu.memory_space<semaphore_mem>>) src(%arg7 : memref<128xf32, #tpu.memory_space<vmem>>) dst(%dma_wait3A_1194 : memref<102400xf32, #tpu.memory_space<vmem_shared>>)
    %dma_wait3A_1195 = arith.constant 4 : i32
    %dma_wait3A_1196 = arith.constant 0 : i32
    %dma_wait3A_1197 = tpu.memref_slice %arg6[%dma_wait3A_1195, %dma_wait3A_1196] : memref<16x128xi32, #tpu.memory_space<vmem>> -> memref<1x128xi32, #tpu.memory_space<vmem>>
    %dma_wait3A_1198 = tpu.memref_squeeze %dma_wait3A_1197 : memref<1x128xi32, #tpu.memory_space<vmem>> -> memref<128xi32, #tpu.memory_space<vmem>>
    %dma_wait3A_1199 = arith.constant 0 : i32
    %dma_wait3A_1200 = tpu.memref_slice %arg10[%dma_wait3A_1199] : memref<102400xf32, #tpu.memory_space<vmem_shared>> -> memref<102400xf32, #tpu.memory_space<vmem_shared>>
    tpu.wait_indirect_dma semaphore(%arg11 : memref<!tpu.dma_semaphore, #tpu.memory_space<semaphore_mem>>) src(%arg7 : memref<128xf32, #tpu.memory_space<vmem>>) dst(%dma_wait3A_1200 : memref<102400xf32, #tpu.memory_space<vmem_shared>>)
    %dma_wait3A_1201 = arith.constant 5 : i32
    %dma_wait3A_1202 = arith.constant 0 : i32
    %dma_wait3A_1203 = tpu.memref_slice %arg6[%dma_wait3A_1201, %dma_wait3A_1202] : memref<16x128xi32, #tpu.memory_space<vmem>> -> memref<1x128xi32, #tpu.memory_space<vmem>>
    %dma_wait3A_1204 = tpu.memref_squeeze %dma_wait3A_1203 : memref<1x128xi32, #tpu.memory_space<vmem>> -> memref<128xi32, #tpu.memory_space<vmem>>
    %dma_wait3A_1205 = arith.constant 0 : i32
    %dma_wait3A_1206 = tpu.memref_slice %arg10[%dma_wait3A_1205] : memref<102400xf32, #tpu.memory_space<vmem_shared>> -> memref<102400xf32, #tpu.memory_space<vmem_shared>>
    tpu.wait_indirect_dma semaphore(%arg11 : memref<!tpu.dma_semaphore, #tpu.memory_space<semaphore_mem>>) src(%arg7 : memref<128xf32, #tpu.memory_space<vmem>>) dst(%dma_wait3A_1206 : memref<102400xf32, #tpu.memory_space<vmem_shared>>)
    %dma_wait3A_1207 = arith.constant 6 : i32
    %dma_wait3A_1208 = arith.constant 0 : i32
    %dma_wait3A_1209 = tpu.memref_slice %arg6[%dma_wait3A_1207, %dma_wait3A_1208] : memref<16x128xi32, #tpu.memory_space<vmem>> -> memref<1x128xi32, #tpu.memory_space<vmem>>
    %dma_wait3A_1210 = tpu.memref_squeeze %dma_wait3A_1209 : memref<1x128xi32, #tpu.memory_space<vmem>> -> memref<128xi32, #tpu.memory_space<vmem>>
    %dma_wait3A_1211 = arith.constant 0 : i32
    %dma_wait3A_1212 = tpu.memref_slice %arg10[%dma_wait3A_1211] : memref<102400xf32, #tpu.memory_space<vmem_shared>> -> memref<102400xf32, #tpu.memory_space<vmem_shared>>
    tpu.wait_indirect_dma semaphore(%arg11 : memref<!tpu.dma_semaphore, #tpu.memory_space<semaphore_mem>>) src(%arg7 : memref<128xf32, #tpu.memory_space<vmem>>) dst(%dma_wait3A_1212 : memref<102400xf32, #tpu.memory_space<vmem_shared>>)
    %dma_wait3A_1213 = arith.constant 7 : i32
    %dma_wait3A_1214 = arith.constant 0 : i32
    %dma_wait3A_1215 = tpu.memref_slice %arg6[%dma_wait3A_1213, %dma_wait3A_1214] : memref<16x128xi32, #tpu.memory_space<vmem>> -> memref<1x128xi32, #tpu.memory_space<vmem>>
    %dma_wait3A_1216 = tpu.memref_squeeze %dma_wait3A_1215 : memref<1x128xi32, #tpu.memory_space<vmem>> -> memref<128xi32, #tpu.memory_space<vmem>>
    %dma_wait3A_1217 = arith.constant 0 : i32
    %dma_wait3A_1218 = tpu.memref_slice %arg10[%dma_wait3A_1217] : memref<102400xf32, #tpu.memory_space<vmem_shared>> -> memref<102400xf32, #tpu.memory_space<vmem_shared>>
    tpu.wait_indirect_dma semaphore(%arg11 : memref<!tpu.dma_semaphore, #tpu.memory_space<semaphore_mem>>) src(%arg7 : memref<128xf32, #tpu.memory_space<vmem>>) dst(%dma_wait3A_1218 : memref<102400xf32, #tpu.memory_space<vmem_shared>>)
    %dma_wait3A_1219 = arith.constant 8 : i32
    %dma_wait3A_1220 = arith.constant 0 : i32
    %dma_wait3A_1221 = tpu.memref_slice %arg6[%dma_wait3A_1219, %dma_wait3A_1220] : memref<16x128xi32, #tpu.memory_space<vmem>> -> memref<1x128xi32, #tpu.memory_space<vmem>>
    %dma_wait3A_1222 = tpu.memref_squeeze %dma_wait3A_1221 : memref<1x128xi32, #tpu.memory_space<vmem>> -> memref<128xi32, #tpu.memory_space<vmem>>
    %dma_wait3A_1223 = arith.constant 0 : i32
    %dma_wait3A_1224 = tpu.memref_slice %arg10[%dma_wait3A_1223] : memref<102400xf32, #tpu.memory_space<vmem_shared>> -> memref<102400xf32, #tpu.memory_space<vmem_shared>>
    tpu.wait_indirect_dma semaphore(%arg11 : memref<!tpu.dma_semaphore, #tpu.memory_space<semaphore_mem>>) src(%arg7 : memref<128xf32, #tpu.memory_space<vmem>>) dst(%dma_wait3A_1224 : memref<102400xf32, #tpu.memory_space<vmem_shared>>)
    %dma_wait3A_1225 = arith.constant 9 : i32
    %dma_wait3A_1226 = arith.constant 0 : i32
    %dma_wait3A_1227 = tpu.memref_slice %arg6[%dma_wait3A_1225, %dma_wait3A_1226] : memref<16x128xi32, #tpu.memory_space<vmem>> -> memref<1x128xi32, #tpu.memory_space<vmem>>
    %dma_wait3A_1228 = tpu.memref_squeeze %dma_wait3A_1227 : memref<1x128xi32, #tpu.memory_space<vmem>> -> memref<128xi32, #tpu.memory_space<vmem>>
    %dma_wait3A_1229 = arith.constant 0 : i32
    %dma_wait3A_1230 = tpu.memref_slice %arg10[%dma_wait3A_1229] : memref<102400xf32, #tpu.memory_space<vmem_shared>> -> memref<102400xf32, #tpu.memory_space<vmem_shared>>
    tpu.wait_indirect_dma semaphore(%arg11 : memref<!tpu.dma_semaphore, #tpu.memory_space<semaphore_mem>>) src(%arg7 : memref<128xf32, #tpu.memory_space<vmem>>) dst(%dma_wait3A_1230 : memref<102400xf32, #tpu.memory_space<vmem_shared>>)
    %dma_wait3A_1231 = arith.constant 10 : i32
    %dma_wait3A_1232 = arith.constant 0 : i32
    %dma_wait3A_1233 = tpu.memref_slice %arg6[%dma_wait3A_1231, %dma_wait3A_1232] : memref<16x128xi32, #tpu.memory_space<vmem>> -> memref<1x128xi32, #tpu.memory_space<vmem>>
    %dma_wait3A_1234 = tpu.memref_squeeze %dma_wait3A_1233 : memref<1x128xi32, #tpu.memory_space<vmem>> -> memref<128xi32, #tpu.memory_space<vmem>>
    %dma_wait3A_1235 = arith.constant 0 : i32
    %dma_wait3A_1236 = tpu.memref_slice %arg10[%dma_wait3A_1235] : memref<102400xf32, #tpu.memory_space<vmem_shared>> -> memref<102400xf32, #tpu.memory_space<vmem_shared>>
    tpu.wait_indirect_dma semaphore(%arg11 : memref<!tpu.dma_semaphore, #tpu.memory_space<semaphore_mem>>) src(%arg7 : memref<128xf32, #tpu.memory_space<vmem>>) dst(%dma_wait3A_1236 : memref<102400xf32, #tpu.memory_space<vmem_shared>>)
    %dma_wait3A_1237 = arith.constant 11 : i32
    %dma_wait3A_1238 = arith.constant 0 : i32
    %dma_wait3A_1239 = tpu.memref_slice %arg6[%dma_wait3A_1237, %dma_wait3A_1238] : memref<16x128xi32, #tpu.memory_space<vmem>> -> memref<1x128xi32, #tpu.memory_space<vmem>>
    %dma_wait3A_1240 = tpu.memref_squeeze %dma_wait3A_1239 : memref<1x128xi32, #tpu.memory_space<vmem>> -> memref<128xi32, #tpu.memory_space<vmem>>
    %dma_wait3A_1241 = arith.constant 0 : i32
    %dma_wait3A_1242 = tpu.memref_slice %arg10[%dma_wait3A_1241] : memref<102400xf32, #tpu.memory_space<vmem_shared>> -> memref<102400xf32, #tpu.memory_space<vmem_shared>>
    tpu.wait_indirect_dma semaphore(%arg11 : memref<!tpu.dma_semaphore, #tpu.memory_space<semaphore_mem>>) src(%arg7 : memref<128xf32, #tpu.memory_space<vmem>>) dst(%dma_wait3A_1242 : memref<102400xf32, #tpu.memory_space<vmem_shared>>)
    %dma_wait3A_1243 = arith.constant 12 : i32
    %dma_wait3A_1244 = arith.constant 0 : i32
    %dma_wait3A_1245 = tpu.memref_slice %arg6[%dma_wait3A_1243, %dma_wait3A_1244] : memref<16x128xi32, #tpu.memory_space<vmem>> -> memref<1x128xi32, #tpu.memory_space<vmem>>
    %dma_wait3A_1246 = tpu.memref_squeeze %dma_wait3A_1245 : memref<1x128xi32, #tpu.memory_space<vmem>> -> memref<128xi32, #tpu.memory_space<vmem>>
    %dma_wait3A_1247 = arith.constant 0 : i32
    %dma_wait3A_1248 = tpu.memref_slice %arg10[%dma_wait3A_1247] : memref<102400xf32, #tpu.memory_space<vmem_shared>> -> memref<102400xf32, #tpu.memory_space<vmem_shared>>
    tpu.wait_indirect_dma semaphore(%arg11 : memref<!tpu.dma_semaphore, #tpu.memory_space<semaphore_mem>>) src(%arg7 : memref<128xf32, #tpu.memory_space<vmem>>) dst(%dma_wait3A_1248 : memref<102400xf32, #tpu.memory_space<vmem_shared>>)
    %dma_wait3A_1249 = arith.constant 13 : i32
    %dma_wait3A_1250 = arith.constant 0 : i32
    %dma_wait3A_1251 = tpu.memref_slice %arg6[%dma_wait3A_1249, %dma_wait3A_1250] : memref<16x128xi32, #tpu.memory_space<vmem>> -> memref<1x128xi32, #tpu.memory_space<vmem>>
    %dma_wait3A_1252 = tpu.memref_squeeze %dma_wait3A_1251 : memref<1x128xi32, #tpu.memory_space<vmem>> -> memref<128xi32, #tpu.memory_space<vmem>>
    %dma_wait3A_1253 = arith.constant 0 : i32
    %dma_wait3A_1254 = tpu.memref_slice %arg10[%dma_wait3A_1253] : memref<102400xf32, #tpu.memory_space<vmem_shared>> -> memref<102400xf32, #tpu.memory_space<vmem_shared>>
    tpu.wait_indirect_dma semaphore(%arg11 : memref<!tpu.dma_semaphore, #tpu.memory_space<semaphore_mem>>) src(%arg7 : memref<128xf32, #tpu.memory_space<vmem>>) dst(%dma_wait3A_1254 : memref<102400xf32, #tpu.memory_space<vmem_shared>>)
    %dma_wait3A_1255 = arith.constant 14 : i32
    %dma_wait3A_1256 = arith.constant 0 : i32
    %dma_wait3A_1257 = tpu.memref_slice %arg6[%dma_wait3A_1255, %dma_wait3A_1256] : memref<16x128xi32, #tpu.memory_space<vmem>> -> memref<1x128xi32, #tpu.memory_space<vmem>>
    %dma_wait3A_1258 = tpu.memref_squeeze %dma_wait3A_1257 : memref<1x128xi32, #tpu.memory_space<vmem>> -> memref<128xi32, #tpu.memory_space<vmem>>
    %dma_wait3A_1259 = arith.constant 0 : i32
    %dma_wait3A_1260 = tpu.memref_slice %arg10[%dma_wait3A_1259] : memref<102400xf32, #tpu.memory_space<vmem_shared>> -> memref<102400xf32, #tpu.memory_space<vmem_shared>>
    tpu.wait_indirect_dma semaphore(%arg11 : memref<!tpu.dma_semaphore, #tpu.memory_space<semaphore_mem>>) src(%arg7 : memref<128xf32, #tpu.memory_space<vmem>>) dst(%dma_wait3A_1260 : memref<102400xf32, #tpu.memory_space<vmem_shared>>)
    %dma_wait3A_1261 = arith.constant 15 : i32
    %dma_wait3A_1262 = arith.constant 0 : i32
    %dma_wait3A_1263 = tpu.memref_slice %arg6[%dma_wait3A_1261, %dma_wait3A_1262] : memref<16x128xi32, #tpu.memory_space<vmem>> -> memref<1x128xi32, #tpu.memory_space<vmem>>
    %dma_wait3A_1264 = tpu.memref_squeeze %dma_wait3A_1263 : memref<1x128xi32, #tpu.memory_space<vmem>> -> memref<128xi32, #tpu.memory_space<vmem>>
    %dma_wait3A_1265 = arith.constant 0 : i32
    %dma_wait3A_1266 = tpu.memref_slice %arg10[%dma_wait3A_1265] : memref<102400xf32, #tpu.memory_space<vmem_shared>> -> memref<102400xf32, #tpu.memory_space<vmem_shared>>
    tpu.wait_indirect_dma semaphore(%arg11 : memref<!tpu.dma_semaphore, #tpu.memory_space<semaphore_mem>>) src(%arg7 : memref<128xf32, #tpu.memory_space<vmem>>) dst(%dma_wait3A_1266 : memref<102400xf32, #tpu.memory_space<vmem_shared>>)
    %barrier3A_1267 = arith.constant 0 : index
    tpu.barrier barrier_id(%barrier3A_1267)
    %dma_start3A_1268 = arith.constant 0 : i32
    %dma_start3A_1269 = tpu.memref_slice %arg4[%arg0, %dma_start3A_1268, %mul3A_816] : memref<2x2x102400xf32, #tpu.memory_space<hbm>> -> memref<1x1x6400xf32, #tpu.memory_space<hbm>>
    %dma_start3A_1270 = tpu.memref_squeeze %dma_start3A_1269 : memref<1x1x6400xf32, #tpu.memory_space<hbm>> -> memref<6400xf32, #tpu.memory_space<hbm>>
    %dma_start3A_1271 = tpu.memref_slice %arg9[%mul3A_816] : memref<102400xf32, #tpu.memory_space<vmem_shared>> -> memref<6400xf32, #tpu.memory_space<vmem_shared>>
    tpu.enqueue_dma source(%dma_start3A_1271 : memref<6400xf32, #tpu.memory_space<vmem_shared>>) target(%dma_start3A_1270 : memref<6400xf32, #tpu.memory_space<hbm>>) target_semaphore(%arg11 : memref<!tpu.dma_semaphore, #tpu.memory_space<semaphore_mem>>)
    %dma_start3A_1272 = arith.constant 1 : i32
    %dma_start3A_1273 = tpu.memref_slice %arg4[%arg0, %dma_start3A_1272, %mul3A_816] : memref<2x2x102400xf32, #tpu.memory_space<hbm>> -> memref<1x1x6400xf32, #tpu.memory_space<hbm>>
    %dma_start3A_1274 = tpu.memref_squeeze %dma_start3A_1273 : memref<1x1x6400xf32, #tpu.memory_space<hbm>> -> memref<6400xf32, #tpu.memory_space<hbm>>
    %dma_start3A_1275 = tpu.memref_slice %arg10[%mul3A_816] : memref<102400xf32, #tpu.memory_space<vmem_shared>> -> memref<6400xf32, #tpu.memory_space<vmem_shared>>
    tpu.enqueue_dma source(%dma_start3A_1275 : memref<6400xf32, #tpu.memory_space<vmem_shared>>) target(%dma_start3A_1274 : memref<6400xf32, #tpu.memory_space<hbm>>) target_semaphore(%arg11 : memref<!tpu.dma_semaphore, #tpu.memory_space<semaphore_mem>>)
    %dma_wait3A_1276 = arith.constant 0 : i32
    %dma_wait3A_1277 = tpu.memref_slice %arg4[%arg0, %dma_wait3A_1276, %mul3A_816] : memref<2x2x102400xf32, #tpu.memory_space<hbm>> -> memref<1x1x6400xf32, #tpu.memory_space<hbm>>
    %dma_wait3A_1278 = tpu.memref_squeeze %dma_wait3A_1277 : memref<1x1x6400xf32, #tpu.memory_space<hbm>> -> memref<6400xf32, #tpu.memory_space<hbm>>
    %dma_wait3A_1279 = tpu.memref_slice %arg9[%mul3A_816] : memref<102400xf32, #tpu.memory_space<vmem_shared>> -> memref<6400xf32, #tpu.memory_space<vmem_shared>>
    tpu.wait_dma2 semaphore(%arg11 : memref<!tpu.dma_semaphore, #tpu.memory_space<semaphore_mem>>) src(%dma_wait3A_1279 : memref<6400xf32, #tpu.memory_space<vmem_shared>>) dst(%dma_wait3A_1278 : memref<6400xf32, #tpu.memory_space<hbm>>)
    %dma_wait3A_1280 = arith.constant 1 : i32
    %dma_wait3A_1281 = tpu.memref_slice %arg4[%arg0, %dma_wait3A_1280, %mul3A_816] : memref<2x2x102400xf32, #tpu.memory_space<hbm>> -> memref<1x1x6400xf32, #tpu.memory_space<hbm>>
    %dma_wait3A_1282 = tpu.memref_squeeze %dma_wait3A_1281 : memref<1x1x6400xf32, #tpu.memory_space<hbm>> -> memref<6400xf32, #tpu.memory_space<hbm>>
    %dma_wait3A_1283 = tpu.memref_slice %arg10[%mul3A_816] : memref<102400xf32, #tpu.memory_space<vmem_shared>> -> memref<6400xf32, #tpu.memory_space<vmem_shared>>
    tpu.wait_dma2 semaphore(%arg11 : memref<!tpu.dma_semaphore, #tpu.memory_space<semaphore_mem>>) src(%dma_wait3A_1283 : memref<6400xf32, #tpu.memory_space<vmem_shared>>) dst(%dma_wait3A_1282 : memref<6400xf32, #tpu.memory_space<hbm>>)
    return
  }
}

module attributes {stable_mosaic.version = 14 : i64} {
  func.func @_score_body(%arg0: i32, %arg1: memref<4096x128xf32, #tpu.memory_space<vmem>>, %arg2: memref<256x64xf32, #tpu.memory_space<vmem>>, %arg3: memref<64x1xf32, #tpu.memory_space<vmem>>, %arg4: memref<64x1xf32, #tpu.memory_space<vmem>>, %arg5: memref<2xi32, #tpu.memory_space<smem>>, %arg6: memref<100000x128xf32, #tpu.memory_space<hbm>>, %arg7: memref<1x1x4096xf32, #tpu.memory_space<vmem>>, %arg8: memref<1x1x4096xf32, #tpu.memory_space<vmem>>, %arg9: memref<2x128xf32, #tpu.memory_space<vmem>>, %arg10: memref<64x2xf32, #tpu.memory_space<vmem>>, %arg11: memref<!tpu.dma_semaphore, #tpu.memory_space<semaphore_mem>>) attributes {dimension_semantics = [#tpu.dimension_semantics<arbitrary>], iteration_bounds = array<i64: 25>, scalar_prefetch = 0 : i64, scratch_operands = 3 : i64, tpu.core_type = #tpu.core_type<tc>, window_params = [{transform_indices = @transform_0, window_bounds = array<i64: 4096, 128>}, {pipeline_mode = #tpu.pipeline_mode<synchronous>, transform_indices = @transform_1, window_bounds = array<i64: 256, 64>}, {pipeline_mode = #tpu.pipeline_mode<synchronous>, transform_indices = @transform_2, window_bounds = array<i64: 64, 1>}, {pipeline_mode = #tpu.pipeline_mode<synchronous>, transform_indices = @transform_3, window_bounds = array<i64: 64, 1>}, {transform_indices = @transform_4, window_bounds = array<i64: 2>}, {}, {transform_indices = @transform_6, window_bounds = array<i64: 1, 1, 4096>}, {transform_indices = @transform_7, window_bounds = array<i64: 1, 1, 4096>}]} {
    %eq3A = arith.constant 0 : i32
    %eq3A_0 = arith.cmpi eq, %arg0, %eq3A : i32
    %convert_element_type3A = arith.extui %eq3A_0 : i1 to i32
    %cond3A = arith.constant 0 : i32
    %cond3A_1 = arith.cmpi ne, %convert_element_type3A, %cond3A : i32
    scf.if %cond3A_1 {
      %get3A_40 = arith.constant 0 : index
      %get3A_41 = memref.load %arg5[%get3A_40] : memref<2xi32, #tpu.memory_space<smem>>
      %get3A_42 = arith.constant 1 : index
      %get3A_43 = memref.load %arg5[%get3A_42] : memref<2xi32, #tpu.memory_space<smem>>
      %dma_start3A = arith.constant 0 : i32
      %dma_start3A_44 = arith.constant 0 : i32
      %dma_start3A_45 = tpu.memref_slice %arg9[%dma_start3A, %dma_start3A_44] : memref<2x128xf32, #tpu.memory_space<vmem>> -> memref<1x128xf32, #tpu.memory_space<vmem>>
      %dma_start3A_46 = arith.constant 0 : i32
      %dma_start3A_47 = tpu.memref_slice %arg6[%get3A_41, %dma_start3A_46] : memref<100000x128xf32, #tpu.memory_space<hbm>> -> memref<1x128xf32, #tpu.memory_space<hbm>>
      tpu.enqueue_dma source(%dma_start3A_47 : memref<1x128xf32, #tpu.memory_space<hbm>>) target(%dma_start3A_45 : memref<1x128xf32, #tpu.memory_space<vmem>>) target_semaphore(%arg11 : memref<!tpu.dma_semaphore, #tpu.memory_space<semaphore_mem>>)
      %dma_start3A_48 = arith.constant 1 : i32
      %dma_start3A_49 = arith.constant 0 : i32
      %dma_start3A_50 = tpu.memref_slice %arg9[%dma_start3A_48, %dma_start3A_49] : memref<2x128xf32, #tpu.memory_space<vmem>> -> memref<1x128xf32, #tpu.memory_space<vmem>>
      %dma_start3A_51 = arith.constant 0 : i32
      %dma_start3A_52 = tpu.memref_slice %arg6[%get3A_43, %dma_start3A_51] : memref<100000x128xf32, #tpu.memory_space<hbm>> -> memref<1x128xf32, #tpu.memory_space<hbm>>
      tpu.enqueue_dma source(%dma_start3A_52 : memref<1x128xf32, #tpu.memory_space<hbm>>) target(%dma_start3A_50 : memref<1x128xf32, #tpu.memory_space<vmem>>) target_semaphore(%arg11 : memref<!tpu.dma_semaphore, #tpu.memory_space<semaphore_mem>>)
      %dma_wait3A = arith.constant 0 : i32
      %dma_wait3A_53 = arith.constant 0 : i32
      %dma_wait3A_54 = tpu.memref_slice %arg9[%dma_wait3A, %dma_wait3A_53] : memref<2x128xf32, #tpu.memory_space<vmem>> -> memref<1x128xf32, #tpu.memory_space<vmem>>
      %dma_wait3A_55 = arith.constant 0 : i32
      %dma_wait3A_56 = tpu.memref_slice %arg6[%get3A_41, %dma_wait3A_55] : memref<100000x128xf32, #tpu.memory_space<hbm>> -> memref<1x128xf32, #tpu.memory_space<hbm>>
      tpu.wait_dma2 semaphore(%arg11 : memref<!tpu.dma_semaphore, #tpu.memory_space<semaphore_mem>>) src(%dma_wait3A_56 : memref<1x128xf32, #tpu.memory_space<hbm>>) dst(%dma_wait3A_54 : memref<1x128xf32, #tpu.memory_space<vmem>>)
      %dma_wait3A_57 = arith.constant 1 : i32
      %dma_wait3A_58 = arith.constant 0 : i32
      %dma_wait3A_59 = tpu.memref_slice %arg9[%dma_wait3A_57, %dma_wait3A_58] : memref<2x128xf32, #tpu.memory_space<vmem>> -> memref<1x128xf32, #tpu.memory_space<vmem>>
      %dma_wait3A_60 = arith.constant 0 : i32
      %dma_wait3A_61 = tpu.memref_slice %arg6[%get3A_43, %dma_wait3A_60] : memref<100000x128xf32, #tpu.memory_space<hbm>> -> memref<1x128xf32, #tpu.memory_space<hbm>>
      tpu.wait_dma2 semaphore(%arg11 : memref<!tpu.dma_semaphore, #tpu.memory_space<semaphore_mem>>) src(%dma_wait3A_61 : memref<1x128xf32, #tpu.memory_space<hbm>>) dst(%dma_wait3A_59 : memref<1x128xf32, #tpu.memory_space<vmem>>)
      %get3A_62 = arith.constant 0 : index
      %get3A_63 = arith.constant 0 : index
      %get3A_64 = vector.load %arg2[%get3A_62, %get3A_63] : memref<256x64xf32, #tpu.memory_space<vmem>>, vector<128x64xf32>
      %get3A_65 = arith.constant 0 : index
      %get3A_66 = arith.constant 0 : index
      %get3A_67 = vector.load %arg9[%get3A_65, %get3A_66] : memref<2x128xf32, #tpu.memory_space<vmem>>, vector<2x128xf32>
      %dot_general3A_68 = arith.constant dense<0.000000e+00> : vector<64x2xf32>
      %dot_general3A_69 = tpu.matmul %get3A_64, %get3A_67, %dot_general3A_68 {dimension_numbers = #tpu.dot_dimension_numbers<[0], [1], [1], [0], [0, 1, 1, 0], [], []>, transpose_lhs_hint = false} : vector<128x64xf32>, vector<2x128xf32>, vector<64x2xf32> -> vector<64x2xf32>
      %get3A_70 = arith.constant 0 : index
      %get3A_71 = arith.constant 0 : index
      %get3A_72 = vector.load %arg3[%get3A_70, %get3A_71] : memref<64x1xf32, #tpu.memory_space<vmem>>, vector<64x1xf32>
      %add3A_73 = vector.broadcast %get3A_72 : vector<64x1xf32> to vector<64x2xf32>
      %add3A_74 = arith.addf %dot_general3A_69, %add3A_73 : vector<64x2xf32>
      %swap3A_75 = arith.constant 0 : index
      %swap3A_76 = arith.constant 0 : index
      %swap3A_77 = vector.load %arg10[%swap3A_75, %swap3A_76] : memref<64x2xf32, #tpu.memory_space<vmem>>, vector<64x2xf32>
      tpu.vector_store %arg10[%swap3A_75, %swap3A_76], %add3A_74 {strides = array<i32>} : memref<64x2xf32, #tpu.memory_space<vmem>>, vector<64x2xf32>,
    } else {
    }
    %get3A = arith.constant 128 : index
    %get3A_2 = arith.constant 0 : index
    %get3A_3 = vector.load %arg2[%get3A, %get3A_2] : memref<256x64xf32, #tpu.memory_space<vmem>>, vector<128x64xf32>
    %get3A_4 = arith.constant 0 : index
    %get3A_5 = arith.constant 0 : index
    %get3A_6 = vector.load %arg1[%get3A_4, %get3A_5] : memref<4096x128xf32, #tpu.memory_space<vmem>>, vector<4096x128xf32>
    %dot_general3A = arith.constant dense<0.000000e+00> : vector<64x4096xf32>
    %dot_general3A_7 = tpu.matmul %get3A_3, %get3A_6, %dot_general3A {dimension_numbers = #tpu.dot_dimension_numbers<[0], [1], [1], [0], [0, 1, 1, 0], [], []>, transpose_lhs_hint = false} : vector<128x64xf32>, vector<4096x128xf32>, vector<64x4096xf32> -> vector<64x4096xf32>
    %get3A_8 = arith.constant 0 : index
    %get3A_9 = arith.constant 0 : index
    %get3A_10 = vector.load %arg10[%get3A_8, %get3A_9] : memref<64x2xf32, #tpu.memory_space<vmem>>, vector<64x1xf32>
    %add3A = vector.broadcast %get3A_10 : vector<64x1xf32> to vector<64x4096xf32>
    %add3A_11 = arith.addf %dot_general3A_7, %add3A : vector<64x4096xf32>
    %max3A = arith.constant 0.000000e+00 : f32
    %max3A_12 = vector.broadcast %max3A : f32 to vector<64x4096xf32>
    %max3A_13 = arith.maximumf %add3A_11, %max3A_12 : vector<64x4096xf32>
    %get3A_14 = arith.constant 0 : index
    %get3A_15 = arith.constant 1 : index
    %get3A_16 = vector.load %arg10[%get3A_14, %get3A_15] : memref<64x2xf32, #tpu.memory_space<vmem>>, vector<64x1xf32>
    %add3A_17 = vector.broadcast %get3A_16 : vector<64x1xf32> to vector<64x4096xf32>
    %add3A_18 = arith.addf %dot_general3A_7, %add3A_17 : vector<64x4096xf32>
    %max3A_19 = arith.constant 0.000000e+00 : f32
    %max3A_20 = vector.broadcast %max3A_19 : f32 to vector<64x4096xf32>
    %max3A_21 = arith.maximumf %add3A_18, %max3A_20 : vector<64x4096xf32>
    %get3A_22 = arith.constant 0 : index
    %get3A_23 = arith.constant 0 : index
    %get3A_24 = vector.load %arg4[%get3A_22, %get3A_23] : memref<64x1xf32, #tpu.memory_space<vmem>>, vector<64x1xf32>
    %mul3A = vector.broadcast %get3A_24 : vector<64x1xf32> to vector<64x4096xf32>
    %mul3A_25 = arith.mulf %max3A_13, %mul3A : vector<64x4096xf32>
    %reduce_sum3A = arith.constant dense<0.000000e+00> : vector<4096xf32>
    %reduce_sum3A_26 = vector.multi_reduction <add>, %mul3A_25, %reduce_sum3A [0] : vector<64x4096xf32> to vector<4096xf32>
    %broadcast_in_dim3A = vector.shape_cast %reduce_sum3A_26 : vector<4096xf32> to vector<1x4096xf32>
    %mul3A_27 = vector.broadcast %get3A_24 : vector<64x1xf32> to vector<64x4096xf32>
    %mul3A_28 = arith.mulf %max3A_21, %mul3A_27 : vector<64x4096xf32>
    %reduce_sum3A_29 = arith.constant dense<0.000000e+00> : vector<4096xf32>
    %reduce_sum3A_30 = vector.multi_reduction <add>, %mul3A_28, %reduce_sum3A_29 [0] : vector<64x4096xf32> to vector<4096xf32>
    %broadcast_in_dim3A_31 = vector.shape_cast %reduce_sum3A_30 : vector<4096xf32> to vector<1x4096xf32>
    %reshape3A = vector.shape_cast %broadcast_in_dim3A : vector<1x4096xf32> to vector<1x1x4096xf32>
    %swap3A = arith.constant 0 : index
    %swap3A_32 = arith.constant 0 : index
    %swap3A_33 = arith.constant 0 : index
    %swap3A_34 = vector.load %arg7[%swap3A, %swap3A_32, %swap3A_33] : memref<1x1x4096xf32, #tpu.memory_space<vmem>>, vector<1x1x4096xf32>
    tpu.vector_store %arg7[%swap3A, %swap3A_32, %swap3A_33], %reshape3A {strides = array<i32>} : memref<1x1x4096xf32, #tpu.memory_space<vmem>>, vector<1x1x4096xf32>,
    %reshape3A_35 = vector.shape_cast %broadcast_in_dim3A_31 : vector<1x4096xf32> to vector<1x1x4096xf32>
    %swap3A_36 = arith.constant 0 : index
    %swap3A_37 = arith.constant 0 : index
    %swap3A_38 = arith.constant 0 : index
    %swap3A_39 = vector.load %arg8[%swap3A_36, %swap3A_37, %swap3A_38] : memref<1x1x4096xf32, #tpu.memory_space<vmem>>, vector<1x1x4096xf32>
    tpu.vector_store %arg8[%swap3A_36, %swap3A_37, %swap3A_38], %reshape3A_35 {strides = array<i32>} : memref<1x1x4096xf32, #tpu.memory_space<vmem>>, vector<1x1x4096xf32>,
    return
  }
  func.func @transform_0(%arg0: i32) -> (i32, i32) {
    %c0_i32 = arith.constant 0 : i32
    %c0_i32_0 = arith.constant 0 : i32
    return %arg0, %c0_i32 : i32, i32
  }
  func.func @transform_1(%arg0: i32) -> (i32, i32) {
    %c0_i32 = arith.constant 0 : i32
    %c0_i32_0 = arith.constant 0 : i32
    %c0_i32_1 = arith.constant 0 : i32
    return %c0_i32, %c0_i32_0 : i32, i32
  }
  func.func @transform_2(%arg0: i32) -> (i32, i32) {
    %c0_i32 = arith.constant 0 : i32
    %c0_i32_0 = arith.constant 0 : i32
    %c0_i32_1 = arith.constant 0 : i32
    return %c0_i32, %c0_i32_0 : i32, i32
  }
  func.func @transform_3(%arg0: i32) -> (i32, i32) {
    %c0_i32 = arith.constant 0 : i32
    %c0_i32_0 = arith.constant 0 : i32
    %c0_i32_1 = arith.constant 0 : i32
    return %c0_i32, %c0_i32_0 : i32, i32
  }
  func.func @transform_4(%arg0: i32) -> i32 {
    %c0_i32 = arith.constant 0 : i32
    %c0_i32_0 = arith.constant 0 : i32
    return %c0_i32 : i32
  }
  func.func @transform_6(%arg0: i32) -> (i32, i32, i32) {
    %c0_i32 = arith.constant 0 : i32
    %c0_i32_0 = arith.constant 0 : i32
    %c0_i32_1 = arith.constant 0 : i32
    return %arg0, %c0_i32, %c0_i32_0 : i32, i32, i32
  }
  func.func @transform_7(%arg0: i32) -> (i32, i32, i32) {
    %c0_i32 = arith.constant 0 : i32
    %c0_i32_0 = arith.constant 0 : i32
    %c0_i32_1 = arith.constant 0 : i32
    return %arg0, %c0_i32, %c0_i32_0 : i32, i32, i32
  }
}

module attributes {stable_mosaic.version = 14 : i64} {
  func.func @_final_body(%arg0: memref<800x128xf32, #tpu.memory_space<vmem>>, %arg1: memref<800x128xf32, #tpu.memory_space<vmem>>, %arg2: memref<2x2x800x128xf32, #tpu.memory_space<vmem>>, %arg3: memref<2x128xf32, #tpu.memory_space<vmem>>, %arg4: memref<128x128xf32, #tpu.memory_space<vmem>>, %arg5: memref<2xi32, #tpu.memory_space<smem>>, %arg6: memref<100000x128xf32, #tpu.memory_space<hbm>>, %arg7: memref<2x128xf32, #tpu.memory_space<vmem>>, %arg8: memref<8x128xf32, #tpu.memory_space<vmem>>, %arg9: memref<!tpu.dma_semaphore, #tpu.memory_space<semaphore_mem>>) attributes {dimension_semantics = [], scalar_prefetch = 0 : i64, scratch_operands = 2 : i64, tpu.core_type = #tpu.core_type<tc>} {
    %iota3A = tpu.iota {dimensions = array<i32: 0>} : vector<800x128xi32>
    %mul3A = arith.constant 128 : i32
    %mul3A_0 = vector.broadcast %mul3A : i32 to vector<800x128xi32>
    %mul3A_1 = arith.muli %iota3A, %mul3A_0 : vector<800x128xi32>
    %iota3A_2 = tpu.iota {dimensions = array<i32: 1>} : vector<800x128xi32>
    %add3A = arith.addi %mul3A_1, %iota3A_2 : vector<800x128xi32>
    %get3A = arith.constant 0 : index
    %get3A_3 = arith.constant 0 : index
    %get3A_4 = arith.constant 0 : index
    %get3A_5 = arith.constant 0 : index
    %get3A_6 = vector.load %arg2[%get3A, %get3A_3, %get3A_4, %get3A_5] : memref<2x2x800x128xf32, #tpu.memory_space<vmem>>, vector<2x2x800x128xf32>
    %slice3A = vector.extract_strided_slice %get3A_6 {offsets = [0, 0, 0, 0], sizes = [1, 1, 800, 128], strides = [1, 1, 1, 1]} : vector<2x2x800x128xf32> to vector<1x1x800x128xf32>
    %squeeze3A = vector.shape_cast %slice3A : vector<1x1x800x128xf32> to vector<800x128xf32>
    %slice3A_7 = vector.extract_strided_slice %get3A_6 {offsets = [1, 0, 0, 0], sizes = [1, 1, 800, 128], strides = [1, 1, 1, 1]} : vector<2x2x800x128xf32> to vector<1x1x800x128xf32>
    %squeeze3A_8 = vector.shape_cast %slice3A_7 : vector<1x1x800x128xf32> to vector<800x128xf32>
    %add3A_9 = arith.addf %squeeze3A, %squeeze3A_8 : vector<800x128xf32>
    %slice3A_10 = vector.extract_strided_slice %get3A_6 {offsets = [0, 1, 0, 0], sizes = [1, 1, 800, 128], strides = [1, 1, 1, 1]} : vector<2x2x800x128xf32> to vector<1x1x800x128xf32>
    %squeeze3A_11 = vector.shape_cast %slice3A_10 : vector<1x1x800x128xf32> to vector<800x128xf32>
    %slice3A_12 = vector.extract_strided_slice %get3A_6 {offsets = [1, 1, 0, 0], sizes = [1, 1, 800, 128], strides = [1, 1, 1, 1]} : vector<2x2x800x128xf32> to vector<1x1x800x128xf32>
    %squeeze3A_13 = vector.shape_cast %slice3A_12 : vector<1x1x800x128xf32> to vector<800x128xf32>
    %add3A_14 = arith.addf %squeeze3A_11, %squeeze3A_13 : vector<800x128xf32>
    %gt3A = arith.constant 0.000000e+00 : f32
    %gt3A_15 = vector.broadcast %gt3A : f32 to vector<800x128xf32>
    %gt3A_16 = arith.cmpf ogt, %add3A_9, %gt3A_15 : vector<800x128xf32>
    %get3A_17 = arith.constant 0 : index
    %get3A_18 = arith.constant 0 : index
    %get3A_19 = vector.load %arg0[%get3A_17, %get3A_18] : memref<800x128xf32, #tpu.memory_space<vmem>>, vector<800x128xf32>
    %jit3A = arith.constant 0xFF800000 : f32
    %broadcast_in_dim3A = vector.broadcast %jit3A : f32 to vector<800x128xf32>
    %select_n3A = arith.select %gt3A_16, %get3A_19, %broadcast_in_dim3A : vector<800x128xi1>, vector<800x128xf32>
    %reduce_max3A = vector.shape_cast %select_n3A : vector<800x128xf32> to vector<1x800x128xf32>
    %reduce_max3A_20 = arith.constant dense<0xFF800000> : vector<1xf32>
    %reduce_max3A_21 = vector.multi_reduction <maximumf>, %reduce_max3A, %reduce_max3A_20 [1, 2] : vector<1x800x128xf32> to vector<1xf32>
    %reduce_max3A_22 = vector.shape_cast %reduce_max3A_21 : vector<1xf32> to vector<1x1x1xf32>
    %reduce_max3A_23 = vector.extract %reduce_max3A_22[0, 0, 0] : f32 from vector<1x1x1xf32>
    %eq3A = vector.broadcast %reduce_max3A_23 : f32 to vector<800x128xf32>
    %eq3A_24 = arith.cmpf oeq, %select_n3A, %eq3A : vector<800x128xf32>
    %jit3A_25 = arith.constant 1073741824 : i32
    %broadcast_in_dim3A_26 = vector.broadcast %jit3A_25 : i32 to vector<800x128xi32>
    %select_n3A_27 = arith.select %eq3A_24, %add3A, %broadcast_in_dim3A_26 : vector<800x128xi1>, vector<800x128xi32>
    %reduce_min3A = vector.shape_cast %select_n3A_27 : vector<800x128xi32> to vector<1x800x128xi32>
    %reduce_min3A_28 = arith.constant dense<2147483647> : vector<1xi32>
    %reduce_min3A_29 = vector.multi_reduction <minsi>, %reduce_min3A, %reduce_min3A_28 [1, 2] : vector<1x800x128xi32> to vector<1xi32>
    %reduce_min3A_30 = vector.shape_cast %reduce_min3A_29 : vector<1xi32> to vector<1x1x1xi32>
    %reduce_min3A_31 = vector.extract %reduce_min3A_30[0, 0, 0] : i32 from vector<1x1x1xi32>
    %eq3A_32 = vector.broadcast %reduce_min3A_31 : i32 to vector<800x128xi32>
    %eq3A_33 = arith.cmpi eq, %add3A, %eq3A_32 : vector<800x128xi32>
    %jit3A_34 = arith.constant 0.000000e+00 : f32
    %broadcast_in_dim3A_35 = vector.broadcast %jit3A_34 : f32 to vector<800x128xf32>
    %select_n3A_36 = arith.select %eq3A_33, %add3A_9, %broadcast_in_dim3A_35 : vector<800x128xi1>, vector<800x128xf32>
    %reduce_sum3A = vector.shape_cast %select_n3A_36 : vector<800x128xf32> to vector<1x800x128xf32>
    %reduce_sum3A_37 = arith.constant dense<0.000000e+00> : vector<1xf32>
    %reduce_sum3A_38 = vector.multi_reduction <add>, %reduce_sum3A, %reduce_sum3A_37 [1, 2] : vector<1x800x128xf32> to vector<1xf32>
    %reduce_sum3A_39 = vector.shape_cast %reduce_sum3A_38 : vector<1xf32> to vector<1x1x1xf32>
    %reduce_sum3A_40 = vector.extract %reduce_sum3A_39[0, 0, 0] : f32 from vector<1x1x1xf32>
    %jit3A_41 = arith.constant 0.000000e+00 : f32
    %broadcast_in_dim3A_42 = vector.broadcast %jit3A_41 : f32 to vector<800x128xf32>
    %select_n3A_43 = arith.select %eq3A_33, %add3A_14, %broadcast_in_dim3A_42 : vector<800x128xi1>, vector<800x128xf32>
    %reduce_sum3A_44 = vector.shape_cast %select_n3A_43 : vector<800x128xf32> to vector<1x800x128xf32>
    %reduce_sum3A_45 = arith.constant dense<0.000000e+00> : vector<1xf32>
    %reduce_sum3A_46 = vector.multi_reduction <add>, %reduce_sum3A_44, %reduce_sum3A_45 [1, 2] : vector<1x800x128xf32> to vector<1xf32>
    %reduce_sum3A_47 = vector.shape_cast %reduce_sum3A_46 : vector<1xf32> to vector<1x1x1xf32>
    %reduce_sum3A_48 = vector.extract %reduce_sum3A_47[0, 0, 0] : f32 from vector<1x1x1xf32>
    %gt3A_49 = arith.constant 3.000000e+00 : f32
    %gt3A_50 = arith.constant 0.000000e+00 : f32
    %gt3A_51 = arith.cmpf ogt, %gt3A_49, %gt3A_50 : f32
    %convert_element_type3A = arith.extui %gt3A_51 : i1 to i32
    %convert_element_type3A_52 = arith.sitofp %convert_element_type3A : i32 to f32
    %sub3A = arith.constant 3.000000e+00 : f32
    %sub3A_53 = arith.subf %sub3A, %reduce_sum3A_40 : f32
    %jit3A_54 = arith.constant 0xFF800000 : f32
    %broadcast_in_dim3A_55 = vector.broadcast %jit3A_54 : f32 to vector<800x128xf32>
    %select_n3A_56 = arith.select %eq3A_33, %broadcast_in_dim3A_55, %select_n3A : vector<800x128xi1>, vector<800x128xf32>
    %dma_start3A = arith.constant 0 : i32
    %dma_start3A_57 = arith.constant 0 : i32
    %dma_start3A_58 = tpu.memref_slice %arg8[%dma_start3A, %dma_start3A_57] : memref<8x128xf32, #tpu.memory_space<vmem>> -> memref<1x128xf32, #tpu.memory_space<vmem>>
    %dma_start3A_59 = arith.constant 0 : i32
    %dma_start3A_60 = tpu.memref_slice %arg6[%reduce_min3A_31, %dma_start3A_59] : memref<100000x128xf32, #tpu.memory_space<hbm>> -> memref<1x128xf32, #tpu.memory_space<hbm>>
    tpu.enqueue_dma source(%dma_start3A_60 : memref<1x128xf32, #tpu.memory_space<hbm>>) target(%dma_start3A_58 : memref<1x128xf32, #tpu.memory_space<vmem>>) target_semaphore(%arg9 : memref<!tpu.dma_semaphore, #tpu.memory_space<semaphore_mem>>)
    %reduce_max3A_61 = vector.shape_cast %select_n3A_56 : vector<800x128xf32> to vector<1x800x128xf32>
    %reduce_max3A_62 = arith.constant dense<0xFF800000> : vector<1xf32>
    %reduce_max3A_63 = vector.multi_reduction <maximumf>, %reduce_max3A_61, %reduce_max3A_62 [1, 2] : vector<1x800x128xf32> to vector<1xf32>
    %reduce_max3A_64 = vector.shape_cast %reduce_max3A_63 : vector<1xf32> to vector<1x1x1xf32>
    %reduce_max3A_65 = vector.extract %reduce_max3A_64[0, 0, 0] : f32 from vector<1x1x1xf32>
    %eq3A_66 = vector.broadcast %reduce_max3A_65 : f32 to vector<800x128xf32>
    %eq3A_67 = arith.cmpf oeq, %select_n3A_56, %eq3A_66 : vector<800x128xf32>
    %jit3A_68 = arith.constant 1073741824 : i32
    %broadcast_in_dim3A_69 = vector.broadcast %jit3A_68 : i32 to vector<800x128xi32>
    %select_n3A_70 = arith.select %eq3A_67, %add3A, %broadcast_in_dim3A_69 : vector<800x128xi1>, vector<800x128xi32>
    %reduce_min3A_71 = vector.shape_cast %select_n3A_70 : vector<800x128xi32> to vector<1x800x128xi32>
    %reduce_min3A_72 = arith.constant dense<2147483647> : vector<1xi32>
    %reduce_min3A_73 = vector.multi_reduction <minsi>, %reduce_min3A_71, %reduce_min3A_72 [1, 2] : vector<1x800x128xi32> to vector<1xi32>
    %reduce_min3A_74 = vector.shape_cast %reduce_min3A_73 : vector<1xi32> to vector<1x1x1xi32>
    %reduce_min3A_75 = vector.extract %reduce_min3A_74[0, 0, 0] : i32 from vector<1x1x1xi32>
    %eq3A_76 = vector.broadcast %reduce_min3A_75 : i32 to vector<800x128xi32>
    %eq3A_77 = arith.cmpi eq, %add3A, %eq3A_76 : vector<800x128xi32>
    %jit3A_78 = arith.constant 0.000000e+00 : f32
    %broadcast_in_dim3A_79 = vector.broadcast %jit3A_78 : f32 to vector<800x128xf32>
    %select_n3A_80 = arith.select %eq3A_77, %add3A_9, %broadcast_in_dim3A_79 : vector<800x128xi1>, vector<800x128xf32>
    %reduce_sum3A_81 = vector.shape_cast %select_n3A_80 : vector<800x128xf32> to vector<1x800x128xf32>
    %reduce_sum3A_82 = arith.constant dense<0.000000e+00> : vector<1xf32>
    %reduce_sum3A_83 = vector.multi_reduction <add>, %reduce_sum3A_81, %reduce_sum3A_82 [1, 2] : vector<1x800x128xf32> to vector<1xf32>
    %reduce_sum3A_84 = vector.shape_cast %reduce_sum3A_83 : vector<1xf32> to vector<1x1x1xf32>
    %reduce_sum3A_85 = vector.extract %reduce_sum3A_84[0, 0, 0] : f32 from vector<1x1x1xf32>
    %jit3A_86 = arith.constant 0.000000e+00 : f32
    %broadcast_in_dim3A_87 = vector.broadcast %jit3A_86 : f32 to vector<800x128xf32>
    %select_n3A_88 = arith.select %eq3A_77, %add3A_14, %broadcast_in_dim3A_87 : vector<800x128xi1>, vector<800x128xf32>
    %reduce_sum3A_89 = vector.shape_cast %select_n3A_88 : vector<800x128xf32> to vector<1x800x128xf32>
    %reduce_sum3A_90 = arith.constant dense<0.000000e+00> : vector<1xf32>
    %reduce_sum3A_91 = vector.multi_reduction <add>, %reduce_sum3A_89, %reduce_sum3A_90 [1, 2] : vector<1x800x128xf32> to vector<1xf32>
    %reduce_sum3A_92 = vector.shape_cast %reduce_sum3A_91 : vector<1xf32> to vector<1x1x1xf32>
    %reduce_sum3A_93 = vector.extract %reduce_sum3A_92[0, 0, 0] : f32 from vector<1x1x1xf32>
    %gt3A_94 = arith.constant 0.000000e+00 : f32
    %gt3A_95 = arith.cmpf ogt, %sub3A_53, %gt3A_94 : f32
    %convert_element_type3A_96 = arith.extui %gt3A_95 : i1 to i32
    %convert_element_type3A_97 = arith.sitofp %convert_element_type3A_96 : i32 to f32
    %sub3A_98 = arith.subf %sub3A_53, %reduce_sum3A_85 : f32
    %jit3A_99 = arith.constant 0xFF800000 : f32
    %broadcast_in_dim3A_100 = vector.broadcast %jit3A_99 : f32 to vector<800x128xf32>
    %select_n3A_101 = arith.select %eq3A_77, %broadcast_in_dim3A_100, %select_n3A_56 : vector<800x128xi1>, vector<800x128xf32>
    %dma_start3A_102 = arith.constant 1 : i32
    %dma_start3A_103 = arith.constant 0 : i32
    %dma_start3A_104 = tpu.memref_slice %arg8[%dma_start3A_102, %dma_start3A_103] : memref<8x128xf32, #tpu.memory_space<vmem>> -> memref<1x128xf32, #tpu.memory_space<vmem>>
    %dma_start3A_105 = arith.constant 0 : i32
    %dma_start3A_106 = tpu.memref_slice %arg6[%reduce_min3A_75, %dma_start3A_105] : memref<100000x128xf32, #tpu.memory_space<hbm>> -> memref<1x128xf32, #tpu.memory_space<hbm>>
    tpu.enqueue_dma source(%dma_start3A_106 : memref<1x128xf32, #tpu.memory_space<hbm>>) target(%dma_start3A_104 : memref<1x128xf32, #tpu.memory_space<vmem>>) target_semaphore(%arg9 : memref<!tpu.dma_semaphore, #tpu.memory_space<semaphore_mem>>)
    %reduce_max3A_107 = vector.shape_cast %select_n3A_101 : vector<800x128xf32> to vector<1x800x128xf32>
    %reduce_max3A_108 = arith.constant dense<0xFF800000> : vector<1xf32>
    %reduce_max3A_109 = vector.multi_reduction <maximumf>, %reduce_max3A_107, %reduce_max3A_108 [1, 2] : vector<1x800x128xf32> to vector<1xf32>
    %reduce_max3A_110 = vector.shape_cast %reduce_max3A_109 : vector<1xf32> to vector<1x1x1xf32>
    %reduce_max3A_111 = vector.extract %reduce_max3A_110[0, 0, 0] : f32 from vector<1x1x1xf32>
    %eq3A_112 = vector.broadcast %reduce_max3A_111 : f32 to vector<800x128xf32>
    %eq3A_113 = arith.cmpf oeq, %select_n3A_101, %eq3A_112 : vector<800x128xf32>
    %jit3A_114 = arith.constant 1073741824 : i32
    %broadcast_in_dim3A_115 = vector.broadcast %jit3A_114 : i32 to vector<800x128xi32>
    %select_n3A_116 = arith.select %eq3A_113, %add3A, %broadcast_in_dim3A_115 : vector<800x128xi1>, vector<800x128xi32>
    %reduce_min3A_117 = vector.shape_cast %select_n3A_116 : vector<800x128xi32> to vector<1x800x128xi32>
    %reduce_min3A_118 = arith.constant dense<2147483647> : vector<1xi32>
    %reduce_min3A_119 = vector.multi_reduction <minsi>, %reduce_min3A_117, %reduce_min3A_118 [1, 2] : vector<1x800x128xi32> to vector<1xi32>
    %reduce_min3A_120 = vector.shape_cast %reduce_min3A_119 : vector<1xi32> to vector<1x1x1xi32>
    %reduce_min3A_121 = vector.extract %reduce_min3A_120[0, 0, 0] : i32 from vector<1x1x1xi32>
    %eq3A_122 = vector.broadcast %reduce_min3A_121 : i32 to vector<800x128xi32>
    %eq3A_123 = arith.cmpi eq, %add3A, %eq3A_122 : vector<800x128xi32>
    %jit3A_124 = arith.constant 0.000000e+00 : f32
    %broadcast_in_dim3A_125 = vector.broadcast %jit3A_124 : f32 to vector<800x128xf32>
    %select_n3A_126 = arith.select %eq3A_123, %add3A_9, %broadcast_in_dim3A_125 : vector<800x128xi1>, vector<800x128xf32>
    %reduce_sum3A_127 = vector.shape_cast %select_n3A_126 : vector<800x128xf32> to vector<1x800x128xf32>
    %reduce_sum3A_128 = arith.constant dense<0.000000e+00> : vector<1xf32>
    %reduce_sum3A_129 = vector.multi_reduction <add>, %reduce_sum3A_127, %reduce_sum3A_128 [1, 2] : vector<1x800x128xf32> to vector<1xf32>
    %reduce_sum3A_130 = vector.shape_cast %reduce_sum3A_129 : vector<1xf32> to vector<1x1x1xf32>
    %reduce_sum3A_131 = vector.extract %reduce_sum3A_130[0, 0, 0] : f32 from vector<1x1x1xf32>
    %jit3A_132 = arith.constant 0.000000e+00 : f32
    %broadcast_in_dim3A_133 = vector.broadcast %jit3A_132 : f32 to vector<800x128xf32>
    %select_n3A_134 = arith.select %eq3A_123, %add3A_14, %broadcast_in_dim3A_133 : vector<800x128xi1>, vector<800x128xf32>
    %reduce_sum3A_135 = vector.shape_cast %select_n3A_134 : vector<800x128xf32> to vector<1x800x128xf32>
    %reduce_sum3A_136 = arith.constant dense<0.000000e+00> : vector<1xf32>
    %reduce_sum3A_137 = vector.multi_reduction <add>, %reduce_sum3A_135, %reduce_sum3A_136 [1, 2] : vector<1x800x128xf32> to vector<1xf32>
    %reduce_sum3A_138 = vector.shape_cast %reduce_sum3A_137 : vector<1xf32> to vector<1x1x1xf32>
    %reduce_sum3A_139 = vector.extract %reduce_sum3A_138[0, 0, 0] : f32 from vector<1x1x1xf32>
    %gt3A_140 = arith.constant 0.000000e+00 : f32
    %gt3A_141 = arith.cmpf ogt, %sub3A_98, %gt3A_140 : f32
    %convert_element_type3A_142 = arith.extui %gt3A_141 : i1 to i32
    %convert_element_type3A_143 = arith.sitofp %convert_element_type3A_142 : i32 to f32
    %dma_start3A_144 = arith.constant 2 : i32
    %dma_start3A_145 = arith.constant 0 : i32
    %dma_start3A_146 = tpu.memref_slice %arg8[%dma_start3A_144, %dma_start3A_145] : memref<8x128xf32, #tpu.memory_space<vmem>> -> memref<1x128xf32, #tpu.memory_space<vmem>>
    %dma_start3A_147 = arith.constant 0 : i32
    %dma_start3A_148 = tpu.memref_slice %arg6[%reduce_min3A_121, %dma_start3A_147] : memref<100000x128xf32, #tpu.memory_space<hbm>> -> memref<1x128xf32, #tpu.memory_space<hbm>>
    tpu.enqueue_dma source(%dma_start3A_148 : memref<1x128xf32, #tpu.memory_space<hbm>>) target(%dma_start3A_146 : memref<1x128xf32, #tpu.memory_space<vmem>>) target_semaphore(%arg9 : memref<!tpu.dma_semaphore, #tpu.memory_space<semaphore_mem>>)
    %gt3A_149 = arith.constant 0.000000e+00 : f32
    %gt3A_150 = vector.broadcast %gt3A_149 : f32 to vector<800x128xf32>
    %gt3A_151 = arith.cmpf ogt, %add3A_14, %gt3A_150 : vector<800x128xf32>
    %get3A_152 = arith.constant 0 : index
    %get3A_153 = arith.constant 0 : index
    %get3A_154 = vector.load %arg1[%get3A_152, %get3A_153] : memref<800x128xf32, #tpu.memory_space<vmem>>, vector<800x128xf32>
    %jit3A_155 = arith.constant 0xFF800000 : f32
    %broadcast_in_dim3A_156 = vector.broadcast %jit3A_155 : f32 to vector<800x128xf32>
    %select_n3A_157 = arith.select %gt3A_151, %get3A_154, %broadcast_in_dim3A_156 : vector<800x128xi1>, vector<800x128xf32>
    %reduce_max3A_158 = vector.shape_cast %select_n3A_157 : vector<800x128xf32> to vector<1x800x128xf32>
    %reduce_max3A_159 = arith.constant dense<0xFF800000> : vector<1xf32>
    %reduce_max3A_160 = vector.multi_reduction <maximumf>, %reduce_max3A_158, %reduce_max3A_159 [1, 2] : vector<1x800x128xf32> to vector<1xf32>
    %reduce_max3A_161 = vector.shape_cast %reduce_max3A_160 : vector<1xf32> to vector<1x1x1xf32>
    %reduce_max3A_162 = vector.extract %reduce_max3A_161[0, 0, 0] : f32 from vector<1x1x1xf32>
    %eq3A_163 = vector.broadcast %reduce_max3A_162 : f32 to vector<800x128xf32>
    %eq3A_164 = arith.cmpf oeq, %select_n3A_157, %eq3A_163 : vector<800x128xf32>
    %jit3A_165 = arith.constant 1073741824 : i32
    %broadcast_in_dim3A_166 = vector.broadcast %jit3A_165 : i32 to vector<800x128xi32>
    %select_n3A_167 = arith.select %eq3A_164, %add3A, %broadcast_in_dim3A_166 : vector<800x128xi1>, vector<800x128xi32>
    %reduce_min3A_168 = vector.shape_cast %select_n3A_167 : vector<800x128xi32> to vector<1x800x128xi32>
    %reduce_min3A_169 = arith.constant dense<2147483647> : vector<1xi32>
    %reduce_min3A_170 = vector.multi_reduction <minsi>, %reduce_min3A_168, %reduce_min3A_169 [1, 2] : vector<1x800x128xi32> to vector<1xi32>
    %reduce_min3A_171 = vector.shape_cast %reduce_min3A_170 : vector<1xi32> to vector<1x1x1xi32>
    %reduce_min3A_172 = vector.extract %reduce_min3A_171[0, 0, 0] : i32 from vector<1x1x1xi32>
    %eq3A_173 = vector.broadcast %reduce_min3A_172 : i32 to vector<800x128xi32>
    %eq3A_174 = arith.cmpi eq, %add3A, %eq3A_173 : vector<800x128xi32>
    %jit3A_175 = arith.constant 0.000000e+00 : f32
    %broadcast_in_dim3A_176 = vector.broadcast %jit3A_175 : f32 to vector<800x128xf32>
    %select_n3A_177 = arith.select %eq3A_174, %add3A_9, %broadcast_in_dim3A_176 : vector<800x128xi1>, vector<800x128xf32>
    %reduce_sum3A_178 = vector.shape_cast %select_n3A_177 : vector<800x128xf32> to vector<1x800x128xf32>
    %reduce_sum3A_179 = arith.constant dense<0.000000e+00> : vector<1xf32>
    %reduce_sum3A_180 = vector.multi_reduction <add>, %reduce_sum3A_178, %reduce_sum3A_179 [1, 2] : vector<1x800x128xf32> to vector<1xf32>
    %reduce_sum3A_181 = vector.shape_cast %reduce_sum3A_180 : vector<1xf32> to vector<1x1x1xf32>
    %reduce_sum3A_182 = vector.extract %reduce_sum3A_181[0, 0, 0] : f32 from vector<1x1x1xf32>
    %jit3A_183 = arith.constant 0.000000e+00 : f32
    %broadcast_in_dim3A_184 = vector.broadcast %jit3A_183 : f32 to vector<800x128xf32>
    %select_n3A_185 = arith.select %eq3A_174, %add3A_14, %broadcast_in_dim3A_184 : vector<800x128xi1>, vector<800x128xf32>
    %reduce_sum3A_186 = vector.shape_cast %select_n3A_185 : vector<800x128xf32> to vector<1x800x128xf32>
    %reduce_sum3A_187 = arith.constant dense<0.000000e+00> : vector<1xf32>
    %reduce_sum3A_188 = vector.multi_reduction <add>, %reduce_sum3A_186, %reduce_sum3A_187 [1, 2] : vector<1x800x128xf32> to vector<1xf32>
    %reduce_sum3A_189 = vector.shape_cast %reduce_sum3A_188 : vector<1xf32> to vector<1x1x1xf32>
    %reduce_sum3A_190 = vector.extract %reduce_sum3A_189[0, 0, 0] : f32 from vector<1x1x1xf32>
    %gt3A_191 = arith.constant 3.000000e+00 : f32
    %gt3A_192 = arith.constant 0.000000e+00 : f32
    %gt3A_193 = arith.cmpf ogt, %gt3A_191, %gt3A_192 : f32
    %convert_element_type3A_194 = arith.extui %gt3A_193 : i1 to i32
    %convert_element_type3A_195 = arith.sitofp %convert_element_type3A_194 : i32 to f32
    %sub3A_196 = arith.constant 3.000000e+00 : f32
    %sub3A_197 = arith.subf %sub3A_196, %reduce_sum3A_190 : f32
    %jit3A_198 = arith.constant 0xFF800000 : f32
    %broadcast_in_dim3A_199 = vector.broadcast %jit3A_198 : f32 to vector<800x128xf32>
    %select_n3A_200 = arith.select %eq3A_174, %broadcast_in_dim3A_199, %select_n3A_157 : vector<800x128xi1>, vector<800x128xf32>
    %dma_start3A_201 = arith.constant 3 : i32
    %dma_start3A_202 = arith.constant 0 : i32
    %dma_start3A_203 = tpu.memref_slice %arg8[%dma_start3A_201, %dma_start3A_202] : memref<8x128xf32, #tpu.memory_space<vmem>> -> memref<1x128xf32, #tpu.memory_space<vmem>>
    %dma_start3A_204 = arith.constant 0 : i32
    %dma_start3A_205 = tpu.memref_slice %arg6[%reduce_min3A_172, %dma_start3A_204] : memref<100000x128xf32, #tpu.memory_space<hbm>> -> memref<1x128xf32, #tpu.memory_space<hbm>>
    tpu.enqueue_dma source(%dma_start3A_205 : memref<1x128xf32, #tpu.memory_space<hbm>>) target(%dma_start3A_203 : memref<1x128xf32, #tpu.memory_space<vmem>>) target_semaphore(%arg9 : memref<!tpu.dma_semaphore, #tpu.memory_space<semaphore_mem>>)
    %reduce_max3A_206 = vector.shape_cast %select_n3A_200 : vector<800x128xf32> to vector<1x800x128xf32>
    %reduce_max3A_207 = arith.constant dense<0xFF800000> : vector<1xf32>
    %reduce_max3A_208 = vector.multi_reduction <maximumf>, %reduce_max3A_206, %reduce_max3A_207 [1, 2] : vector<1x800x128xf32> to vector<1xf32>
    %reduce_max3A_209 = vector.shape_cast %reduce_max3A_208 : vector<1xf32> to vector<1x1x1xf32>
    %reduce_max3A_210 = vector.extract %reduce_max3A_209[0, 0, 0] : f32 from vector<1x1x1xf32>
    %eq3A_211 = vector.broadcast %reduce_max3A_210 : f32 to vector<800x128xf32>
    %eq3A_212 = arith.cmpf oeq, %select_n3A_200, %eq3A_211 : vector<800x128xf32>
    %jit3A_213 = arith.constant 1073741824 : i32
    %broadcast_in_dim3A_214 = vector.broadcast %jit3A_213 : i32 to vector<800x128xi32>
    %select_n3A_215 = arith.select %eq3A_212, %add3A, %broadcast_in_dim3A_214 : vector<800x128xi1>, vector<800x128xi32>
    %reduce_min3A_216 = vector.shape_cast %select_n3A_215 : vector<800x128xi32> to vector<1x800x128xi32>
    %reduce_min3A_217 = arith.constant dense<2147483647> : vector<1xi32>
    %reduce_min3A_218 = vector.multi_reduction <minsi>, %reduce_min3A_216, %reduce_min3A_217 [1, 2] : vector<1x800x128xi32> to vector<1xi32>
    %reduce_min3A_219 = vector.shape_cast %reduce_min3A_218 : vector<1xi32> to vector<1x1x1xi32>
    %reduce_min3A_220 = vector.extract %reduce_min3A_219[0, 0, 0] : i32 from vector<1x1x1xi32>
    %eq3A_221 = vector.broadcast %reduce_min3A_220 : i32 to vector<800x128xi32>
    %eq3A_222 = arith.cmpi eq, %add3A, %eq3A_221 : vector<800x128xi32>
    %jit3A_223 = arith.constant 0.000000e+00 : f32
    %broadcast_in_dim3A_224 = vector.broadcast %jit3A_223 : f32 to vector<800x128xf32>
    %select_n3A_225 = arith.select %eq3A_222, %add3A_9, %broadcast_in_dim3A_224 : vector<800x128xi1>, vector<800x128xf32>
    %reduce_sum3A_226 = vector.shape_cast %select_n3A_225 : vector<800x128xf32> to vector<1x800x128xf32>
    %reduce_sum3A_227 = arith.constant dense<0.000000e+00> : vector<1xf32>
    %reduce_sum3A_228 = vector.multi_reduction <add>, %reduce_sum3A_226, %reduce_sum3A_227 [1, 2] : vector<1x800x128xf32> to vector<1xf32>
    %reduce_sum3A_229 = vector.shape_cast %reduce_sum3A_228 : vector<1xf32> to vector<1x1x1xf32>
    %reduce_sum3A_230 = vector.extract %reduce_sum3A_229[0, 0, 0] : f32 from vector<1x1x1xf32>
    %jit3A_231 = arith.constant 0.000000e+00 : f32
    %broadcast_in_dim3A_232 = vector.broadcast %jit3A_231 : f32 to vector<800x128xf32>
    %select_n3A_233 = arith.select %eq3A_222, %add3A_14, %broadcast_in_dim3A_232 : vector<800x128xi1>, vector<800x128xf32>
    %reduce_sum3A_234 = vector.shape_cast %select_n3A_233 : vector<800x128xf32> to vector<1x800x128xf32>
    %reduce_sum3A_235 = arith.constant dense<0.000000e+00> : vector<1xf32>
    %reduce_sum3A_236 = vector.multi_reduction <add>, %reduce_sum3A_234, %reduce_sum3A_235 [1, 2] : vector<1x800x128xf32> to vector<1xf32>
    %reduce_sum3A_237 = vector.shape_cast %reduce_sum3A_236 : vector<1xf32> to vector<1x1x1xf32>
    %reduce_sum3A_238 = vector.extract %reduce_sum3A_237[0, 0, 0] : f32 from vector<1x1x1xf32>
    %gt3A_239 = arith.constant 0.000000e+00 : f32
    %gt3A_240 = arith.cmpf ogt, %sub3A_197, %gt3A_239 : f32
    %convert_element_type3A_241 = arith.extui %gt3A_240 : i1 to i32
    %convert_element_type3A_242 = arith.sitofp %convert_element_type3A_241 : i32 to f32
    %sub3A_243 = arith.subf %sub3A_197, %reduce_sum3A_238 : f32
    %jit3A_244 = arith.constant 0xFF800000 : f32
    %broadcast_in_dim3A_245 = vector.broadcast %jit3A_244 : f32 to vector<800x128xf32>
    %select_n3A_246 = arith.select %eq3A_222, %broadcast_in_dim3A_245, %select_n3A_200 : vector<800x128xi1>, vector<800x128xf32>
    %dma_start3A_247 = arith.constant 4 : i32
    %dma_start3A_248 = arith.constant 0 : i32
    %dma_start3A_249 = tpu.memref_slice %arg8[%dma_start3A_247, %dma_start3A_248] : memref<8x128xf32, #tpu.memory_space<vmem>> -> memref<1x128xf32, #tpu.memory_space<vmem>>
    %dma_start3A_250 = arith.constant 0 : i32
    %dma_start3A_251 = tpu.memref_slice %arg6[%reduce_min3A_220, %dma_start3A_250] : memref<100000x128xf32, #tpu.memory_space<hbm>> -> memref<1x128xf32, #tpu.memory_space<hbm>>
    tpu.enqueue_dma source(%dma_start3A_251 : memref<1x128xf32, #tpu.memory_space<hbm>>) target(%dma_start3A_249 : memref<1x128xf32, #tpu.memory_space<vmem>>) target_semaphore(%arg9 : memref<!tpu.dma_semaphore, #tpu.memory_space<semaphore_mem>>)
    %reduce_max3A_252 = vector.shape_cast %select_n3A_246 : vector<800x128xf32> to vector<1x800x128xf32>
    %reduce_max3A_253 = arith.constant dense<0xFF800000> : vector<1xf32>
    %reduce_max3A_254 = vector.multi_reduction <maximumf>, %reduce_max3A_252, %reduce_max3A_253 [1, 2] : vector<1x800x128xf32> to vector<1xf32>
    %reduce_max3A_255 = vector.shape_cast %reduce_max3A_254 : vector<1xf32> to vector<1x1x1xf32>
    %reduce_max3A_256 = vector.extract %reduce_max3A_255[0, 0, 0] : f32 from vector<1x1x1xf32>
    %eq3A_257 = vector.broadcast %reduce_max3A_256 : f32 to vector<800x128xf32>
    %eq3A_258 = arith.cmpf oeq, %select_n3A_246, %eq3A_257 : vector<800x128xf32>
    %jit3A_259 = arith.constant 1073741824 : i32
    %broadcast_in_dim3A_260 = vector.broadcast %jit3A_259 : i32 to vector<800x128xi32>
    %select_n3A_261 = arith.select %eq3A_258, %add3A, %broadcast_in_dim3A_260 : vector<800x128xi1>, vector<800x128xi32>
    %reduce_min3A_262 = vector.shape_cast %select_n3A_261 : vector<800x128xi32> to vector<1x800x128xi32>
    %reduce_min3A_263 = arith.constant dense<2147483647> : vector<1xi32>
    %reduce_min3A_264 = vector.multi_reduction <minsi>, %reduce_min3A_262, %reduce_min3A_263 [1, 2] : vector<1x800x128xi32> to vector<1xi32>
    %reduce_min3A_265 = vector.shape_cast %reduce_min3A_264 : vector<1xi32> to vector<1x1x1xi32>
    %reduce_min3A_266 = vector.extract %reduce_min3A_265[0, 0, 0] : i32 from vector<1x1x1xi32>
    %eq3A_267 = vector.broadcast %reduce_min3A_266 : i32 to vector<800x128xi32>
    %eq3A_268 = arith.cmpi eq, %add3A, %eq3A_267 : vector<800x128xi32>
    %jit3A_269 = arith.constant 0.000000e+00 : f32
    %broadcast_in_dim3A_270 = vector.broadcast %jit3A_269 : f32 to vector<800x128xf32>
    %select_n3A_271 = arith.select %eq3A_268, %add3A_9, %broadcast_in_dim3A_270 : vector<800x128xi1>, vector<800x128xf32>
    %reduce_sum3A_272 = vector.shape_cast %select_n3A_271 : vector<800x128xf32> to vector<1x800x128xf32>
    %reduce_sum3A_273 = arith.constant dense<0.000000e+00> : vector<1xf32>
    %reduce_sum3A_274 = vector.multi_reduction <add>, %reduce_sum3A_272, %reduce_sum3A_273 [1, 2] : vector<1x800x128xf32> to vector<1xf32>
    %reduce_sum3A_275 = vector.shape_cast %reduce_sum3A_274 : vector<1xf32> to vector<1x1x1xf32>
    %reduce_sum3A_276 = vector.extract %reduce_sum3A_275[0, 0, 0] : f32 from vector<1x1x1xf32>
    %jit3A_277 = arith.constant 0.000000e+00 : f32
    %broadcast_in_dim3A_278 = vector.broadcast %jit3A_277 : f32 to vector<800x128xf32>
    %select_n3A_279 = arith.select %eq3A_268, %add3A_14, %broadcast_in_dim3A_278 : vector<800x128xi1>, vector<800x128xf32>
    %reduce_sum3A_280 = vector.shape_cast %select_n3A_279 : vector<800x128xf32> to vector<1x800x128xf32>
    %reduce_sum3A_281 = arith.constant dense<0.000000e+00> : vector<1xf32>
    %reduce_sum3A_282 = vector.multi_reduction <add>, %reduce_sum3A_280, %reduce_sum3A_281 [1, 2] : vector<1x800x128xf32> to vector<1xf32>
    %reduce_sum3A_283 = vector.shape_cast %reduce_sum3A_282 : vector<1xf32> to vector<1x1x1xf32>
    %reduce_sum3A_284 = vector.extract %reduce_sum3A_283[0, 0, 0] : f32 from vector<1x1x1xf32>
    %gt3A_285 = arith.constant 0.000000e+00 : f32
    %gt3A_286 = arith.cmpf ogt, %sub3A_243, %gt3A_285 : f32
    %convert_element_type3A_287 = arith.extui %gt3A_286 : i1 to i32
    %convert_element_type3A_288 = arith.sitofp %convert_element_type3A_287 : i32 to f32
    %dma_start3A_289 = arith.constant 5 : i32
    %dma_start3A_290 = arith.constant 0 : i32
    %dma_start3A_291 = tpu.memref_slice %arg8[%dma_start3A_289, %dma_start3A_290] : memref<8x128xf32, #tpu.memory_space<vmem>> -> memref<1x128xf32, #tpu.memory_space<vmem>>
    %dma_start3A_292 = arith.constant 0 : i32
    %dma_start3A_293 = tpu.memref_slice %arg6[%reduce_min3A_266, %dma_start3A_292] : memref<100000x128xf32, #tpu.memory_space<hbm>> -> memref<1x128xf32, #tpu.memory_space<hbm>>
    tpu.enqueue_dma source(%dma_start3A_293 : memref<1x128xf32, #tpu.memory_space<hbm>>) target(%dma_start3A_291 : memref<1x128xf32, #tpu.memory_space<vmem>>) target_semaphore(%arg9 : memref<!tpu.dma_semaphore, #tpu.memory_space<semaphore_mem>>)
    %get3A_294 = arith.constant 0 : index
    %get3A_295 = memref.load %arg5[%get3A_294] : memref<2xi32, #tpu.memory_space<smem>>
    %dma_start3A_296 = arith.constant 6 : i32
    %dma_start3A_297 = arith.constant 0 : i32
    %dma_start3A_298 = tpu.memref_slice %arg8[%dma_start3A_296, %dma_start3A_297] : memref<8x128xf32, #tpu.memory_space<vmem>> -> memref<1x128xf32, #tpu.memory_space<vmem>>
    %dma_start3A_299 = arith.constant 0 : i32
    %dma_start3A_300 = tpu.memref_slice %arg6[%get3A_295, %dma_start3A_299] : memref<100000x128xf32, #tpu.memory_space<hbm>> -> memref<1x128xf32, #tpu.memory_space<hbm>>
    tpu.enqueue_dma source(%dma_start3A_300 : memref<1x128xf32, #tpu.memory_space<hbm>>) target(%dma_start3A_298 : memref<1x128xf32, #tpu.memory_space<vmem>>) target_semaphore(%arg9 : memref<!tpu.dma_semaphore, #tpu.memory_space<semaphore_mem>>)
    %get3A_301 = arith.constant 1 : index
    %get3A_302 = memref.load %arg5[%get3A_301] : memref<2xi32, #tpu.memory_space<smem>>
    %dma_start3A_303 = arith.constant 7 : i32
    %dma_start3A_304 = arith.constant 0 : i32
    %dma_start3A_305 = tpu.memref_slice %arg8[%dma_start3A_303, %dma_start3A_304] : memref<8x128xf32, #tpu.memory_space<vmem>> -> memref<1x128xf32, #tpu.memory_space<vmem>>
    %dma_start3A_306 = arith.constant 0 : i32
    %dma_start3A_307 = tpu.memref_slice %arg6[%get3A_302, %dma_start3A_306] : memref<100000x128xf32, #tpu.memory_space<hbm>> -> memref<1x128xf32, #tpu.memory_space<hbm>>
    tpu.enqueue_dma source(%dma_start3A_307 : memref<1x128xf32, #tpu.memory_space<hbm>>) target(%dma_start3A_305 : memref<1x128xf32, #tpu.memory_space<vmem>>) target_semaphore(%arg9 : memref<!tpu.dma_semaphore, #tpu.memory_space<semaphore_mem>>)
    %dma_wait3A = arith.constant 0 : i32
    %dma_wait3A_308 = arith.constant 0 : i32
    %dma_wait3A_309 = tpu.memref_slice %arg8[%dma_wait3A, %dma_wait3A_308] : memref<8x128xf32, #tpu.memory_space<vmem>> -> memref<1x128xf32, #tpu.memory_space<vmem>>
    %dma_wait3A_310 = arith.constant 0 : i32
    %dma_wait3A_311 = tpu.memref_slice %arg6[%reduce_min3A_31, %dma_wait3A_310] : memref<100000x128xf32, #tpu.memory_space<hbm>> -> memref<1x128xf32, #tpu.memory_space<hbm>>
    tpu.wait_dma2 semaphore(%arg9 : memref<!tpu.dma_semaphore, #tpu.memory_space<semaphore_mem>>) src(%dma_wait3A_311 : memref<1x128xf32, #tpu.memory_space<hbm>>) dst(%dma_wait3A_309 : memref<1x128xf32, #tpu.memory_space<vmem>>)
    %dma_wait3A_312 = arith.constant 1 : i32
    %dma_wait3A_313 = arith.constant 0 : i32
    %dma_wait3A_314 = tpu.memref_slice %arg8[%dma_wait3A_312, %dma_wait3A_313] : memref<8x128xf32, #tpu.memory_space<vmem>> -> memref<1x128xf32, #tpu.memory_space<vmem>>
    %dma_wait3A_315 = arith.constant 0 : i32
    %dma_wait3A_316 = tpu.memref_slice %arg6[%reduce_min3A_75, %dma_wait3A_315] : memref<100000x128xf32, #tpu.memory_space<hbm>> -> memref<1x128xf32, #tpu.memory_space<hbm>>
    tpu.wait_dma2 semaphore(%arg9 : memref<!tpu.dma_semaphore, #tpu.memory_space<semaphore_mem>>) src(%dma_wait3A_316 : memref<1x128xf32, #tpu.memory_space<hbm>>) dst(%dma_wait3A_314 : memref<1x128xf32, #tpu.memory_space<vmem>>)
    %dma_wait3A_317 = arith.constant 2 : i32
    %dma_wait3A_318 = arith.constant 0 : i32
    %dma_wait3A_319 = tpu.memref_slice %arg8[%dma_wait3A_317, %dma_wait3A_318] : memref<8x128xf32, #tpu.memory_space<vmem>> -> memref<1x128xf32, #tpu.memory_space<vmem>>
    %dma_wait3A_320 = arith.constant 0 : i32
    %dma_wait3A_321 = tpu.memref_slice %arg6[%reduce_min3A_121, %dma_wait3A_320] : memref<100000x128xf32, #tpu.memory_space<hbm>> -> memref<1x128xf32, #tpu.memory_space<hbm>>
    tpu.wait_dma2 semaphore(%arg9 : memref<!tpu.dma_semaphore, #tpu.memory_space<semaphore_mem>>) src(%dma_wait3A_321 : memref<1x128xf32, #tpu.memory_space<hbm>>) dst(%dma_wait3A_319 : memref<1x128xf32, #tpu.memory_space<vmem>>)
    %dma_wait3A_322 = arith.constant 3 : i32
    %dma_wait3A_323 = arith.constant 0 : i32
    %dma_wait3A_324 = tpu.memref_slice %arg8[%dma_wait3A_322, %dma_wait3A_323] : memref<8x128xf32, #tpu.memory_space<vmem>> -> memref<1x128xf32, #tpu.memory_space<vmem>>
    %dma_wait3A_325 = arith.constant 0 : i32
    %dma_wait3A_326 = tpu.memref_slice %arg6[%reduce_min3A_172, %dma_wait3A_325] : memref<100000x128xf32, #tpu.memory_space<hbm>> -> memref<1x128xf32, #tpu.memory_space<hbm>>
    tpu.wait_dma2 semaphore(%arg9 : memref<!tpu.dma_semaphore, #tpu.memory_space<semaphore_mem>>) src(%dma_wait3A_326 : memref<1x128xf32, #tpu.memory_space<hbm>>) dst(%dma_wait3A_324 : memref<1x128xf32, #tpu.memory_space<vmem>>)
    %dma_wait3A_327 = arith.constant 4 : i32
    %dma_wait3A_328 = arith.constant 0 : i32
    %dma_wait3A_329 = tpu.memref_slice %arg8[%dma_wait3A_327, %dma_wait3A_328] : memref<8x128xf32, #tpu.memory_space<vmem>> -> memref<1x128xf32, #tpu.memory_space<vmem>>
    %dma_wait3A_330 = arith.constant 0 : i32
    %dma_wait3A_331 = tpu.memref_slice %arg6[%reduce_min3A_220, %dma_wait3A_330] : memref<100000x128xf32, #tpu.memory_space<hbm>> -> memref<1x128xf32, #tpu.memory_space<hbm>>
    tpu.wait_dma2 semaphore(%arg9 : memref<!tpu.dma_semaphore, #tpu.memory_space<semaphore_mem>>) src(%dma_wait3A_331 : memref<1x128xf32, #tpu.memory_space<hbm>>) dst(%dma_wait3A_329 : memref<1x128xf32, #tpu.memory_space<vmem>>)
    %dma_wait3A_332 = arith.constant 5 : i32
    %dma_wait3A_333 = arith.constant 0 : i32
    %dma_wait3A_334 = tpu.memref_slice %arg8[%dma_wait3A_332, %dma_wait3A_333] : memref<8x128xf32, #tpu.memory_space<vmem>> -> memref<1x128xf32, #tpu.memory_space<vmem>>
    %dma_wait3A_335 = arith.constant 0 : i32
    %dma_wait3A_336 = tpu.memref_slice %arg6[%reduce_min3A_266, %dma_wait3A_335] : memref<100000x128xf32, #tpu.memory_space<hbm>> -> memref<1x128xf32, #tpu.memory_space<hbm>>
    tpu.wait_dma2 semaphore(%arg9 : memref<!tpu.dma_semaphore, #tpu.memory_space<semaphore_mem>>) src(%dma_wait3A_336 : memref<1x128xf32, #tpu.memory_space<hbm>>) dst(%dma_wait3A_334 : memref<1x128xf32, #tpu.memory_space<vmem>>)
    %dma_wait3A_337 = arith.constant 6 : i32
    %dma_wait3A_338 = arith.constant 0 : i32
    %dma_wait3A_339 = tpu.memref_slice %arg8[%dma_wait3A_337, %dma_wait3A_338] : memref<8x128xf32, #tpu.memory_space<vmem>> -> memref<1x128xf32, #tpu.memory_space<vmem>>
    %dma_wait3A_340 = arith.constant 0 : i32
    %dma_wait3A_341 = tpu.memref_slice %arg6[%get3A_295, %dma_wait3A_340] : memref<100000x128xf32, #tpu.memory_space<hbm>> -> memref<1x128xf32, #tpu.memory_space<hbm>>
    tpu.wait_dma2 semaphore(%arg9 : memref<!tpu.dma_semaphore, #tpu.memory_space<semaphore_mem>>) src(%dma_wait3A_341 : memref<1x128xf32, #tpu.memory_space<hbm>>) dst(%dma_wait3A_339 : memref<1x128xf32, #tpu.memory_space<vmem>>)
    %dma_wait3A_342 = arith.constant 7 : i32
    %dma_wait3A_343 = arith.constant 0 : i32
    %dma_wait3A_344 = tpu.memref_slice %arg8[%dma_wait3A_342, %dma_wait3A_343] : memref<8x128xf32, #tpu.memory_space<vmem>> -> memref<1x128xf32, #tpu.memory_space<vmem>>
    %dma_wait3A_345 = arith.constant 0 : i32
    %dma_wait3A_346 = tpu.memref_slice %arg6[%get3A_302, %dma_wait3A_345] : memref<100000x128xf32, #tpu.memory_space<hbm>> -> memref<1x128xf32, #tpu.memory_space<hbm>>
    tpu.wait_dma2 semaphore(%arg9 : memref<!tpu.dma_semaphore, #tpu.memory_space<semaphore_mem>>) src(%dma_wait3A_346 : memref<1x128xf32, #tpu.memory_space<hbm>>) dst(%dma_wait3A_344 : memref<1x128xf32, #tpu.memory_space<vmem>>)
    %eq3A_347 = arith.cmpi eq, %reduce_min3A_31, %reduce_min3A_75 : i32
    %convert_element_type3A_348 = arith.extui %eq3A_347 : i1 to i32
    %convert_element_type3A_349 = arith.sitofp %convert_element_type3A_348 : i32 to f32
    %mul3A_350 = arith.mulf %convert_element_type3A_52, %convert_element_type3A_349 : f32
    %sub3A_351 = arith.constant 1.000000e+00 : f32
    %sub3A_352 = arith.subf %sub3A_351, %mul3A_350 : f32
    %mul3A_353 = arith.mulf %convert_element_type3A_97, %sub3A_352 : f32
    %eq3A_354 = arith.cmpi eq, %reduce_min3A_31, %reduce_min3A_121 : i32
    %convert_element_type3A_355 = arith.extui %eq3A_354 : i1 to i32
    %convert_element_type3A_356 = arith.sitofp %convert_element_type3A_355 : i32 to f32
    %mul3A_357 = arith.mulf %convert_element_type3A_52, %convert_element_type3A_356 : f32
    %sub3A_358 = arith.constant 1.000000e+00 : f32
    %sub3A_359 = arith.subf %sub3A_358, %mul3A_357 : f32
    %mul3A_360 = arith.mulf %convert_element_type3A_143, %sub3A_359 : f32
    %eq3A_361 = arith.cmpi eq, %reduce_min3A_75, %reduce_min3A_121 : i32
    %convert_element_type3A_362 = arith.extui %eq3A_361 : i1 to i32
    %convert_element_type3A_363 = arith.sitofp %convert_element_type3A_362 : i32 to f32
    %mul3A_364 = arith.mulf %convert_element_type3A_97, %convert_element_type3A_363 : f32
    %sub3A_365 = arith.constant 1.000000e+00 : f32
    %sub3A_366 = arith.subf %sub3A_365, %mul3A_364 : f32
    %mul3A_367 = arith.mulf %mul3A_360, %sub3A_366 : f32
    %eq3A_368 = arith.cmpi eq, %reduce_min3A_31, %reduce_min3A_172 : i32
    %convert_element_type3A_369 = arith.extui %eq3A_368 : i1 to i32
    %convert_element_type3A_370 = arith.sitofp %convert_element_type3A_369 : i32 to f32
    %mul3A_371 = arith.mulf %convert_element_type3A_52, %convert_element_type3A_370 : f32
    %sub3A_372 = arith.constant 1.000000e+00 : f32
    %sub3A_373 = arith.subf %sub3A_372, %mul3A_371 : f32
    %mul3A_374 = arith.mulf %convert_element_type3A_195, %sub3A_373 : f32
    %eq3A_375 = arith.cmpi eq, %reduce_min3A_75, %reduce_min3A_172 : i32
    %convert_element_type3A_376 = arith.extui %eq3A_375 : i1 to i32
    %convert_element_type3A_377 = arith.sitofp %convert_element_type3A_376 : i32 to f32
    %mul3A_378 = arith.mulf %convert_element_type3A_97, %convert_element_type3A_377 : f32
    %sub3A_379 = arith.constant 1.000000e+00 : f32
    %sub3A_380 = arith.subf %sub3A_379, %mul3A_378 : f32
    %mul3A_381 = arith.mulf %mul3A_374, %sub3A_380 : f32
    %eq3A_382 = arith.cmpi eq, %reduce_min3A_121, %reduce_min3A_172 : i32
    %convert_element_type3A_383 = arith.extui %eq3A_382 : i1 to i32
    %convert_element_type3A_384 = arith.sitofp %convert_element_type3A_383 : i32 to f32
    %mul3A_385 = arith.mulf %convert_element_type3A_143, %convert_element_type3A_384 : f32
    %sub3A_386 = arith.constant 1.000000e+00 : f32
    %sub3A_387 = arith.subf %sub3A_386, %mul3A_385 : f32
    %mul3A_388 = arith.mulf %mul3A_381, %sub3A_387 : f32
    %eq3A_389 = arith.cmpi eq, %reduce_min3A_31, %reduce_min3A_220 : i32
    %convert_element_type3A_390 = arith.extui %eq3A_389 : i1 to i32
    %convert_element_type3A_391 = arith.sitofp %convert_element_type3A_390 : i32 to f32
    %mul3A_392 = arith.mulf %convert_element_type3A_52, %convert_element_type3A_391 : f32
    %sub3A_393 = arith.constant 1.000000e+00 : f32
    %sub3A_394 = arith.subf %sub3A_393, %mul3A_392 : f32
    %mul3A_395 = arith.mulf %convert_element_type3A_242, %sub3A_394 : f32
    %eq3A_396 = arith.cmpi eq, %reduce_min3A_75, %reduce_min3A_220 : i32
    %convert_element_type3A_397 = arith.extui %eq3A_396 : i1 to i32
    %convert_element_type3A_398 = arith.sitofp %convert_element_type3A_397 : i32 to f32
    %mul3A_399 = arith.mulf %convert_element_type3A_97, %convert_element_type3A_398 : f32
    %sub3A_400 = arith.constant 1.000000e+00 : f32
    %sub3A_401 = arith.subf %sub3A_400, %mul3A_399 : f32
    %mul3A_402 = arith.mulf %mul3A_395, %sub3A_401 : f32
    %eq3A_403 = arith.cmpi eq, %reduce_min3A_121, %reduce_min3A_220 : i32
    %convert_element_type3A_404 = arith.extui %eq3A_403 : i1 to i32
    %convert_element_type3A_405 = arith.sitofp %convert_element_type3A_404 : i32 to f32
    %mul3A_406 = arith.mulf %convert_element_type3A_143, %convert_element_type3A_405 : f32
    %sub3A_407 = arith.constant 1.000000e+00 : f32
    %sub3A_408 = arith.subf %sub3A_407, %mul3A_406 : f32
    %mul3A_409 = arith.mulf %mul3A_402, %sub3A_408 : f32
    %eq3A_410 = arith.cmpi eq, %reduce_min3A_172, %reduce_min3A_220 : i32
    %convert_element_type3A_411 = arith.extui %eq3A_410 : i1 to i32
    %convert_element_type3A_412 = arith.sitofp %convert_element_type3A_411 : i32 to f32
    %mul3A_413 = arith.mulf %convert_element_type3A_195, %convert_element_type3A_412 : f32
    %sub3A_414 = arith.constant 1.000000e+00 : f32
    %sub3A_415 = arith.subf %sub3A_414, %mul3A_413 : f32
    %mul3A_416 = arith.mulf %mul3A_409, %sub3A_415 : f32
    %eq3A_417 = arith.cmpi eq, %reduce_min3A_31, %reduce_min3A_266 : i32
    %convert_element_type3A_418 = arith.extui %eq3A_417 : i1 to i32
    %convert_element_type3A_419 = arith.sitofp %convert_element_type3A_418 : i32 to f32
    %mul3A_420 = arith.mulf %convert_element_type3A_52, %convert_element_type3A_419 : f32
    %sub3A_421 = arith.constant 1.000000e+00 : f32
    %sub3A_422 = arith.subf %sub3A_421, %mul3A_420 : f32
    %mul3A_423 = arith.mulf %convert_element_type3A_288, %sub3A_422 : f32
    %eq3A_424 = arith.cmpi eq, %reduce_min3A_75, %reduce_min3A_266 : i32
    %convert_element_type3A_425 = arith.extui %eq3A_424 : i1 to i32
    %convert_element_type3A_426 = arith.sitofp %convert_element_type3A_425 : i32 to f32
    %mul3A_427 = arith.mulf %convert_element_type3A_97, %convert_element_type3A_426 : f32
    %sub3A_428 = arith.constant 1.000000e+00 : f32
    %sub3A_429 = arith.subf %sub3A_428, %mul3A_427 : f32
    %mul3A_430 = arith.mulf %mul3A_423, %sub3A_429 : f32
    %eq3A_431 = arith.cmpi eq, %reduce_min3A_121, %reduce_min3A_266 : i32
    %convert_element_type3A_432 = arith.extui %eq3A_431 : i1 to i32
    %convert_element_type3A_433 = arith.sitofp %convert_element_type3A_432 : i32 to f32
    %mul3A_434 = arith.mulf %convert_element_type3A_143, %convert_element_type3A_433 : f32
    %sub3A_435 = arith.constant 1.000000e+00 : f32
    %sub3A_436 = arith.subf %sub3A_435, %mul3A_434 : f32
    %mul3A_437 = arith.mulf %mul3A_430, %sub3A_436 : f32
    %eq3A_438 = arith.cmpi eq, %reduce_min3A_172, %reduce_min3A_266 : i32
    %convert_element_type3A_439 = arith.extui %eq3A_438 : i1 to i32
    %convert_element_type3A_440 = arith.sitofp %convert_element_type3A_439 : i32 to f32
    %mul3A_441 = arith.mulf %convert_element_type3A_195, %convert_element_type3A_440 : f32
    %sub3A_442 = arith.constant 1.000000e+00 : f32
    %sub3A_443 = arith.subf %sub3A_442, %mul3A_441 : f32
    %mul3A_444 = arith.mulf %mul3A_437, %sub3A_443 : f32
    %eq3A_445 = arith.cmpi eq, %reduce_min3A_220, %reduce_min3A_266 : i32
    %convert_element_type3A_446 = arith.extui %eq3A_445 : i1 to i32
    %convert_element_type3A_447 = arith.sitofp %convert_element_type3A_446 : i32 to f32
    %mul3A_448 = arith.mulf %convert_element_type3A_242, %convert_element_type3A_447 : f32
    %sub3A_449 = arith.constant 1.000000e+00 : f32
    %sub3A_450 = arith.subf %sub3A_449, %mul3A_448 : f32
    %mul3A_451 = arith.mulf %mul3A_444, %sub3A_450 : f32
    %broadcast_in_dim3A_452 = arith.constant 0.000000e+00 : f32
    %broadcast_in_dim3A_453 = vector.broadcast %broadcast_in_dim3A_452 : f32 to vector<1x128xf32>
    %mul3A_454 = arith.mulf %convert_element_type3A_52, %reduce_sum3A_40 : f32
    %get3A_455 = arith.constant 0 : index
    %get3A_456 = arith.constant 0 : index
    %get3A_457 = vector.load %arg8[%get3A_455, %get3A_456] : memref<8x128xf32, #tpu.memory_space<vmem>>, vector<1x128xf32>
    %mul3A_458 = vector.broadcast %mul3A_454 : f32 to vector<1x128xf32>
    %mul3A_459 = arith.mulf %mul3A_458, %get3A_457 : vector<1x128xf32>
    %add3A_460 = arith.addf %broadcast_in_dim3A_453, %mul3A_459 : vector<1x128xf32>
    %mul3A_461 = arith.mulf %mul3A_353, %reduce_sum3A_85 : f32
    %get3A_462 = arith.constant 1 : index
    %get3A_463 = arith.constant 0 : index
    %get3A_464 = vector.load %arg8[%get3A_462, %get3A_463] : memref<8x128xf32, #tpu.memory_space<vmem>>, vector<1x128xf32>
    %mul3A_465 = vector.broadcast %mul3A_461 : f32 to vector<1x128xf32>
    %mul3A_466 = arith.mulf %mul3A_465, %get3A_464 : vector<1x128xf32>
    %add3A_467 = arith.addf %add3A_460, %mul3A_466 : vector<1x128xf32>
    %mul3A_468 = arith.mulf %mul3A_367, %reduce_sum3A_131 : f32
    %get3A_469 = arith.constant 2 : index
    %get3A_470 = arith.constant 0 : index
    %get3A_471 = vector.load %arg8[%get3A_469, %get3A_470] : memref<8x128xf32, #tpu.memory_space<vmem>>, vector<1x128xf32>
    %mul3A_472 = vector.broadcast %mul3A_468 : f32 to vector<1x128xf32>
    %mul3A_473 = arith.mulf %mul3A_472, %get3A_471 : vector<1x128xf32>
    %add3A_474 = arith.addf %add3A_467, %mul3A_473 : vector<1x128xf32>
    %mul3A_475 = arith.mulf %mul3A_388, %reduce_sum3A_182 : f32
    %get3A_476 = arith.constant 3 : index
    %get3A_477 = arith.constant 0 : index
    %get3A_478 = vector.load %arg8[%get3A_476, %get3A_477] : memref<8x128xf32, #tpu.memory_space<vmem>>, vector<1x128xf32>
    %mul3A_479 = vector.broadcast %mul3A_475 : f32 to vector<1x128xf32>
    %mul3A_480 = arith.mulf %mul3A_479, %get3A_478 : vector<1x128xf32>
    %add3A_481 = arith.addf %add3A_474, %mul3A_480 : vector<1x128xf32>
    %mul3A_482 = arith.mulf %mul3A_416, %reduce_sum3A_230 : f32
    %get3A_483 = arith.constant 4 : index
    %get3A_484 = arith.constant 0 : index
    %get3A_485 = vector.load %arg8[%get3A_483, %get3A_484] : memref<8x128xf32, #tpu.memory_space<vmem>>, vector<1x128xf32>
    %mul3A_486 = vector.broadcast %mul3A_482 : f32 to vector<1x128xf32>
    %mul3A_487 = arith.mulf %mul3A_486, %get3A_485 : vector<1x128xf32>
    %add3A_488 = arith.addf %add3A_481, %mul3A_487 : vector<1x128xf32>
    %mul3A_489 = arith.mulf %mul3A_451, %reduce_sum3A_276 : f32
    %get3A_490 = arith.constant 5 : index
    %get3A_491 = arith.constant 0 : index
    %get3A_492 = vector.load %arg8[%get3A_490, %get3A_491] : memref<8x128xf32, #tpu.memory_space<vmem>>, vector<1x128xf32>
    %mul3A_493 = vector.broadcast %mul3A_489 : f32 to vector<1x128xf32>
    %mul3A_494 = arith.mulf %mul3A_493, %get3A_492 : vector<1x128xf32>
    %add3A_495 = arith.addf %add3A_488, %mul3A_494 : vector<1x128xf32>
    %get3A_496 = arith.constant 0 : index
    %get3A_497 = memref.load %arg5[%get3A_496] : memref<2xi32, #tpu.memory_space<smem>>
    %eq3A_498 = arith.cmpi eq, %reduce_min3A_31, %get3A_497 : i32
    %convert_element_type3A_499 = arith.extui %eq3A_498 : i1 to i32
    %convert_element_type3A_500 = arith.sitofp %convert_element_type3A_499 : i32 to f32
    %mul3A_501 = arith.mulf %convert_element_type3A_52, %convert_element_type3A_500 : f32
    %sub3A_502 = arith.constant 1.000000e+00 : f32
    %sub3A_503 = arith.subf %sub3A_502, %mul3A_501 : f32
    %mul3A_504 = arith.constant 1.000000e+00 : f32
    %mul3A_505 = arith.mulf %mul3A_504, %sub3A_503 : f32
    %get3A_506 = arith.constant 0 : index
    %get3A_507 = memref.load %arg5[%get3A_506] : memref<2xi32, #tpu.memory_space<smem>>
    %eq3A_508 = arith.cmpi eq, %reduce_min3A_75, %get3A_507 : i32
    %convert_element_type3A_509 = arith.extui %eq3A_508 : i1 to i32
    %convert_element_type3A_510 = arith.sitofp %convert_element_type3A_509 : i32 to f32
    %mul3A_511 = arith.mulf %convert_element_type3A_97, %convert_element_type3A_510 : f32
    %sub3A_512 = arith.constant 1.000000e+00 : f32
    %sub3A_513 = arith.subf %sub3A_512, %mul3A_511 : f32
    %mul3A_514 = arith.mulf %mul3A_505, %sub3A_513 : f32
    %get3A_515 = arith.constant 0 : index
    %get3A_516 = memref.load %arg5[%get3A_515] : memref<2xi32, #tpu.memory_space<smem>>
    %eq3A_517 = arith.cmpi eq, %reduce_min3A_121, %get3A_516 : i32
    %convert_element_type3A_518 = arith.extui %eq3A_517 : i1 to i32
    %convert_element_type3A_519 = arith.sitofp %convert_element_type3A_518 : i32 to f32
    %mul3A_520 = arith.mulf %convert_element_type3A_143, %convert_element_type3A_519 : f32
    %sub3A_521 = arith.constant 1.000000e+00 : f32
    %sub3A_522 = arith.subf %sub3A_521, %mul3A_520 : f32
    %mul3A_523 = arith.mulf %mul3A_514, %sub3A_522 : f32
    %get3A_524 = arith.constant 0 : index
    %get3A_525 = memref.load %arg5[%get3A_524] : memref<2xi32, #tpu.memory_space<smem>>
    %eq3A_526 = arith.cmpi eq, %reduce_min3A_172, %get3A_525 : i32
    %convert_element_type3A_527 = arith.extui %eq3A_526 : i1 to i32
    %convert_element_type3A_528 = arith.sitofp %convert_element_type3A_527 : i32 to f32
    %mul3A_529 = arith.mulf %convert_element_type3A_195, %convert_element_type3A_528 : f32
    %sub3A_530 = arith.constant 1.000000e+00 : f32
    %sub3A_531 = arith.subf %sub3A_530, %mul3A_529 : f32
    %mul3A_532 = arith.mulf %mul3A_523, %sub3A_531 : f32
    %get3A_533 = arith.constant 0 : index
    %get3A_534 = memref.load %arg5[%get3A_533] : memref<2xi32, #tpu.memory_space<smem>>
    %eq3A_535 = arith.cmpi eq, %reduce_min3A_220, %get3A_534 : i32
    %convert_element_type3A_536 = arith.extui %eq3A_535 : i1 to i32
    %convert_element_type3A_537 = arith.sitofp %convert_element_type3A_536 : i32 to f32
    %mul3A_538 = arith.mulf %convert_element_type3A_242, %convert_element_type3A_537 : f32
    %sub3A_539 = arith.constant 1.000000e+00 : f32
    %sub3A_540 = arith.subf %sub3A_539, %mul3A_538 : f32
    %mul3A_541 = arith.mulf %mul3A_532, %sub3A_540 : f32
    %get3A_542 = arith.constant 0 : index
    %get3A_543 = memref.load %arg5[%get3A_542] : memref<2xi32, #tpu.memory_space<smem>>
    %eq3A_544 = arith.cmpi eq, %reduce_min3A_266, %get3A_543 : i32
    %convert_element_type3A_545 = arith.extui %eq3A_544 : i1 to i32
    %convert_element_type3A_546 = arith.sitofp %convert_element_type3A_545 : i32 to f32
    %mul3A_547 = arith.mulf %convert_element_type3A_288, %convert_element_type3A_546 : f32
    %sub3A_548 = arith.constant 1.000000e+00 : f32
    %sub3A_549 = arith.subf %sub3A_548, %mul3A_547 : f32
    %mul3A_550 = arith.mulf %mul3A_541, %sub3A_549 : f32
    %get3A_551 = arith.constant 0 : index
    %get3A_552 = arith.constant 0 : index
    %get3A_553 = vector.load %arg3[%get3A_551, %get3A_552] : memref<2x128xf32, #tpu.memory_space<vmem>>, vector<1x128xf32>
    %sub3A_554 = arith.subf %get3A_553, %add3A_495 : vector<1x128xf32>
    %mul3A_555 = arith.constant 1.52587891E-5 : f32
    %mul3A_556 = vector.broadcast %mul3A_555 : f32 to vector<1x128xf32>
    %mul3A_557 = arith.mulf %sub3A_554, %mul3A_556 : vector<1x128xf32>
    %get3A_558 = arith.constant 6 : index
    %get3A_559 = arith.constant 0 : index
    %get3A_560 = vector.load %arg8[%get3A_558, %get3A_559] : memref<8x128xf32, #tpu.memory_space<vmem>>, vector<1x128xf32>
    %mul3A_561 = vector.broadcast %mul3A_550 : f32 to vector<1x128xf32>
    %mul3A_562 = arith.mulf %mul3A_561, %get3A_560 : vector<1x128xf32>
    %add3A_563 = arith.addf %mul3A_562, %mul3A_557 : vector<1x128xf32>
    %broadcast_in_dim3A_564 = arith.constant 0.000000e+00 : f32
    %broadcast_in_dim3A_565 = vector.broadcast %broadcast_in_dim3A_564 : f32 to vector<1x128xf32>
    %mul3A_566 = arith.mulf %convert_element_type3A_52, %reduce_sum3A_48 : f32
    %get3A_567 = arith.constant 0 : index
    %get3A_568 = arith.constant 0 : index
    %get3A_569 = vector.load %arg8[%get3A_567, %get3A_568] : memref<8x128xf32, #tpu.memory_space<vmem>>, vector<1x128xf32>
    %mul3A_570 = vector.broadcast %mul3A_566 : f32 to vector<1x128xf32>
    %mul3A_571 = arith.mulf %mul3A_570, %get3A_569 : vector<1x128xf32>
    %add3A_572 = arith.addf %broadcast_in_dim3A_565, %mul3A_571 : vector<1x128xf32>
    %mul3A_573 = arith.mulf %mul3A_353, %reduce_sum3A_93 : f32
    %get3A_574 = arith.constant 1 : index
    %get3A_575 = arith.constant 0 : index
    %get3A_576 = vector.load %arg8[%get3A_574, %get3A_575] : memref<8x128xf32, #tpu.memory_space<vmem>>, vector<1x128xf32>
    %mul3A_577 = vector.broadcast %mul3A_573 : f32 to vector<1x128xf32>
    %mul3A_578 = arith.mulf %mul3A_577, %get3A_576 : vector<1x128xf32>
    %add3A_579 = arith.addf %add3A_572, %mul3A_578 : vector<1x128xf32>
    %mul3A_580 = arith.mulf %mul3A_367, %reduce_sum3A_139 : f32
    %get3A_581 = arith.constant 2 : index
    %get3A_582 = arith.constant 0 : index
    %get3A_583 = vector.load %arg8[%get3A_581, %get3A_582] : memref<8x128xf32, #tpu.memory_space<vmem>>, vector<1x128xf32>
    %mul3A_584 = vector.broadcast %mul3A_580 : f32 to vector<1x128xf32>
    %mul3A_585 = arith.mulf %mul3A_584, %get3A_583 : vector<1x128xf32>
    %add3A_586 = arith.addf %add3A_579, %mul3A_585 : vector<1x128xf32>
    %mul3A_587 = arith.mulf %mul3A_388, %reduce_sum3A_190 : f32
    %get3A_588 = arith.constant 3 : index
    %get3A_589 = arith.constant 0 : index
    %get3A_590 = vector.load %arg8[%get3A_588, %get3A_589] : memref<8x128xf32, #tpu.memory_space<vmem>>, vector<1x128xf32>
    %mul3A_591 = vector.broadcast %mul3A_587 : f32 to vector<1x128xf32>
    %mul3A_592 = arith.mulf %mul3A_591, %get3A_590 : vector<1x128xf32>
    %add3A_593 = arith.addf %add3A_586, %mul3A_592 : vector<1x128xf32>
    %mul3A_594 = arith.mulf %mul3A_416, %reduce_sum3A_238 : f32
    %get3A_595 = arith.constant 4 : index
    %get3A_596 = arith.constant 0 : index
    %get3A_597 = vector.load %arg8[%get3A_595, %get3A_596] : memref<8x128xf32, #tpu.memory_space<vmem>>, vector<1x128xf32>
    %mul3A_598 = vector.broadcast %mul3A_594 : f32 to vector<1x128xf32>
    %mul3A_599 = arith.mulf %mul3A_598, %get3A_597 : vector<1x128xf32>
    %add3A_600 = arith.addf %add3A_593, %mul3A_599 : vector<1x128xf32>
    %mul3A_601 = arith.mulf %mul3A_451, %reduce_sum3A_284 : f32
    %get3A_602 = arith.constant 5 : index
    %get3A_603 = arith.constant 0 : index
    %get3A_604 = vector.load %arg8[%get3A_602, %get3A_603] : memref<8x128xf32, #tpu.memory_space<vmem>>, vector<1x128xf32>
    %mul3A_605 = vector.broadcast %mul3A_601 : f32 to vector<1x128xf32>
    %mul3A_606 = arith.mulf %mul3A_605, %get3A_604 : vector<1x128xf32>
    %add3A_607 = arith.addf %add3A_600, %mul3A_606 : vector<1x128xf32>
    %get3A_608 = arith.constant 1 : index
    %get3A_609 = memref.load %arg5[%get3A_608] : memref<2xi32, #tpu.memory_space<smem>>
    %eq3A_610 = arith.cmpi eq, %reduce_min3A_31, %get3A_609 : i32
    %convert_element_type3A_611 = arith.extui %eq3A_610 : i1 to i32
    %convert_element_type3A_612 = arith.sitofp %convert_element_type3A_611 : i32 to f32
    %mul3A_613 = arith.mulf %convert_element_type3A_52, %convert_element_type3A_612 : f32
    %sub3A_614 = arith.constant 1.000000e+00 : f32
    %sub3A_615 = arith.subf %sub3A_614, %mul3A_613 : f32
    %mul3A_616 = arith.constant 1.000000e+00 : f32
    %mul3A_617 = arith.mulf %mul3A_616, %sub3A_615 : f32
    %get3A_618 = arith.constant 1 : index
    %get3A_619 = memref.load %arg5[%get3A_618] : memref<2xi32, #tpu.memory_space<smem>>
    %eq3A_620 = arith.cmpi eq, %reduce_min3A_75, %get3A_619 : i32
    %convert_element_type3A_621 = arith.extui %eq3A_620 : i1 to i32
    %convert_element_type3A_622 = arith.sitofp %convert_element_type3A_621 : i32 to f32
    %mul3A_623 = arith.mulf %convert_element_type3A_97, %convert_element_type3A_622 : f32
    %sub3A_624 = arith.constant 1.000000e+00 : f32
    %sub3A_625 = arith.subf %sub3A_624, %mul3A_623 : f32
    %mul3A_626 = arith.mulf %mul3A_617, %sub3A_625 : f32
    %get3A_627 = arith.constant 1 : index
    %get3A_628 = memref.load %arg5[%get3A_627] : memref<2xi32, #tpu.memory_space<smem>>
    %eq3A_629 = arith.cmpi eq, %reduce_min3A_121, %get3A_628 : i32
    %convert_element_type3A_630 = arith.extui %eq3A_629 : i1 to i32
    %convert_element_type3A_631 = arith.sitofp %convert_element_type3A_630 : i32 to f32
    %mul3A_632 = arith.mulf %convert_element_type3A_143, %convert_element_type3A_631 : f32
    %sub3A_633 = arith.constant 1.000000e+00 : f32
    %sub3A_634 = arith.subf %sub3A_633, %mul3A_632 : f32
    %mul3A_635 = arith.mulf %mul3A_626, %sub3A_634 : f32
    %get3A_636 = arith.constant 1 : index
    %get3A_637 = memref.load %arg5[%get3A_636] : memref<2xi32, #tpu.memory_space<smem>>
    %eq3A_638 = arith.cmpi eq, %reduce_min3A_172, %get3A_637 : i32
    %convert_element_type3A_639 = arith.extui %eq3A_638 : i1 to i32
    %convert_element_type3A_640 = arith.sitofp %convert_element_type3A_639 : i32 to f32
    %mul3A_641 = arith.mulf %convert_element_type3A_195, %convert_element_type3A_640 : f32
    %sub3A_642 = arith.constant 1.000000e+00 : f32
    %sub3A_643 = arith.subf %sub3A_642, %mul3A_641 : f32
    %mul3A_644 = arith.mulf %mul3A_635, %sub3A_643 : f32
    %get3A_645 = arith.constant 1 : index
    %get3A_646 = memref.load %arg5[%get3A_645] : memref<2xi32, #tpu.memory_space<smem>>
    %eq3A_647 = arith.cmpi eq, %reduce_min3A_220, %get3A_646 : i32
    %convert_element_type3A_648 = arith.extui %eq3A_647 : i1 to i32
    %convert_element_type3A_649 = arith.sitofp %convert_element_type3A_648 : i32 to f32
    %mul3A_650 = arith.mulf %convert_element_type3A_242, %convert_element_type3A_649 : f32
    %sub3A_651 = arith.constant 1.000000e+00 : f32
    %sub3A_652 = arith.subf %sub3A_651, %mul3A_650 : f32
    %mul3A_653 = arith.mulf %mul3A_644, %sub3A_652 : f32
    %get3A_654 = arith.constant 1 : index
    %get3A_655 = memref.load %arg5[%get3A_654] : memref<2xi32, #tpu.memory_space<smem>>
    %eq3A_656 = arith.cmpi eq, %reduce_min3A_266, %get3A_655 : i32
    %convert_element_type3A_657 = arith.extui %eq3A_656 : i1 to i32
    %convert_element_type3A_658 = arith.sitofp %convert_element_type3A_657 : i32 to f32
    %mul3A_659 = arith.mulf %convert_element_type3A_288, %convert_element_type3A_658 : f32
    %sub3A_660 = arith.constant 1.000000e+00 : f32
    %sub3A_661 = arith.subf %sub3A_660, %mul3A_659 : f32
    %mul3A_662 = arith.mulf %mul3A_653, %sub3A_661 : f32
    %get3A_663 = arith.constant 1 : index
    %get3A_664 = arith.constant 0 : index
    %get3A_665 = vector.load %arg3[%get3A_663, %get3A_664] : memref<2x128xf32, #tpu.memory_space<vmem>>, vector<1x128xf32>
    %sub3A_666 = arith.subf %get3A_665, %add3A_607 : vector<1x128xf32>
    %mul3A_667 = arith.constant 1.52587891E-5 : f32
    %mul3A_668 = vector.broadcast %mul3A_667 : f32 to vector<1x128xf32>
    %mul3A_669 = arith.mulf %sub3A_666, %mul3A_668 : vector<1x128xf32>
    %get3A_670 = arith.constant 7 : index
    %get3A_671 = arith.constant 0 : index
    %get3A_672 = vector.load %arg8[%get3A_670, %get3A_671] : memref<8x128xf32, #tpu.memory_space<vmem>>, vector<1x128xf32>
    %mul3A_673 = vector.broadcast %mul3A_662 : f32 to vector<1x128xf32>
    %mul3A_674 = arith.mulf %mul3A_673, %get3A_672 : vector<1x128xf32>
    %add3A_675 = arith.addf %mul3A_674, %mul3A_669 : vector<1x128xf32>
    %concatenate3A = tpu.concatenate %add3A_563, %add3A_675 in 0 : vector<1x128xf32>, vector<1x128xf32> -> vector<2x128xf32>
    %get3A_676 = arith.constant 0 : index
    %get3A_677 = arith.constant 0 : index
    %get3A_678 = vector.load %arg4[%get3A_676, %get3A_677] : memref<128x128xf32, #tpu.memory_space<vmem>>, vector<128x128xf32>
    %dot_general3A = arith.constant dense<0.000000e+00> : vector<2x128xf32>
    %dot_general3A_679 = tpu.matmul %concatenate3A, %get3A_678, %dot_general3A {dimension_numbers = #tpu.dot_dimension_numbers<[1], [0], [0], [1], [0, 0, 1, 1], [], []>, transpose_lhs_hint = false} : vector<2x128xf32>, vector<128x128xf32>, vector<2x128xf32> -> vector<2x128xf32>
    %swap3A = arith.constant 0 : index
    %swap3A_680 = arith.constant 0 : index
    %swap3A_681 = vector.load %arg7[%swap3A, %swap3A_680] : memref<2x128xf32, #tpu.memory_space<vmem>>, vector<2x128xf32>
    tpu.vector_store %arg7[%swap3A, %swap3A_680], %dot_general3A_679 {strides = array<i32>} : memref<2x128xf32, #tpu.memory_space<vmem>>, vector<2x128xf32>,
    return
  }
}

module attributes {stable_mosaic.version = 14 : i64} {
  func.func @_wsum_body(%arg0: i32, %arg1: memref<4096x128xf32, #tpu.memory_space<vmem>>, %arg2: memref<2x2x4096xf32, #tpu.memory_space<vmem>>, %arg3: memref<2x128xf32, #tpu.memory_space<vmem>>) attributes {dimension_semantics = [#tpu.dimension_semantics<arbitrary>], iteration_bounds = array<i64: 25>, scalar_prefetch = 0 : i64, scratch_operands = 0 : i64, tpu.core_type = #tpu.core_type<tc>, window_params = [{transform_indices = @transform_0, window_bounds = array<i64: 4096, 128>}, {transform_indices = @transform_1, window_bounds = array<i64: 2, 2, 4096>}, {pipeline_mode = #tpu.pipeline_mode<synchronous>, transform_indices = @transform_2, window_bounds = array<i64: 2, 128>}]} {
    %get3A = arith.constant 0 : index
    %get3A_0 = arith.constant 0 : index
    %get3A_1 = arith.constant 0 : index
    %get3A_2 = vector.load %arg2[%get3A, %get3A_0, %get3A_1] : memref<2x2x4096xf32, #tpu.memory_space<vmem>>, vector<2x2x4096xf32>
    %slice3A = vector.extract_strided_slice %get3A_2 {offsets = [0, 0, 0], sizes = [1, 2, 4096], strides = [1, 1, 1]} : vector<2x2x4096xf32> to vector<1x2x4096xf32>
    %squeeze3A = vector.shape_cast %slice3A : vector<1x2x4096xf32> to vector<2x4096xf32>
    %slice3A_3 = vector.extract_strided_slice %squeeze3A {offsets = [0, 0], sizes = [1, 4096], strides = [1, 1]} : vector<2x4096xf32> to vector<1x4096xf32>
    %slice3A_4 = vector.extract_strided_slice %get3A_2 {offsets = [1, 0, 0], sizes = [1, 2, 4096], strides = [1, 1, 1]} : vector<2x2x4096xf32> to vector<1x2x4096xf32>
    %squeeze3A_5 = vector.shape_cast %slice3A_4 : vector<1x2x4096xf32> to vector<2x4096xf32>
    %slice3A_6 = vector.extract_strided_slice %squeeze3A_5 {offsets = [0, 0], sizes = [1, 4096], strides = [1, 1]} : vector<2x4096xf32> to vector<1x4096xf32>
    %add3A = arith.addf %slice3A_3, %slice3A_6 : vector<1x4096xf32>
    %slice3A_7 = vector.extract_strided_slice %get3A_2 {offsets = [0, 0, 0], sizes = [1, 2, 4096], strides = [1, 1, 1]} : vector<2x2x4096xf32> to vector<1x2x4096xf32>
    %squeeze3A_8 = vector.shape_cast %slice3A_7 : vector<1x2x4096xf32> to vector<2x4096xf32>
    %slice3A_9 = vector.extract_strided_slice %squeeze3A_8 {offsets = [1, 0], sizes = [1, 4096], strides = [1, 1]} : vector<2x4096xf32> to vector<1x4096xf32>
    %slice3A_10 = vector.extract_strided_slice %get3A_2 {offsets = [1, 0, 0], sizes = [1, 2, 4096], strides = [1, 1, 1]} : vector<2x2x4096xf32> to vector<1x2x4096xf32>
    %squeeze3A_11 = vector.shape_cast %slice3A_10 : vector<1x2x4096xf32> to vector<2x4096xf32>
    %slice3A_12 = vector.extract_strided_slice %squeeze3A_11 {offsets = [1, 0], sizes = [1, 4096], strides = [1, 1]} : vector<2x4096xf32> to vector<1x4096xf32>
    %add3A_13 = arith.addf %slice3A_9, %slice3A_12 : vector<1x4096xf32>
    %concatenate3A = tpu.concatenate %add3A, %add3A_13 in 0 : vector<1x4096xf32>, vector<1x4096xf32> -> vector<2x4096xf32>
    %mul3A = arith.constant 4096 : i32
    %mul3A_14 = arith.muli %arg0, %mul3A : i32
    %iota3A = tpu.iota {dimensions = array<i32: 0>} : vector<4096x1xi32>
    %add3A_15 = vector.broadcast %mul3A_14 : i32 to vector<4096x1xi32>
    %add3A_16 = arith.addi %add3A_15, %iota3A : vector<4096x1xi32>
    %lt3A = arith.constant 100000 : i32
    %lt3A_17 = vector.broadcast %lt3A : i32 to vector<4096x1xi32>
    %lt3A_18 = arith.cmpi slt, %add3A_16, %lt3A_17 : vector<4096x1xi32>
    %get3A_19 = arith.constant 0 : index
    %get3A_20 = arith.constant 0 : index
    %get3A_21 = vector.load %arg1[%get3A_19, %get3A_20] : memref<4096x128xf32, #tpu.memory_space<vmem>>, vector<4096x128xf32>
    %jit3A = arith.constant 0.000000e+00 : f32
    %broadcast_in_dim3A = vector.shape_cast %lt3A_18 : vector<4096x1xi1> to vector<4096x1xi1>
    %broadcast_in_dim3A_22 = vector.broadcast %broadcast_in_dim3A : vector<4096x1xi1> to vector<4096x128xi1>
    %broadcast_in_dim3A_23 = vector.broadcast %jit3A : f32 to vector<4096x128xf32>
    %select_n3A = arith.select %broadcast_in_dim3A_22, %get3A_21, %broadcast_in_dim3A_23 : vector<4096x128xi1>, vector<4096x128xf32>
    %dot_general3A = arith.constant dense<0.000000e+00> : vector<2x128xf32>
    %dot_general3A_24 = tpu.matmul %concatenate3A, %select_n3A, %dot_general3A {dimension_numbers = #tpu.dot_dimension_numbers<[1], [0], [0], [1], [0, 0, 1, 1], [], []>, transpose_lhs_hint = false} : vector<2x4096xf32>, vector<4096x128xf32>, vector<2x128xf32> -> vector<2x128xf32>
    %eq3A = arith.constant 0 : i32
    %eq3A_25 = arith.cmpi eq, %arg0, %eq3A : i32
    %convert_element_type3A = arith.extui %eq3A_25 : i1 to i32
    %cond3A = arith.constant 0 : i32
    %cond3A_26 = arith.cmpi ne, %convert_element_type3A, %cond3A : i32
    scf.if %cond3A_26 {
      %broadcast_in_dim3A_33 = arith.constant 0.000000e+00 : f32
      %broadcast_in_dim3A_34 = vector.broadcast %broadcast_in_dim3A_33 : f32 to vector<2x128xf32>
      %swap3A_35 = arith.constant 0 : index
      %swap3A_36 = arith.constant 0 : index
      %swap3A_37 = vector.load %arg3[%swap3A_35, %swap3A_36] : memref<2x128xf32, #tpu.memory_space<vmem>>, vector<2x128xf32>
      tpu.vector_store %arg3[%swap3A_35, %swap3A_36], %broadcast_in_dim3A_34 {strides = array<i32>} : memref<2x128xf32, #tpu.memory_space<vmem>>, vector<2x128xf32>,
    } else {
    }
    %get3A_27 = arith.constant 0 : index
    %get3A_28 = arith.constant 0 : index
    %get3A_29 = vector.load %arg3[%get3A_27, %get3A_28] : memref<2x128xf32, #tpu.memory_space<vmem>>, vector<2x128xf32>
    %add3A_30 = arith.addf %get3A_29, %dot_general3A_24 : vector<2x128xf32>
    %swap3A = arith.constant 0 : index
    %swap3A_31 = arith.constant 0 : index
    %swap3A_32 = vector.load %arg3[%swap3A, %swap3A_31] : memref<2x128xf32, #tpu.memory_space<vmem>>, vector<2x128xf32>
    tpu.vector_store %arg3[%swap3A, %swap3A_31], %add3A_30 {strides = array<i32>} : memref<2x128xf32, #tpu.memory_space<vmem>>, vector<2x128xf32>,
    return
  }
  func.func @transform_0(%arg0: i32) -> (i32, i32) {
    %c0_i32 = arith.constant 0 : i32
    %c0_i32_0 = arith.constant 0 : i32
    return %arg0, %c0_i32 : i32, i32
  }
  func.func @transform_1(%arg0: i32) -> (i32, i32, i32) {
    %c0_i32 = arith.constant 0 : i32
    %c0_i32_0 = arith.constant 0 : i32
    %c0_i32_1 = arith.constant 0 : i32
    return %c0_i32, %c0_i32_0, %arg0 : i32, i32, i32
  }
  func.func @transform_2(%arg0: i32) -> (i32, i32) {
    %c0_i32 = arith.constant 0 : i32
    %c0_i32_0 = arith.constant 0 : i32
    %c0_i32_1 = arith.constant 0 : i32
    return %c0_i32, %c0_i32_0 : i32, i32
  }
}

</mosaic_0001>

<sc_bundles>
// kernel: kernel.6.cloned.1.call-start
scs
__scs_entry_jumppad:
0x0: {  	(pc) =	sbr.rel $0x88, $3  }
0x1: {  	(tag) =	ssettag $0x0;
	lr =	simm.s32 $0x1  }
0x2: {  	[smem:$0x3F97] =	sst lr;
	_ =	strace $0xD0000000  }
0x3: {  	_ = 	snop  }
0x4: {  	_ = 	snop  }
0x5: {  	_ = 	snop  }
0x6: {  	_ = 	snop  }
0x7: {  	_ = 	snop  }
__scs_overlays_trampoline_lowered:
0x8: {  	[smem:$0x3FA6] =	sst s0  }
0x9: {  	[smem:$0x3FA7] =	sst s1  }
0xa: {  	[smem:$0x3FA8] =	sst s2  }
0xb: {  	[smem:$0x3FA9] =	sst s3  }
0xc: {  	[smem:$0x3FAA] =	sst s4  }
0xd: {  	[smem:$0x3FAB] =	sst s5  }
0xe: {  	[smem:$0x3FAC] =	sst s6  }
0xf: {  	[smem:$0x3FAD] =	sst s7  }
0x10: {  	[smem:$0x3FAE] =	sst s8  }
0x11: {  	[smem:$0x3FAF] =	sst s9;
	s0 =	simm.s32 @!p0 $0x0  }
0x12: {  	s1 =	sld [smem:$0x3F95];
	s0 =	simm.s32 @p0 $0x1  }
0x13: {  	[smem:$0x3FB0] =	sst s0;
	s0 =	simm.s32 @!p1 $0x0  }
0x14: {  	s2 =	sld [smem:$0x3F94];
	s0 =	simm.s32 @p1 $0x1  }
0x15: {  	[smem:$0x3FB1] =	sst s0;
	s0 =	simm.s32 @!p2 $0x0  }
0x16: {  	s3 =	sld [smem:$0x3FDB];
	s0 =	simm.s32 @p2 $0x1  }
0x17: {  	s4 =	simm.s32 $0x1BF5;
	[smem:$0x3FB3] =	sst s0  }
0x18: {  	s0 =	sld [smem:$0x3F96];
	_ =	swait.ge [sflag:s4], $0x0  }
0x19: {  	s7 =	sld [smem:$0x3F97]  }
0x1a: {  	s8 =	sadd.s32 $0xFFFFE003, lr  }
0x1b: {  	s9 =	sadd.s32 $0xFFFFFEF7, lr;
	s5 =	simm.s32 $0xFFFFFFFF;
	p2 =	slt.u32 s8, $0xFFFFF086  }
0x1c: {  	p1 =	slt.u32 s9, $0xF7A;
	s5 =	simm.s32 @!p2 $0x0  }
0x1d: {  	s5 =	simm.s32 @p1 $0x1;
	p0 =	seq.s32 s7, s2  }
0x1e: {  	s7 =	smul.u32 @!p0 $0xF7A, s2;
	p2 =	seq.s32 @!p0 s5, $0x0  }
0x1f: {  	s9 =	smul.u32 $0xF7A, s1;
	s8 =	simm.s32 @!p0 $0x1BF5;
	p2 =	por !p2, p0  }
0x20: {  	[sflag:s8] =	ssyncset.s32 @!p0 $0xFFFFF086;
	s6 =	sadd.s32 @!p0 s3, s7;
	s7 =	simm.s32 @!p0 $0x108  }
0x21: {  	s3 =	sadd.s32 s3, s9;
	s6 =	sadd.s32 @!p0 $0x88, s6;
	s7 =	simm.s32 @p2 $0x1082  }
0x22: {  	[simem:s7], [sflag:s8] =	dma.local @!p0 [hbm:s6], $0xF7A  }
0x23: {  	s9 =	sor.u32 $0xD0000000, s2;
	s6 =	simm.s32 $0x108;
	_ =	swait.ge @!p0 [sflag:s8], $0x0  }
0x24: {  	s3 =	sadd.s32 $0x88, s3;
	s6 =	simm.s32 @!p1 $0x1082;
	[sflag:s4] =	ssyncset.s32 $0xFFFFF086  }
0x25: {  	[simem:s6], [sflag:s4] =	dma.local [hbm:s3], $0xF7A  }
0x26: {  	[smem:$0x3F97] =	sst s1;
	(tag) =	ssettag s2;
	_ =	strace s9  }
0x27: {  	s1 =	sld [smem:$0x3FA7]  }
0x28: {  	s2 =	sld [smem:$0x3FA8]  }
0x29: {  	s4 =	sld [smem:$0x3FAA]  }
0x2a: {  	p0 =	seq.s32 s5, $0x0;
	s5 =	sld [smem:$0x3FAB]  }
0x2b: {  	s6 =	sld [smem:$0x3FAC]  }
0x2c: {  	s7 =	sld [smem:$0x3FAD]  }
0x2d: {  	s3 =	simm.s32 $0x108;
	s8 =	sld [smem:$0x3FAE]  }
0x2e: {  	s3 =	simm.s32 @!p0 $0x1082;
	s9 =	sld [smem:$0x3FAF]  }
0x2f: {  	lr =	sadd.s32 s0, s3;
	s0 =	sld [smem:$0x3FA6]  }
0x30: {  	s3 =	sld [smem:$0x3FA9]  }
0x31: {  	[smem:$0x3FB2] =	sst s10  }
0x32: {  	s10 =	sld [smem:$0x3FB0];
	_ =	sdelay $0x3  }
0x33: {  	p0 =	seq.s32 s10, $0x1;
	s10 =	sld [smem:$0x3FB2];
	_ =	sdelay $0x3  }
0x34: {  	[smem:$0x3FB2] =	sst s10  }
0x35: {  	s10 =	sld [smem:$0x3FB1];
	_ =	sdelay $0x3  }
0x36: {  	p1 =	seq.s32 s10, $0x1;
	s10 =	sld [smem:$0x3FB2];
	_ =	sdelay $0x3  }
0x37: {  	[smem:$0x3FB2] =	sst s10  }
0x38: {  	s10 =	sld [smem:$0x3FB3]  }
0x39: {  	_ = 	snop;
	(pc) =	sbr.ind lr, $3  }
0x3a: {  	_ = 	snop  }
0x3b: {  	_ = 	snop  }
0x3c: {  	p2 =	seq.s32 s10, $0x1;
	s10 =	sld [smem:$0x3FB2]  }
0x3d: {  	_ =	shalt  }
0x3e: {  	_ =	shalt  }
0x3f: {  	_ =	shalt  }
0x40: {  	_ =	shalt  }
0x41: {  	_ =	shalt  }
0x42: {  	_ =	shalt  }
0x43: {  	_ =	shalt  }
0x44: {  	_ =	shalt  }
0x45: {  	_ =	shalt  }
0x46: {  	_ =	shalt  }
0x47: {  	_ =	shalt  }
0x48: {  	_ =	shalt  }
0x49: {  	_ =	shalt  }
0x4a: {  	_ =	shalt  }
0x4b: {  	_ =	shalt  }
0x4c: {  	_ =	shalt  }
0x4d: {  	_ =	shalt  }
0x4e: {  	_ =	shalt  }
0x4f: {  	_ =	shalt  }
0x50: {  	_ =	shalt  }
0x51: {  	_ =	shalt  }
0x52: {  	_ =	shalt  }
0x53: {  	_ =	shalt  }
0x54: {  	_ =	shalt  }
0x55: {  	_ =	shalt  }
0x56: {  	_ =	shalt  }
0x57: {  	_ =	shalt  }
0x58: {  	_ =	shalt  }
0x59: {  	_ =	shalt  }
0x5a: {  	_ =	shalt  }
0x5b: {  	_ =	shalt  }
0x5c: {  	_ =	shalt  }
0x5d: {  	_ =	shalt  }
0x5e: {  	_ =	shalt  }
0x5f: {  	_ =	shalt  }
0x60: {  	_ =	shalt  }
0x61: {  	_ =	shalt  }
0x62: {  	_ =	shalt  }
0x63: {  	_ =	shalt  }
0x64: {  	_ =	shalt  }
0x65: {  	_ =	shalt  }
0x66: {  	_ =	shalt  }
0x67: {  	_ =	shalt  }
0x68: {  	_ =	shalt  }
0x69: {  	_ =	shalt  }
0x6a: {  	_ =	shalt  }
0x6b: {  	_ =	shalt  }
0x6c: {  	_ =	shalt  }
0x6d: {  	_ =	shalt  }
0x6e: {  	_ =	shalt  }
0x6f: {  	_ =	shalt  }
0x70: {  	_ =	shalt  }
0x71: {  	_ =	shalt  }
0x72: {  	_ =	shalt  }
0x73: {  	_ =	shalt  }
0x74: {  	_ =	shalt  }
0x75: {  	_ =	shalt  }
0x76: {  	_ =	shalt  }
0x77: {  	_ =	shalt  }
0x78: {  	_ =	shalt  }
0x79: {  	_ =	shalt  }
0x7a: {  	_ =	shalt  }
0x7b: {  	_ =	shalt  }
0x7c: {  	_ =	shalt  }
0x7d: {  	_ =	shalt  }
0x7e: {  	_ =	shalt  }
0x7f: {  	_ =	shalt  }
0x80: {  	_ =	shalt  }
0x81: {  	_ =	shalt  }
0x82: {  	_ =	shalt  }
0x83: {  	_ =	shalt  }
0x84: {  	_ =	shalt  }
0x85: {  	_ =	shalt  }
0x86: {  	_ =	shalt  }
0x87: {  	_ =	shalt  }
.Lfunc_end0:
.L_simem_size_0:
called_computation_lowered:
.L_overlay_start_0:
0x88: {  	s2 =	sld [smem:$0x3FD9]  }
0x89: {  	s3 =	sld [smem:$0x3FFE];
	_ =	sdelay $0x1  }
0x8a: {  	s1 =	srdreg.scid  }
0x8b: {  	s0 =	sand.u32 $0x1, s1  }
0x8c: {  	s17 =	sshll.u32 s0, $0xA;
	s2 =	sadd.s32 s3, s2  }
0x8d: {  	s2 =	sadd.s32 s2, s17  }
0x8e: {  	[smem:$0x3FBE] =	sst s2  }
0x8f: {  	_ = 	snop  }
0x90: {  	s2 =	sld [smem:$0x3FC7]  }
0x91: {  	s18 =	sld [smem:$0x3FC6];
	(tm) =	ssettm $0x1  }
0x92: {  	s4 =	sld [smem:$0x3FFB];
	_ =	sdelay $0x3  }
0x93: {  	_ =	strace s4  }
0x94: {  	s4 =	sld [smem:$0x3FFC];
	_ =	sdelay $0x3  }
0x95: {  	_ =	strace s4  }
0x96: {  	s4 =	sld [smem:$0x3FFD];
	_ =	sdelay $0x3  }
0x97: {  	_ =	strace s4  }
0x98: {  	_ =	strace $0x8FFFFFFF  }
0x99: {  	s19 =	sld [smem:$0x3FDB];
	_ =	sdelay $0x1  }
0x9a: {  	s5 =	simm.s32 $_scs_section_size  }
0x9b: {  	s6 =	simm.s32 $_size__tile_overlayer_lowered;
	s7 =	simm.s32 $_tile_overlayer_lowered  }
0x9c: {  	s22 =	simm.s32 $0x1BFF;
	s21 =	sshll.u32 s7, $0x1;
	s4 =	sadd.s32 s5, s19  }
0x9d: {  	s8 =	simm.s32 $0x0;
	s20 =	sshll.u32 s6, $0x1;
	s6 =	sadd.s32 s21, s4  }
0x9e: {  	[timem:s8], [sflag:s22] =	dma.local [hbm:s6], s20  }
0x9f: {  	_ =	swait.ge [sflag:s22], s20  }
0xa0: {  	s5 =	ssub.s32 $0x0, s20;
	[sflag:s22] =	ssyncset.done $0x0  }
0xa1: {  	[sflag:s22] =	ssyncadd.s32 s5;
	_ =	sdelay $0x1  }
0xa2: {  	s23 =	simm.s32 $0x1B8B  }
0xa3: {  	_ =	swait.ge [sflag:s23], $0x1  }
0xa4: {  	[sflag:s23] =	ssyncset.done $0x0  }
0xa5: {  	s25 =	simm.s32 $0x1B8E;
	s24 =	sld [smem:$0x3FFE];
	[sflag:s23] =	ssyncadd.s32 $0xFFFFFFFF  }
0xa6: {  	s26 =	simm.s32 $execute0_lowered;
	[smem:$0x3FD2] =	sst s25  }
0xa7: {  	s6 =	sshll.u32 s26, $0x1;
	_ =	strace $0x80000046;
	[dreg:$0x1] =	wrdreg $0xFFFFFFFF  }
0xa8: {  	s28 =	simm.s32 $_size_execute0_lowered;
	s4 =	sadd.s32 s4, s6;
	[dreg:$0x0] =	wrdreg $0x0  }
0xa9: {  	s6 =	sshll.u32 s28, $0x1;
	[dreg:$0x2] =	wrdreg s4  }
0xaa: {  	[dreg:$0x3] =	wrdreg s6  }
0xab: {  	[dreg:$0x4] =	wrdreg $0xC0  }
0xac: {  	_ =	task [dreg:s8], $0x5FFFF  }
0xad: {  	[dreg:$0x1] =	wrdreg $0xFFFFFFFF  }
0xae: {  	[dreg:$0x0] =	wrdreg $0x60  }
0xaf: {  	[dreg:$0x2] =	wrdreg s2  }
0xb0: {  	[dreg:$0x3] =	wrdreg s18  }
0xb1: {  	[dreg:$0x4] =	wrdreg s24  }
0xb2: {  	[dreg:$0x5] =	wrdreg $0x18800  }
0xb3: {  	[dreg:$0x6] =	wrdreg $0x31800  }
0xb4: {  	[dreg:$0x7] =	wrdreg $0x9  }
0xb5: {  	_ =	task.clear_ibuf [dreg:s8], $0x8FFFF;
	_ =	strace $0x90000046  }
0xb6: {  	s29 =	simm.s32 $0x9;
	_ =	strace $0x80000048  }
0xb7: {  	_ =	swait.ge [sflag:s29], $0x1  }
0xb8: {  	[sflag:s29] =	ssyncadd.s32 $0xFFFFFFFF  }
0xb9: {  	_ =	strace $0x90000048  }
0xba: {  	_ =	sfence  }
0xbb: {  	s30 =	sld [smem:$0x0];
	_ =	sdelay $0x2  }
0xbc: {  	s31 =	sshll.u32 s1, $0xD;
	s1 =	sshrl.u32 s1, $0x2  }
0xbd: {  	s3 =	sand.u32 $0x4000, s31;
	s1 =	sadd.s32 s1, s30  }
0xbe: {  	s0 =	sor.u32 s3, s0;
	s1 =	sshll.u32 s1, $0x11  }
0xbf: {  	s0 =	sor.u32 s1, s0  }
0xc0: {  	s0 =	sadd.s32 $0x8F2B, s0  }
0xc1: {  	[sflag:s0] =	ssyncadd.remote.s32 $0x1  }
0xc2: {  	_ =	sfence.sel $0xFFFF  }
0xc3: {  	[dreg:$0x0] =	wrdreg $0xFFFFFFFF;
	(pc) =	sbr.abs _section_cstart, $3  }
0xc4: {  	[dreg:$0x1] =	wrdreg $0xFFFFFFFF  }
0xc5: {  	_ =	task.clear_ibuf [dreg:s8], $0x2FFFF;
	_ =	strace $0x9FFFFFFF  }
0xc6: {  	(tm) =	ssettm $0x7FFFFFFF  }
0xc7: {  	_ =	shalt  }
tec
execute0_lowered:
.L_overlay_start_1:
0x0: {  	(tag) =	ssettag $0x1  }
0x1: {  	s6 =	rddreg [dreg:$0x0]  }
0x2: {  	s5 =	rddreg [dreg:$0x1]  }
0x3: {  	s7 =	rddreg [dreg:$0x2]  }
0x4: {  	s1 =	rddreg [dreg:$0x3];
	s3 =	simm.s32 $0x0  }
0x5: {  	v0 =	vimm.f32 $1.000000000e+00;
	[smem:$0x7FF] =	sst s3  }
0x6: {  	s2 =	rddreg [dreg:$0x4];
	_ =	strace $0x80000047;
	[tilespmem:$0x1030] =	vst v0  }
0x7: {  	[tilespmem:$0x1040] =	vst v0  }
0x8: {  	[tilespmem:$0x1050] =	vst v0  }
0x9: {  	[tilespmem:$0x1060] =	vst v0  }
0xa: {  	v1 =	vimm.f32 $0.0e+00;
	[tilespmem:$0x1070] =	vst v0  }
0xb: {  	[tilespmem:$0x1080] =	vst v1  }
0xc: {  	[tilespmem:$0x1090] =	vst v1  }
0xd: {  	[tilespmem:$0x10A0] =	vst v1  }
0xe: {  	[tilespmem:$0x10B0] =	vst v1  }
0xf: {  	[tilespmem:$0x10C0] =	vst v1  }
0x10: {  	[tilespmem:$0x10D0] =	vst v1  }
0x11: {  	[tilespmem:$0x10E0] =	vst v1  }
0x12: {  	[tilespmem:$0x10F0] =	vst v1  }
0x13: {  	[tilespmem:$0x1100] =	vst v1  }
0x14: {  	[tilespmem:$0x1110] =	vst v1  }
0x15: {  	[tilespmem:$0x1120] =	vst v1  }
0x16: {  	[tilespmem:$0x1130] =	vst v1  }
0x17: {  	[tilespmem:$0x1140] =	vst v1  }
0x18: {  	[tilespmem:$0x1150] =	vst v1  }
0x19: {  	[tilespmem:$0x1160] =	vst v1  }
0x1a: {  	[tilespmem:$0x1170] =	vst v1  }
0x1b: {  	[tilespmem:$0x1180] =	vst v1  }
0x1c: {  	[tilespmem:$0x1190] =	vst v1  }
0x1d: {  	[tilespmem:$0x11A0] =	vst v1  }
0x1e: {  	[tilespmem:$0x11B0] =	vst v1  }
0x1f: {  	[tilespmem:$0x11C0] =	vst v1  }
0x20: {  	[tilespmem:$0x11D0] =	vst v1  }
0x21: {  	[tilespmem:$0x11E0] =	vst v1  }
0x22: {  	[tilespmem:$0x11F0] =	vst v1  }
0x23: {  	[tilespmem:$0x1200] =	vst v1  }
0x24: {  	[tilespmem:$0x1210] =	vst v1  }
0x25: {  	[tilespmem:$0x1220] =	vst v1  }
0x26: {  	[tilespmem:$0x1230] =	vst v1  }
0x27: {  	[tilespmem:$0x1240] =	vst v1  }
0x28: {  	[tilespmem:$0x1250] =	vst v1  }
0x29: {  	[tilespmem:$0x1260] =	vst v1  }
0x2a: {  	[tilespmem:$0x1270] =	vst v1  }
0x2b: {  	[tilespmem:$0x1280] =	vst v1  }
0x2c: {  	[tilespmem:$0x1290] =	vst v1  }
0x2d: {  	[tilespmem:$0x12A0] =	vst v1  }
0x2e: {  	[tilespmem:$0x12B0] =	vst v1  }
0x2f: {  	[tilespmem:$0x12C0] =	vst v1  }
0x30: {  	[tilespmem:$0x12D0] =	vst v1  }
0x31: {  	[tilespmem:$0x12E0] =	vst v1  }
0x32: {  	[tilespmem:$0x12F0] =	vst v1  }
0x33: {  	[tilespmem:$0x1300] =	vst v1  }
0x34: {  	[tilespmem:$0x1310] =	vst v1  }
0x35: {  	[tilespmem:$0x1320] =	vst v1  }
0x36: {  	[tilespmem:$0x1330] =	vst v1  }
0x37: {  	[tilespmem:$0x1340] =	vst v1  }
0x38: {  	[tilespmem:$0x1350] =	vst v1  }
0x39: {  	[tilespmem:$0x1360] =	vst v1  }
0x3a: {  	[tilespmem:$0x1370] =	vst v1  }
0x3b: {  	[tilespmem:$0x1380] =	vst v1  }
0x3c: {  	[tilespmem:$0x1390] =	vst v1  }
0x3d: {  	[tilespmem:$0x13A0] =	vst v1  }
0x3e: {  	[tilespmem:$0x13B0] =	vst v1  }
0x3f: {  	[tilespmem:$0x13C0] =	vst v1  }
0x40: {  	[tilespmem:$0x13D0] =	vst v1  }
0x41: {  	[tilespmem:$0x13E0] =	vst v1  }
0x42: {  	[tilespmem:$0x13F0] =	vst v1  }
0x43: {  	[tilespmem:$0x1400] =	vst v1  }
0x44: {  	[tilespmem:$0x1410] =	vst v1  }
0x45: {  	[tilespmem:$0x1420] =	vst v1  }
0x46: {  	[tilespmem:$0x1430] =	vst v1  }
0x47: {  	[tilespmem:$0x1000] =	vst v0  }
0x48: {  	[tilespmem:$0x1870] =	vst v1  }
0x49: {  	[tilespmem:$0x1860] =	vst v1  }
0x4a: {  	[tilespmem:$0x1850] =	vst v1  }
0x4b: {  	[tilespmem:$0x1840] =	vst v1  }
0x4c: {  	[tilespmem:$0x1830] =	vst v1  }
0x4d: {  	[tilespmem:$0x1820] =	vst v1  }
0x4e: {  	[tilespmem:$0x1810] =	vst v1  }
0x4f: {  	[tilespmem:$0x1800] =	vst v1  }
0x50: {  	[tilespmem:$0x17F0] =	vst v1  }
0x51: {  	[tilespmem:$0x17E0] =	vst v1  }
0x52: {  	[tilespmem:$0x17D0] =	vst v1  }
0x53: {  	[tilespmem:$0x17C0] =	vst v1  }
0x54: {  	[tilespmem:$0x17B0] =	vst v1  }
0x55: {  	[tilespmem:$0x17A0] =	vst v1  }
0x56: {  	[tilespmem:$0x1790] =	vst v1  }
0x57: {  	[tilespmem:$0x1780] =	vst v1  }
0x58: {  	[tilespmem:$0x1770] =	vst v1  }
0x59: {  	[tilespmem:$0x1760] =	vst v1  }
0x5a: {  	[tilespmem:$0x1750] =	vst v1  }
0x5b: {  	[tilespmem:$0x1740] =	vst v1  }
0x5c: {  	[tilespmem:$0x1730] =	vst v1  }
0x5d: {  	[tilespmem:$0x1720] =	vst v1  }
0x5e: {  	[tilespmem:$0x1710] =	vst v1  }
0x5f: {  	[tilespmem:$0x1700] =	vst v1  }
0x60: {  	[tilespmem:$0x16F0] =	vst v1  }
0x61: {  	[tilespmem:$0x16E0] =	vst v1  }
0x62: {  	[tilespmem:$0x16D0] =	vst v1  }
0x63: {  	[tilespmem:$0x16C0] =	vst v1  }
0x64: {  	[tilespmem:$0x16B0] =	vst v1  }
0x65: {  	[tilespmem:$0x16A0] =	vst v1  }
0x66: {  	[tilespmem:$0x1690] =	vst v1  }
0x67: {  	[tilespmem:$0x1680] =	vst v1  }
0x68: {  	[tilespmem:$0x1670] =	vst v1  }
0x69: {  	[tilespmem:$0x1660] =	vst v1  }
0x6a: {  	[tilespmem:$0x1650] =	vst v1  }
0x6b: {  	[tilespmem:$0x1640] =	vst v1  }
0x6c: {  	[tilespmem:$0x1630] =	vst v1  }
0x6d: {  	[tilespmem:$0x1620] =	vst v1  }
0x6e: {  	[tilespmem:$0x1610] =	vst v1  }
0x6f: {  	[tilespmem:$0x1600] =	vst v1  }
0x70: {  	[tilespmem:$0x15F0] =	vst v1  }
0x71: {  	[tilespmem:$0x15E0] =	vst v1  }
0x72: {  	s20 =	simm.s32 $0x100;
	[tilespmem:$0x15D0] =	vst v1  }
0x73: {  	s0 =	stileid.u32;
	s21 =	simm.s32 $0x180;
	[tilespmem:$0x15C0] =	vst v1;
	[dreg:$0x10] =	wrdreg s20  }
0x74: {  	s9 =	srdreg.scid;
	s22 =	simm.s32 $0x200;
	[tilespmem:$0x15B0] =	vst v1;
	[dreg:$0x11] =	wrdreg s21  }
0x75: {  	s23 =	simm.s32 $0x280;
	s24 =	simm.s32 $0x300;
	[tilespmem:$0x15A0] =	vst v1;
	[dreg:$0x12] =	wrdreg s22  }
0x76: {  	s25 =	simm.s32 $0x380;
	s8 =	smul.u32 $0x1900, s0;
	[tilespmem:$0x1590] =	vst v1;
	[dreg:$0x13] =	wrdreg s23  }
0x77: {  	s30 =	sand.u32 $0x1, s9;
	s14 =	smul.u32 $0x3200, s0;
	[tilespmem:$0x1580] =	vst v1;
	[dreg:$0x14] =	wrdreg s24  }
0x78: {  	[tilespmem:$0x1570] =	vst v1;
	[dreg:$0x15] =	wrdreg s25;
	s21 =	simm.s32 $0xA00;
	s26 =	sadd.s32 $0x800, s8  }
0x79: {  	[tilespmem:$0x1560] =	vst v1;
	s12 =	sadd.s32 $0x1000, s8;
	[smem:$0x7FD] =	sst s21;
	s11 =	sadd.s32 s26, s1  }
0x7a: {  	[tilespmem:$0x1550] =	vst v1;
	s13 =	sadd.s32 $0x1800, s8;
	s31 =	sadd.s32 s12, s1;
	[dreg:$0x6] =	wrdreg s11  }
0x7b: {  	s10 =	smul.u32 $0x32000, s30;
	[tilespmem:$0x1540] =	vst v1;
	s4 =	sadd.s32 s13, s1;
	[dreg:$0x7] =	wrdreg s31  }
0x7c: {  	[tilespmem:$0x1530] =	vst v1;
	s9 =	sadd.s32 s26, s2;
	[dreg:$0x8] =	wrdreg s4  }
0x7d: {  	[tilespmem:$0x1520] =	vst v1;
	s10 =	sadd.s32 s14, s10;
	s14 =	sadd.s32 s12, s2;
	[dreg:$0x9] =	wrdreg s9  }
0x7e: {  	[tilespmem:$0x1510] =	vst v1;
	s17 =	sadd.s32 s13, s2;
	[dreg:$0xa] =	wrdreg s14  }
0x7f: {  	[tilespmem:$0x1500] =	vst v1;
	s26 =	simm.s32 $0x400;
	[dreg:$0xb] =	wrdreg s17  }
0x80: {  	[tilespmem:$0x14F0] =	vst v1;
	s12 =	simm.s32 $0x880;
	[dreg:$0x16] =	wrdreg s26  }
0x81: {  	[tilespmem:$0x14E0] =	vst v1;
	s13 =	simm.s32 $0x900;
	[dreg:$0x1e] =	wrdreg s12  }
0x82: {  	[tilespmem:$0x14D0] =	vst v1;
	s31 =	simm.s32 $0x480;
	[dreg:$0x1f] =	wrdreg s13  }
0x83: {  	[tilespmem:$0x14C0] =	vst v1;
	s4 =	simm.s32 $0x500;
	[dreg:$0x17] =	wrdreg s31  }
0x84: {  	[tilespmem:$0x14B0] =	vst v1;
	s9 =	simm.s32 $0x680;
	[dreg:$0x18] =	wrdreg s4  }
0x85: {  	[tilespmem:$0x14A0] =	vst v1;
	[dreg:$0x1b] =	wrdreg s9  }
0x86: {  	s16 =	sshll.u32 s0, $0x8;
	s15 =	sshll.u32 s30, $0xC;
	[tilespmem:$0x1490] =	vst v1;
	s14 =	rddreg [dreg:$0x6]  }
0x87: {  	[tilespmem:$0x1480] =	vst v1;
	s11 =	sor.u32 s16, s15;
	s15 =	rddreg [dreg:$0x7]  }
0x88: {  	[tilespmem:$0x1020] =	vst v0;
	s16 =	simm.s32 $0x980;
	s17 =	rddreg [dreg:$0x8]  }
0x89: {  	[tilespmem:$0x1470] =	vst v1;
	[smem:$0x7FC] =	sst s16  }
0x8a: {  	[tilespmem:$0x1460] =	vst v1;
	s10 =	sshrl.u32 s10, $0x3;
	s6 =	sadd.s32 s6, s11;
	s20 =	rddreg [dreg:$0xb]  }
0x8b: {  	[tilespmem:$0x1450] =	vst v1;
	s7 =	sadd.s32 s10, s7;
	s5 =	sadd.s32 s5, s11;
	[dreg:$0xc] =	wrdreg s6  }
0x8c: {  	[tilespmem:$0x1440] =	vst v1;
	s10 =	simm.s32 $0x700;
	[dreg:$0xd] =	wrdreg s5;
	s6 =	simm.s32 $0x580  }
0x8d: {  	[tilespmem:$0x1010] =	vst v0;
	s5 =	sadd.s32 s8, s1;
	[dreg:$0x19] =	wrdreg s6;
	s6 =	simm.s32 $0x1080  }
0x8e: {  	[spmem:s5] =	stream.linear.scatter [tilespmem:s6], [sflag:$0x1], $0x800, $0x38;
	[tilespmem:$0x4A80] =	vst v63  }
0x8f: {  	s18 =	sadd.s32 $0xA00, s7;
	[dreg:$0x1c] =	wrdreg s10  }
0x90: {  	[spmem:s14] =	stream.linear.scatter [tilespmem:s6], [sflag:$0x1], $0x800, $0x38;
	[tilespmem:$0x4A80] =	vst v63  }
0x91: {  	s19 =	sadd.s32 $0xA10, s7;
	[dreg:$0xe] =	wrdreg s18  }
0x92: {  	[spmem:s15] =	stream.linear.scatter [tilespmem:s6], [sflag:$0x1], $0x800, $0x38;
	[tilespmem:$0x4A80] =	vst v63  }
0x93: {  	s7 =	simm.s32 $0x600;
	[dreg:$0xf] =	wrdreg s19  }
0x94: {  	[spmem:s17] =	stream.linear.scatter [tilespmem:s6], [sflag:$0x1], $0x100, $0x38;
	[tilespmem:$0x4A80] =	vst v63  }
0x95: {  	[dreg:$0x1a] =	wrdreg s7;
	s7 =	sadd.s32 s8, s2  }
0x96: {  	[spmem:s7] =	stream.linear.scatter [tilespmem:s6], [sflag:$0x1], $0x800, $0x38;
	[tilespmem:$0x4A80] =	vst v63  }
0x97: {  	s18 =	rddreg [dreg:$0x9]  }
0x98: {  	[spmem:s18] =	stream.linear.scatter [tilespmem:s6], [sflag:$0x1], $0x800, $0x38;
	[tilespmem:$0x4A80] =	vst v63  }
0x99: {  	s11 =	simm.s32 $0x780;
	s19 =	rddreg [dreg:$0xa]  }
0x9a: {  	[spmem:s19] =	stream.linear.scatter [tilespmem:s6], [sflag:$0x1], $0x800, $0x38;
	[tilespmem:$0x4A80] =	vst v63  }
0x9b: {  	[dreg:$0x1d] =	wrdreg s11  }
0x9c: {  	[spmem:s20] =	stream.linear.scatter [tilespmem:s6], [sflag:$0x1], $0x100, $0x38;
	[tilespmem:$0x4A80] =	vst v63  }
0x9d: {  	s22 =	rddreg [dreg:$0xc];
	s8 =	simm.s32 $0x2  }
0x9e: {  	[tilespmem:s3], [sflag:$0x2] =	stream.linear.gather [hbm4b:s22+s3], $0x800, $0x38;
	[tilespmem:$0x4A80] =	vst v63  }
0x9f: {  	_ =	swait.ge [sflag:s8], $0x800  }
0xa0: {  	[sflag:s8] =	ssyncset.done $0x0  }
0xa1: {  	s9 =	simm.s32 $0x800;
	s23 =	rddreg [dreg:$0xd];
	[sflag:s8] =	ssyncadd.s32 $0xFFFFF800  }
0xa2: {  	[tilespmem:s9], [sflag:$0x2] =	stream.linear.gather [hbm4b:s23+s3], $0x800, $0x38;
	[tilespmem:$0x4A80] =	vst v63  }
0xa3: {  	_ =	swait.ge [sflag:s8], $0x800  }
0xa4: {  	[sflag:s8] =	ssyncset.done $0x0  }
0xa5: {  	s10 =	simm.s32 $0x1;
	[sflag:s8] =	ssyncadd.s32 $0xFFFFF800  }
0xa6: {  	_ =	swait.ge [sflag:s10], $0x800  }
0xa7: {  	[sflag:s10] =	ssyncset.done $0x0  }
0xa8: {  	[sflag:s10] =	ssyncadd.s32 $0xFFFFF800  }
0xa9: {  	_ =	swait.ge [sflag:s10], $0x800  }
0xaa: {  	[sflag:s10] =	ssyncset.done $0x0  }
0xab: {  	[sflag:s10] =	ssyncadd.s32 $0xFFFFF800  }
0xac: {  	_ =	swait.ge [sflag:s10], $0x800  }
0xad: {  	[sflag:s10] =	ssyncset.done $0x0  }
0xae: {  	[sflag:s10] =	ssyncadd.s32 $0xFFFFF800  }
0xaf: {  	_ =	swait.ge [sflag:s10], $0x100  }
0xb0: {  	[sflag:s10] =	ssyncset.done $0x0  }
0xb1: {  	[sflag:s10] =	ssyncadd.s32 $0xFFFFFF00  }
0xb2: {  	_ =	swait.ge [sflag:s10], $0x800  }
0xb3: {  	[sflag:s10] =	ssyncset.done $0x0  }
0xb4: {  	[sflag:s10] =	ssyncadd.s32 $0xFFFFF800  }
0xb5: {  	_ =	swait.ge [sflag:s10], $0x800  }
0xb6: {  	[sflag:s10] =	ssyncset.done $0x0  }
0xb7: {  	[sflag:s10] =	ssyncadd.s32 $0xFFFFF800  }
0xb8: {  	_ =	swait.ge [sflag:s10], $0x800  }
0xb9: {  	[sflag:s10] =	ssyncset.done $0x0  }
0xba: {  	[sflag:s10] =	ssyncadd.s32 $0xFFFFF800  }
0xbb: {  	_ =	swait.ge [sflag:s10], $0x100  }
0xbc: {  	[sflag:s10] =	ssyncset.done $0x0  }
0xbd: {  	[sflag:s10] =	ssyncadd.s32 $0xFFFFFF00  }
0xbe: {  	s12 =	simm.s32 $0x1000;
	s11 =	simm.s32 $0x80;
	[bflag:$0x0] =	sbarrier.arrive $0xFFFF  }
0xbf: {  	[spmem:s1] =	stream.indirect.scatter.add.f32 [tilespmem:s12], [sflag:$0x1], $0x1, s3, s11, $0xb8;
	[tilespmem:$0x4A80] =	vst v63  }
0xc0: {  	_ = 	snop  }
0xc1: {  	[spmem:s1] =	stream.indirect.scatter.add.f32 [tilespmem:s12], [sflag:$0x1], $0x1, s11, s11, $0xb8;
	[tilespmem:$0x4A80] =	vst v63  }
0xc2: {  	s24 =	rddreg [dreg:$0x10]  }
0xc3: {  	[spmem:s1] =	stream.indirect.scatter.add.f32 [tilespmem:s12], [sflag:$0x1], $0x1, s24, s11, $0xb8;
	[tilespmem:$0x4A80] =	vst v63  }
0xc4: {  	s25 =	rddreg [dreg:$0x11]  }
0xc5: {  	[spmem:s1] =	stream.indirect.scatter.add.f32 [tilespmem:s12], [sflag:$0x1], $0x1, s25, s11, $0xb8;
	[tilespmem:$0x4A80] =	vst v63  }
0xc6: {  	s26 =	rddreg [dreg:$0x12]  }
0xc7: {  	[spmem:s1] =	stream.indirect.scatter.add.f32 [tilespmem:s12], [sflag:$0x1], $0x1, s26, s11, $0xb8;
	[tilespmem:$0x4A80] =	vst v63  }
0xc8: {  	s31 =	rddreg [dreg:$0x13]  }
0xc9: {  	[spmem:s1] =	stream.indirect.scatter.add.f32 [tilespmem:s12], [sflag:$0x1], $0x1, s31, s11, $0xb8;
	[tilespmem:$0x4A80] =	vst v63  }
0xca: {  	s4 =	rddreg [dreg:$0x14]  }
0xcb: {  	[spmem:s1] =	stream.indirect.scatter.add.f32 [tilespmem:s12], [sflag:$0x1], $0x1, s4, s11, $0xb8;
	[tilespmem:$0x4A80] =	vst v63  }
0xcc: {  	s15 =	rddreg [dreg:$0x15]  }
0xcd: {  	[spmem:s1] =	stream.indirect.scatter.add.f32 [tilespmem:s12], [sflag:$0x1], $0x1, s15, s11, $0xb8;
	[tilespmem:$0x4A80] =	vst v63  }
0xce: {  	s16 =	rddreg [dreg:$0x16]  }
0xcf: {  	[spmem:s1] =	stream.indirect.scatter.add.f32 [tilespmem:s12], [sflag:$0x1], $0x1, s16, s11, $0xb8;
	[tilespmem:$0x4A80] =	vst v63  }
0xd0: {  	s17 =	rddreg [dreg:$0x17]  }
0xd1: {  	[spmem:s1] =	stream.indirect.scatter.add.f32 [tilespmem:s12], [sflag:$0x1], $0x1, s17, s11, $0xb8;
	[tilespmem:$0x4A80] =	vst v63  }
0xd2: {  	s18 =	rddreg [dreg:$0x18]  }
0xd3: {  	[spmem:s1] =	stream.indirect.scatter.add.f32 [tilespmem:s12], [sflag:$0x1], $0x1, s18, s11, $0xb8;
	[tilespmem:$0x4A80] =	vst v63  }
0xd4: {  	s19 =	rddreg [dreg:$0x19]  }
0xd5: {  	[spmem:s1] =	stream.indirect.scatter.add.f32 [tilespmem:s12], [sflag:$0x1], $0x1, s19, s11, $0xb8;
	[tilespmem:$0x4A80] =	vst v63  }
0xd6: {  	s20 =	rddreg [dreg:$0x1a]  }
0xd7: {  	[spmem:s1] =	stream.indirect.scatter.add.f32 [tilespmem:s12], [sflag:$0x1], $0x1, s20, s11, $0xb8;
	[tilespmem:$0x4A80] =	vst v63  }
0xd8: {  	s21 =	rddreg [dreg:$0x1b]  }
0xd9: {  	[spmem:s1] =	stream.indirect.scatter.add.f32 [tilespmem:s12], [sflag:$0x1], $0x1, s21, s11, $0xb8;
	[tilespmem:$0x4A80] =	vst v63  }
0xda: {  	s22 =	rddreg [dreg:$0x1c]  }
0xdb: {  	[spmem:s1] =	stream.indirect.scatter.add.f32 [tilespmem:s12], [sflag:$0x1], $0x1, s22, s11, $0xb8;
	[tilespmem:$0x4A80] =	vst v63  }
0xdc: {  	s23 =	rddreg [dreg:$0x1d]  }
0xdd: {  	[spmem:s1] =	stream.indirect.scatter.add.f32 [tilespmem:s12], [sflag:$0x1], $0x1, s23, s11, $0xb8;
	[tilespmem:$0x4A80] =	vst v63  }
0xde: {  	_ =	swait.ge [sflag:s10], $0x80  }
0xdf: {  	[sflag:s10] =	ssyncset.done $0x0  }
0xe0: {  	[sflag:s10] =	ssyncadd.s32 $0xFFFFFF80  }
0xe1: {  	_ =	swait.ge [sflag:s10], $0x80  }
0xe2: {  	[sflag:s10] =	ssyncset.done $0x0  }
0xe3: {  	[sflag:s10] =	ssyncadd.s32 $0xFFFFFF80  }
0xe4: {  	_ =	swait.ge [sflag:s10], $0x80  }
0xe5: {  	[sflag:s10] =	ssyncset.done $0x0  }
0xe6: {  	[sflag:s10] =	ssyncadd.s32 $0xFFFFFF80  }
0xe7: {  	_ =	swait.ge [sflag:s10], $0x80  }
0xe8: {  	[sflag:s10] =	ssyncset.done $0x0  }
0xe9: {  	[sflag:s10] =	ssyncadd.s32 $0xFFFFFF80  }
0xea: {  	_ =	swait.ge [sflag:s10], $0x80  }
0xeb: {  	[sflag:s10] =	ssyncset.done $0x0  }
0xec: {  	[sflag:s10] =	ssyncadd.s32 $0xFFFFFF80  }
0xed: {  	_ =	swait.ge [sflag:s10], $0x80  }
0xee: {  	[sflag:s10] =	ssyncset.done $0x0  }
0xef: {  	[sflag:s10] =	ssyncadd.s32 $0xFFFFFF80  }
0xf0: {  	_ =	swait.ge [sflag:s10], $0x80  }
0xf1: {  	[sflag:s10] =	ssyncset.done $0x0  }
0xf2: {  	[sflag:s10] =	ssyncadd.s32 $0xFFFFFF80  }
0xf3: {  	_ =	swait.ge [sflag:s10], $0x80  }
0xf4: {  	[sflag:s10] =	ssyncset.done $0x0  }
0xf5: {  	[sflag:s10] =	ssyncadd.s32 $0xFFFFFF80  }
0xf6: {  	_ =	swait.ge [sflag:s10], $0x80  }
0xf7: {  	[sflag:s10] =	ssyncset.done $0x0  }
0xf8: {  	[sflag:s10] =	ssyncadd.s32 $0xFFFFFF80  }
0xf9: {  	_ =	swait.ge [sflag:s10], $0x80  }
0xfa: {  	[sflag:s10] =	ssyncset.done $0x0  }
0xfb: {  	[sflag:s10] =	ssyncadd.s32 $0xFFFFFF80  }
0xfc: {  	_ =	swait.ge [sflag:s10], $0x80  }
0xfd: {  	[sflag:s10] =	ssyncset.done $0x0  }
0xfe: {  	[sflag:s10] =	ssyncadd.s32 $0xFFFFFF80  }
0xff: {  	_ =	swait.ge [sflag:s10], $0x80  }
0x100: {  	[sflag:s10] =	ssyncset.done $0x0  }
0x101: {  	[sflag:s10] =	ssyncadd.s32 $0xFFFFFF80  }
0x102: {  	_ =	swait.ge [sflag:s10], $0x80  }
0x103: {  	[sflag:s10] =	ssyncset.done $0x0  }
0x104: {  	[sflag:s10] =	ssyncadd.s32 $0xFFFFFF80  }
0x105: {  	_ =	swait.ge [sflag:s10], $0x80  }
0x106: {  	[sflag:s10] =	ssyncset.done $0x0  }
0x107: {  	[sflag:s10] =	ssyncadd.s32 $0xFFFFFF80  }
0x108: {  	_ =	swait.ge [sflag:s10], $0x80  }
0x109: {  	[sflag:s10] =	ssyncset.done $0x0  }
0x10a: {  	[sflag:s10] =	ssyncadd.s32 $0xFFFFFF80  }
0x10b: {  	_ =	swait.ge [sflag:s10], $0x80  }
0x10c: {  	[sflag:s10] =	ssyncset.done $0x0  }
0x10d: {  	s24 =	rddreg [dreg:$0x1e];
	[sflag:s10] =	ssyncadd.s32 $0xFFFFFF80  }
0x10e: {  	[spmem:s2] =	stream.indirect.scatter.add.f32 [tilespmem:s12], [sflag:$0x1], $0x1, s9, s11, $0xb8;
	[tilespmem:$0x4A80] =	vst v63  }
0x10f: {  	s25 =	rddreg [dreg:$0x1f]  }
0x110: {  	[spmem:s2] =	stream.indirect.scatter.add.f32 [tilespmem:s12], [sflag:$0x1], $0x1, s24, s11, $0xb8;
	[tilespmem:$0x4A80] =	vst v63  }
0x111: {  	s26 =	sld [smem:$0x7FC]  }
0x112: {  	[spmem:s2] =	stream.indirect.scatter.add.f32 [tilespmem:s12], [sflag:$0x1], $0x1, s25, s11, $0xb8;
	[tilespmem:$0x4A80] =	vst v63  }
0x113: {  	s31 =	sld [smem:$0x7FD]  }
0x114: {  	[spmem:s2] =	stream.indirect.scatter.add.f32 [tilespmem:s12], [sflag:$0x1], $0x1, s26, s11, $0xb8;
	[tilespmem:$0x4A80] =	vst v63  }
0x115: {  	_ = 	snop  }
0x116: {  	[spmem:s2] =	stream.indirect.scatter.add.f32 [tilespmem:s12], [sflag:$0x1], $0x1, s31, s11, $0xb8;
	[tilespmem:$0x4A80] =	vst v63  }
0x117: {  	s13 =	simm.s32 $0xA80  }
0x118: {  	[spmem:s2] =	stream.indirect.scatter.add.f32 [tilespmem:s12], [sflag:$0x1], $0x1, s13, s11, $0xb8;
	[tilespmem:$0x4A80] =	vst v63  }
0x119: {  	s14 =	simm.s32 $0xB00  }
0x11a: {  	[spmem:s2] =	stream.indirect.scatter.add.f32 [tilespmem:s12], [sflag:$0x1], $0x1, s14, s11, $0xb8;
	[tilespmem:$0x4A80] =	vst v63  }
0x11b: {  	s15 =	simm.s32 $0xB80  }
0x11c: {  	[spmem:s2] =	stream.indirect.scatter.add.f32 [tilespmem:s12], [sflag:$0x1], $0x1, s15, s11, $0xb8;
	[tilespmem:$0x4A80] =	vst v63  }
0x11d: {  	s16 =	simm.s32 $0xC00  }
0x11e: {  	[spmem:s2] =	stream.indirect.scatter.add.f32 [tilespmem:s12], [sflag:$0x1], $0x1, s16, s11, $0xb8;
	[tilespmem:$0x4A80] =	vst v63  }
0x11f: {  	s17 =	simm.s32 $0xC80  }
0x120: {  	[spmem:s2] =	stream.indirect.scatter.add.f32 [tilespmem:s12], [sflag:$0x1], $0x1, s17, s11, $0xb8;
	[tilespmem:$0x4A80] =	vst v63  }
0x121: {  	s18 =	simm.s32 $0xD00  }
0x122: {  	[spmem:s2] =	stream.indirect.scatter.add.f32 [tilespmem:s12], [sflag:$0x1], $0x1, s18, s11, $0xb8;
	[tilespmem:$0x4A80] =	vst v63  }
0x123: {  	s19 =	simm.s32 $0xD80  }
0x124: {  	[spmem:s2] =	stream.indirect.scatter.add.f32 [tilespmem:s12], [sflag:$0x1], $0x1, s19, s11, $0xb8;
	[tilespmem:$0x4A80] =	vst v63  }
0x125: {  	s20 =	simm.s32 $0xE00  }
0x126: {  	[spmem:s2] =	stream.indirect.scatter.add.f32 [tilespmem:s12], [sflag:$0x1], $0x1, s20, s11, $0xb8;
	[tilespmem:$0x4A80] =	vst v63  }
0x127: {  	s21 =	simm.s32 $0xE80  }
0x128: {  	[spmem:s2] =	stream.indirect.scatter.add.f32 [tilespmem:s12], [sflag:$0x1], $0x1, s21, s11, $0xb8;
	[tilespmem:$0x4A80] =	vst v63  }
0x129: {  	s22 =	simm.s32 $0xF00  }
0x12a: {  	[spmem:s2] =	stream.indirect.scatter.add.f32 [tilespmem:s12], [sflag:$0x1], $0x1, s22, s11, $0xb8;
	[tilespmem:$0x4A80] =	vst v63  }
0x12b: {  	s23 =	simm.s32 $0xF80  }
0x12c: {  	[spmem:s2] =	stream.indirect.scatter.add.f32 [tilespmem:s12], [sflag:$0x1], $0x1, s23, s11, $0xb8;
	[tilespmem:$0x4A80] =	vst v63  }
0x12d: {  	_ =	swait.ge [sflag:s10], $0x80  }
0x12e: {  	[sflag:s10] =	ssyncset.done $0x0  }
0x12f: {  	[sflag:s10] =	ssyncadd.s32 $0xFFFFFF80  }
0x130: {  	_ =	swait.ge [sflag:s10], $0x80  }
0x131: {  	[sflag:s10] =	ssyncset.done $0x0  }
0x132: {  	[sflag:s10] =	ssyncadd.s32 $0xFFFFFF80  }
0x133: {  	_ =	swait.ge [sflag:s10], $0x80  }
0x134: {  	[sflag:s10] =	ssyncset.done $0x0  }
0x135: {  	[sflag:s10] =	ssyncadd.s32 $0xFFFFFF80  }
0x136: {  	_ =	swait.ge [sflag:s10], $0x80  }
0x137: {  	[sflag:s10] =	ssyncset.done $0x0  }
0x138: {  	[sflag:s10] =	ssyncadd.s32 $0xFFFFFF80  }
0x139: {  	_ =	swait.ge [sflag:s10], $0x80  }
0x13a: {  	[sflag:s10] =	ssyncset.done $0x0  }
0x13b: {  	[sflag:s10] =	ssyncadd.s32 $0xFFFFFF80  }
0x13c: {  	_ =	swait.ge [sflag:s10], $0x80  }
0x13d: {  	[sflag:s10] =	ssyncset.done $0x0  }
0x13e: {  	[sflag:s10] =	ssyncadd.s32 $0xFFFFFF80  }
0x13f: {  	_ =	swait.ge [sflag:s10], $0x80  }
0x140: {  	[sflag:s10] =	ssyncset.done $0x0  }
0x141: {  	[sflag:s10] =	ssyncadd.s32 $0xFFFFFF80  }
0x142: {  	_ =	swait.ge [sflag:s10], $0x80  }
0x143: {  	[sflag:s10] =	ssyncset.done $0x0  }
0x144: {  	[sflag:s10] =	ssyncadd.s32 $0xFFFFFF80  }
0x145: {  	_ =	swait.ge [sflag:s10], $0x80  }
0x146: {  	[sflag:s10] =	ssyncset.done $0x0  }
0x147: {  	[sflag:s10] =	ssyncadd.s32 $0xFFFFFF80  }
0x148: {  	_ =	swait.ge [sflag:s10], $0x80  }
0x149: {  	[sflag:s10] =	ssyncset.done $0x0  }
0x14a: {  	[sflag:s10] =	ssyncadd.s32 $0xFFFFFF80  }
0x14b: {  	_ =	swait.ge [sflag:s10], $0x80  }
0x14c: {  	[sflag:s10] =	ssyncset.done $0x0  }
0x14d: {  	[sflag:s10] =	ssyncadd.s32 $0xFFFFFF80  }
0x14e: {  	_ =	swait.ge [sflag:s10], $0x80  }
0x14f: {  	[sflag:s10] =	ssyncset.done $0x0  }
0x150: {  	[sflag:s10] =	ssyncadd.s32 $0xFFFFFF80  }
0x151: {  	_ =	swait.ge [sflag:s10], $0x80  }
0x152: {  	[sflag:s10] =	ssyncset.done $0x0  }
0x153: {  	[sflag:s10] =	ssyncadd.s32 $0xFFFFFF80  }
0x154: {  	_ =	swait.ge [sflag:s10], $0x80  }
0x155: {  	[sflag:s10] =	ssyncset.done $0x0  }
0x156: {  	[sflag:s10] =	ssyncadd.s32 $0xFFFFFF80  }
0x157: {  	_ =	swait.ge [sflag:s10], $0x80  }
0x158: {  	[sflag:s10] =	ssyncset.done $0x0  }
0x159: {  	[sflag:s10] =	ssyncadd.s32 $0xFFFFFF80  }
0x15a: {  	s30 =	ssub.s32 $0x2, s30;
	_ =	swait.ge [sflag:s10], $0x80  }
0x15b: {  	s28 =	sshrl.u32 s5, $0x3;
	s4 =	sshrl.u32 s30, $0x1;
	[sflag:s10] =	ssyncset.done $0x0  }
0x15c: {  	s30 =	ssub.s32 s30, s4;
	s24 =	sshll.u32 s0, $0x6;
	[sflag:s10] =	ssyncadd.s32 $0xFFFFFF80  }
0x15d: {  	s30 =	smax.u32 s30, $0x1;
	s24 =	sor.u32 $0x1C01, s24;
	[bflag:$0x0] =	sbarrier.arrive $0xFFFF  }
0x15e: {  	s25 =	simm.s32 $0x20;
	s26 =	simm.s32 $0x10;
	s29 =	rddreg [dreg:$0xe]  }
0x15f: {  	[hbm:s29@s25], [sflag:s24] =	dma.strided [spmem:s28@s26], $0x320, s10, $0x10   }
0x160: {  	p0 =	sne.s32 s30, $0x1;
	s29 =	sshrl.u32 s7, $0x3;
	s31 =	rddreg [dreg:$0xf]  }
0x161: {  	[hbm:s31@s25], [sflag:s24] =	dma.strided [spmem:s29@s26], $0x320, s10, $0x10   }
.Ltmp0:
0x162: {  	_ = 	snop;
	(pc) =	sbr.rel @!p0 .LBB2_2-.Ltmp0, $4  }
0x163: {  	_ =	swait.ge [sflag:s10], $0x320  }
0x164: {  	[sflag:s10] =	ssyncset.done $0x0  }
0x165: {  	[sflag:s10] =	ssyncadd.s32 $0xFFFFFCE0  }
0x166: {  	s30 =	sadd.s32 $0xFFFFFFFF, s30;
	_ =	swait.ge [sflag:s10], $0x320  }
.LBB2_1:
0x167: {  	[sflag:s10] =	ssyncset.done $0x0  }
0x168: {  	[sflag:s10] =	ssyncadd.s32 $0xFFFFFCE0  }
0x169: {  	[tilespmem:$0x1030] =	vst v0  }
0x16a: {  	[tilespmem:$0x1040] =	vst v0  }
0x16b: {  	[tilespmem:$0x1050] =	vst v0  }
0x16c: {  	[tilespmem:$0x1060] =	vst v0  }
0x16d: {  	[tilespmem:$0x1070] =	vst v0  }
0x16e: {  	[tilespmem:$0x1080] =	vst v1  }
0x16f: {  	[tilespmem:$0x1090] =	vst v1  }
0x170: {  	[tilespmem:$0x10A0] =	vst v1  }
0x171: {  	[tilespmem:$0x10B0] =	vst v1  }
0x172: {  	[tilespmem:$0x10C0] =	vst v1  }
0x173: {  	[tilespmem:$0x10D0] =	vst v1  }
0x174: {  	[tilespmem:$0x10E0] =	vst v1  }
0x175: {  	[tilespmem:$0x10F0] =	vst v1  }
0x176: {  	[tilespmem:$0x1100] =	vst v1  }
0x177: {  	[tilespmem:$0x1110] =	vst v1  }
0x178: {  	[tilespmem:$0x1120] =	vst v1  }
0x179: {  	[tilespmem:$0x1130] =	vst v1  }
0x17a: {  	[tilespmem:$0x1140] =	vst v1  }
0x17b: {  	[tilespmem:$0x1150] =	vst v1  }
0x17c: {  	[tilespmem:$0x1160] =	vst v1  }
0x17d: {  	[tilespmem:$0x1170] =	vst v1  }
0x17e: {  	[tilespmem:$0x1180] =	vst v1  }
0x17f: {  	[tilespmem:$0x1190] =	vst v1  }
0x180: {  	[tilespmem:$0x11A0] =	vst v1  }
0x181: {  	[tilespmem:$0x11B0] =	vst v1  }
0x182: {  	[tilespmem:$0x11C0] =	vst v1  }
0x183: {  	[tilespmem:$0x11D0] =	vst v1  }
0x184: {  	[tilespmem:$0x11E0] =	vst v1  }
0x185: {  	[tilespmem:$0x11F0] =	vst v1  }
0x186: {  	[tilespmem:$0x1200] =	vst v1  }
0x187: {  	[tilespmem:$0x1210] =	vst v1  }
0x188: {  	[tilespmem:$0x1220] =	vst v1  }
0x189: {  	[tilespmem:$0x1230] =	vst v1  }
0x18a: {  	[tilespmem:$0x1240] =	vst v1  }
0x18b: {  	[tilespmem:$0x1250] =	vst v1  }
0x18c: {  	[tilespmem:$0x1260] =	vst v1  }
0x18d: {  	[tilespmem:$0x1270] =	vst v1  }
0x18e: {  	[tilespmem:$0x1280] =	vst v1  }
0x18f: {  	[tilespmem:$0x1290] =	vst v1  }
0x190: {  	[tilespmem:$0x12A0] =	vst v1  }
0x191: {  	[tilespmem:$0x12B0] =	vst v1  }
0x192: {  	[tilespmem:$0x12C0] =	vst v1  }
0x193: {  	[tilespmem:$0x12D0] =	vst v1  }
0x194: {  	[tilespmem:$0x12E0] =	vst v1  }
0x195: {  	[tilespmem:$0x12F0] =	vst v1  }
0x196: {  	[tilespmem:$0x1300] =	vst v1  }
0x197: {  	[tilespmem:$0x1310] =	vst v1  }
0x198: {  	[tilespmem:$0x1320] =	vst v1  }
0x199: {  	[tilespmem:$0x1330] =	vst v1  }
0x19a: {  	[tilespmem:$0x1340] =	vst v1  }
0x19b: {  	[tilespmem:$0x1350] =	vst v1  }
0x19c: {  	[tilespmem:$0x1360] =	vst v1  }
0x19d: {  	[tilespmem:$0x1370] =	vst v1  }
0x19e: {  	[tilespmem:$0x1380] =	vst v1  }
0x19f: {  	[tilespmem:$0x1390] =	vst v1  }
0x1a0: {  	[tilespmem:$0x13A0] =	vst v1  }
0x1a1: {  	[tilespmem:$0x13B0] =	vst v1  }
0x1a2: {  	[tilespmem:$0x13C0] =	vst v1  }
0x1a3: {  	[tilespmem:$0x13D0] =	vst v1  }
0x1a4: {  	[tilespmem:$0x13E0] =	vst v1  }
0x1a5: {  	[tilespmem:$0x13F0] =	vst v1  }
0x1a6: {  	[tilespmem:$0x1400] =	vst v1  }
0x1a7: {  	[tilespmem:$0x1410] =	vst v1  }
0x1a8: {  	[tilespmem:$0x1420] =	vst v1  }
0x1a9: {  	[tilespmem:$0x1430] =	vst v1  }
0x1aa: {  	[tilespmem:$0x1000] =	vst v0  }
0x1ab: {  	[tilespmem:$0x1870] =	vst v1  }
0x1ac: {  	[tilespmem:$0x1860] =	vst v1  }
0x1ad: {  	[tilespmem:$0x1850] =	vst v1  }
0x1ae: {  	[tilespmem:$0x1840] =	vst v1  }
0x1af: {  	[tilespmem:$0x1830] =	vst v1  }
0x1b0: {  	[tilespmem:$0x1820] =	vst v1  }
0x1b1: {  	[tilespmem:$0x1810] =	vst v1  }
0x1b2: {  	[tilespmem:$0x1800] =	vst v1  }
0x1b3: {  	[tilespmem:$0x17F0] =	vst v1  }
0x1b4: {  	[tilespmem:$0x17E0] =	vst v1  }
0x1b5: {  	[tilespmem:$0x17D0] =	vst v1  }
0x1b6: {  	[tilespmem:$0x17C0] =	vst v1  }
0x1b7: {  	[tilespmem:$0x17B0] =	vst v1  }
0x1b8: {  	[tilespmem:$0x17A0] =	vst v1  }
0x1b9: {  	[tilespmem:$0x1790] =	vst v1  }
0x1ba: {  	[tilespmem:$0x1780] =	vst v1  }
0x1bb: {  	[tilespmem:$0x1770] =	vst v1  }
0x1bc: {  	[tilespmem:$0x1760] =	vst v1  }
0x1bd: {  	[tilespmem:$0x1750] =	vst v1  }
0x1be: {  	[tilespmem:$0x1740] =	vst v1  }
0x1bf: {  	[tilespmem:$0x1730] =	vst v1  }
0x1c0: {  	[tilespmem:$0x1720] =	vst v1  }
0x1c1: {  	[tilespmem:$0x1710] =	vst v1  }
0x1c2: {  	[tilespmem:$0x1700] =	vst v1  }
0x1c3: {  	[tilespmem:$0x16F0] =	vst v1  }
0x1c4: {  	[tilespmem:$0x16E0] =	vst v1  }
0x1c5: {  	[tilespmem:$0x16D0] =	vst v1  }
0x1c6: {  	[tilespmem:$0x16C0] =	vst v1  }
0x1c7: {  	[tilespmem:$0x16B0] =	vst v1  }
0x1c8: {  	[tilespmem:$0x16A0] =	vst v1  }
0x1c9: {  	[tilespmem:$0x1690] =	vst v1  }
0x1ca: {  	[tilespmem:$0x1680] =	vst v1  }
0x1cb: {  	[tilespmem:$0x1670] =	vst v1  }
0x1cc: {  	[tilespmem:$0x1660] =	vst v1  }
0x1cd: {  	[tilespmem:$0x1650] =	vst v1  }
0x1ce: {  	[tilespmem:$0x1640] =	vst v1  }
0x1cf: {  	[tilespmem:$0x1630] =	vst v1  }
0x1d0: {  	[tilespmem:$0x1620] =	vst v1  }
0x1d1: {  	[tilespmem:$0x1610] =	vst v1  }
0x1d2: {  	[tilespmem:$0x1600] =	vst v1  }
0x1d3: {  	[tilespmem:$0x15F0] =	vst v1  }
0x1d4: {  	[tilespmem:$0x15E0] =	vst v1  }
0x1d5: {  	[tilespmem:$0x15D0] =	vst v1  }
0x1d6: {  	[tilespmem:$0x15C0] =	vst v1  }
0x1d7: {  	[tilespmem:$0x15B0] =	vst v1  }
0x1d8: {  	[tilespmem:$0x15A0] =	vst v1  }
0x1d9: {  	[tilespmem:$0x1590] =	vst v1  }
0x1da: {  	[tilespmem:$0x1580] =	vst v1  }
0x1db: {  	[tilespmem:$0x1570] =	vst v1  }
0x1dc: {  	[tilespmem:$0x1560] =	vst v1  }
0x1dd: {  	[tilespmem:$0x1550] =	vst v1  }
0x1de: {  	[tilespmem:$0x1540] =	vst v1  }
0x1df: {  	[tilespmem:$0x1530] =	vst v1  }
0x1e0: {  	[tilespmem:$0x1520] =	vst v1  }
0x1e1: {  	[tilespmem:$0x1510] =	vst v1  }
0x1e2: {  	[tilespmem:$0x1500] =	vst v1  }
0x1e3: {  	[tilespmem:$0x14F0] =	vst v1  }
0x1e4: {  	[tilespmem:$0x14E0] =	vst v1  }
0x1e5: {  	[tilespmem:$0x14D0] =	vst v1  }
0x1e6: {  	[tilespmem:$0x14C0] =	vst v1  }
0x1e7: {  	[tilespmem:$0x14B0] =	vst v1  }
0x1e8: {  	[tilespmem:$0x14A0] =	vst v1  }
0x1e9: {  	[tilespmem:$0x1490] =	vst v1  }
0x1ea: {  	[tilespmem:$0x1480] =	vst v1  }
0x1eb: {  	[tilespmem:$0x1020] =	vst v0  }
0x1ec: {  	[tilespmem:$0x1470] =	vst v1  }
0x1ed: {  	[tilespmem:$0x1460] =	vst v1  }
0x1ee: {  	[tilespmem:$0x1450] =	vst v1  }
0x1ef: {  	[tilespmem:$0x1440] =	vst v1  }
0x1f0: {  	[tilespmem:$0x1010] =	vst v0  }
0x1f1: {  	[spmem:s5] =	stream.linear.scatter [tilespmem:s6], [sflag:$0x1], $0x800, $0x38;
	[tilespmem:$0x4A80] =	vst v63  }
0x1f2: {  	s31 =	rddreg [dreg:$0x6]  }
0x1f3: {  	[spmem:s31] =	stream.linear.scatter [tilespmem:s6], [sflag:$0x1], $0x800, $0x38;
	[tilespmem:$0x4A80] =	vst v63  }
0x1f4: {  	s0 =	rddreg [dreg:$0x7]  }
0x1f5: {  	[spmem:s0] =	stream.linear.scatter [tilespmem:s6], [sflag:$0x1], $0x800, $0x38;
	[tilespmem:$0x4A80] =	vst v63  }
0x1f6: {  	s4 =	rddreg [dreg:$0x8]  }
0x1f7: {  	[spmem:s4] =	stream.linear.scatter [tilespmem:s6], [sflag:$0x1], $0x100, $0x38;
	[tilespmem:$0x4A80] =	vst v63  }
0x1f8: {  	_ = 	snop  }
0x1f9: {  	[spmem:s7] =	stream.linear.scatter [tilespmem:s6], [sflag:$0x1], $0x800, $0x38;
	[tilespmem:$0x4A80] =	vst v63  }
0x1fa: {  	s0 =	rddreg [dreg:$0x9]  }
0x1fb: {  	[spmem:s0] =	stream.linear.scatter [tilespmem:s6], [sflag:$0x1], $0x800, $0x38;
	[tilespmem:$0x4A80] =	vst v63  }
0x1fc: {  	s4 =	rddreg [dreg:$0xa]  }
0x1fd: {  	[spmem:s4] =	stream.linear.scatter [tilespmem:s6], [sflag:$0x1], $0x800, $0x38;
	[tilespmem:$0x4A80] =	vst v63  }
0x1fe: {  	s0 =	rddreg [dreg:$0xb]  }
0x1ff: {  	[spmem:s0] =	stream.linear.scatter [tilespmem:s6], [sflag:$0x1], $0x100, $0x38;
	[tilespmem:$0x4A80] =	vst v63  }
0x200: {  	s4 =	rddreg [dreg:$0xc]  }
0x201: {  	[tilespmem:s3], [sflag:$0x2] =	stream.linear.gather [hbm4b:s4+s3], $0x800, $0x38;
	[tilespmem:$0x4A80] =	vst v63  }
0x202: {  	_ =	swait.ge [sflag:s8], $0x800  }
0x203: {  	[sflag:s8] =	ssyncset.done $0x0  }
0x204: {  	s4 =	rddreg [dreg:$0xd];
	[sflag:s8] =	ssyncadd.s32 $0xFFFFF800  }
0x205: {  	[tilespmem:s9], [sflag:$0x2] =	stream.linear.gather [hbm4b:s4+s3], $0x800, $0x38;
	[tilespmem:$0x4A80] =	vst v63  }
0x206: {  	_ =	swait.ge [sflag:s8], $0x800  }
0x207: {  	[sflag:s8] =	ssyncset.done $0x0  }
0x208: {  	[sflag:s8] =	ssyncadd.s32 $0xFFFFF800  }
0x209: {  	_ =	swait.ge [sflag:s10], $0x800  }
0x20a: {  	[sflag:s10] =	ssyncset.done $0x0  }
0x20b: {  	[sflag:s10] =	ssyncadd.s32 $0xFFFFF800  }
0x20c: {  	_ =	swait.ge [sflag:s10], $0x800  }
0x20d: {  	[sflag:s10] =	ssyncset.done $0x0  }
0x20e: {  	[sflag:s10] =	ssyncadd.s32 $0xFFFFF800  }
0x20f: {  	_ =	swait.ge [sflag:s10], $0x800  }
0x210: {  	[sflag:s10] =	ssyncset.done $0x0  }
0x211: {  	[sflag:s10] =	ssyncadd.s32 $0xFFFFF800  }
0x212: {  	_ =	swait.ge [sflag:s10], $0x100  }
0x213: {  	[sflag:s10] =	ssyncset.done $0x0  }
0x214: {  	[sflag:s10] =	ssyncadd.s32 $0xFFFFFF00  }
0x215: {  	_ =	swait.ge [sflag:s10], $0x800  }
0x216: {  	[sflag:s10] =	ssyncset.done $0x0  }
0x217: {  	[sflag:s10] =	ssyncadd.s32 $0xFFFFF800  }
0x218: {  	_ =	swait.ge [sflag:s10], $0x800  }
0x219: {  	[sflag:s10] =	ssyncset.done $0x0  }
0x21a: {  	[sflag:s10] =	ssyncadd.s32 $0xFFFFF800  }
0x21b: {  	_ =	swait.ge [sflag:s10], $0x800  }
0x21c: {  	[sflag:s10] =	ssyncset.done $0x0  }
0x21d: {  	[sflag:s10] =	ssyncadd.s32 $0xFFFFF800  }
0x21e: {  	_ =	swait.ge [sflag:s10], $0x100  }
0x21f: {  	[sflag:s10] =	ssyncset.done $0x0  }
0x220: {  	[sflag:s10] =	ssyncadd.s32 $0xFFFFFF00  }
0x221: {  	[bflag:$0x0] =	sbarrier.arrive $0xFFFF  }
0x222: {  	[spmem:s1] =	stream.indirect.scatter.add.f32 [tilespmem:s12], [sflag:$0x1], $0x1, s3, s11, $0xb8;
	[tilespmem:$0x4A80] =	vst v63  }
0x223: {  	_ = 	snop  }
0x224: {  	[spmem:s1] =	stream.indirect.scatter.add.f32 [tilespmem:s12], [sflag:$0x1], $0x1, s11, s11, $0xb8;
	[tilespmem:$0x4A80] =	vst v63  }
0x225: {  	s0 =	rddreg [dreg:$0x10]  }
0x226: {  	[spmem:s1] =	stream.indirect.scatter.add.f32 [tilespmem:s12], [sflag:$0x1], $0x1, s0, s11, $0xb8;
	[tilespmem:$0x4A80] =	vst v63  }
0x227: {  	s31 =	rddreg [dreg:$0x11]  }
0x228: {  	[spmem:s1] =	stream.indirect.scatter.add.f32 [tilespmem:s12], [sflag:$0x1], $0x1, s31, s11, $0xb8;
	[tilespmem:$0x4A80] =	vst v63  }
0x229: {  	s4 =	rddreg [dreg:$0x12]  }
0x22a: {  	[spmem:s1] =	stream.indirect.scatter.add.f32 [tilespmem:s12], [sflag:$0x1], $0x1, s4, s11, $0xb8;
	[tilespmem:$0x4A80] =	vst v63  }
0x22b: {  	s31 =	rddreg [dreg:$0x13]  }
0x22c: {  	[spmem:s1] =	stream.indirect.scatter.add.f32 [tilespmem:s12], [sflag:$0x1], $0x1, s31, s11, $0xb8;
	[tilespmem:$0x4A80] =	vst v63  }
0x22d: {  	s0 =	rddreg [dreg:$0x14]  }
0x22e: {  	[spmem:s1] =	stream.indirect.scatter.add.f32 [tilespmem:s12], [sflag:$0x1], $0x1, s0, s11, $0xb8;
	[tilespmem:$0x4A80] =	vst v63  }
0x22f: {  	s31 =	rddreg [dreg:$0x15]  }
0x230: {  	[spmem:s1] =	stream.indirect.scatter.add.f32 [tilespmem:s12], [sflag:$0x1], $0x1, s31, s11, $0xb8;
	[tilespmem:$0x4A80] =	vst v63  }
0x231: {  	s4 =	rddreg [dreg:$0x16]  }
0x232: {  	[spmem:s1] =	stream.indirect.scatter.add.f32 [tilespmem:s12], [sflag:$0x1], $0x1, s4, s11, $0xb8;
	[tilespmem:$0x4A80] =	vst v63  }
0x233: {  	s31 =	rddreg [dreg:$0x17]  }
0x234: {  	[spmem:s1] =	stream.indirect.scatter.add.f32 [tilespmem:s12], [sflag:$0x1], $0x1, s31, s11, $0xb8;
	[tilespmem:$0x4A80] =	vst v63  }
0x235: {  	s0 =	rddreg [dreg:$0x18]  }
0x236: {  	[spmem:s1] =	stream.indirect.scatter.add.f32 [tilespmem:s12], [sflag:$0x1], $0x1, s0, s11, $0xb8;
	[tilespmem:$0x4A80] =	vst v63  }
0x237: {  	s31 =	rddreg [dreg:$0x19]  }
0x238: {  	[spmem:s1] =	stream.indirect.scatter.add.f32 [tilespmem:s12], [sflag:$0x1], $0x1, s31, s11, $0xb8;
	[tilespmem:$0x4A80] =	vst v63  }
0x239: {  	s0 =	rddreg [dreg:$0x1a]  }
0x23a: {  	[spmem:s1] =	stream.indirect.scatter.add.f32 [tilespmem:s12], [sflag:$0x1], $0x1, s0, s11, $0xb8;
	[tilespmem:$0x4A80] =	vst v63  }
0x23b: {  	s31 =	rddreg [dreg:$0x1b]  }
0x23c: {  	[spmem:s1] =	stream.indirect.scatter.add.f32 [tilespmem:s12], [sflag:$0x1], $0x1, s31, s11, $0xb8;
	[tilespmem:$0x4A80] =	vst v63  }
0x23d: {  	s4 =	rddreg [dreg:$0x1c]  }
0x23e: {  	[spmem:s1] =	stream.indirect.scatter.add.f32 [tilespmem:s12], [sflag:$0x1], $0x1, s4, s11, $0xb8;
	[tilespmem:$0x4A80] =	vst v63  }
0x23f: {  	s31 =	rddreg [dreg:$0x1d]  }
0x240: {  	[spmem:s1] =	stream.indirect.scatter.add.f32 [tilespmem:s12], [sflag:$0x1], $0x1, s31, s11, $0xb8;
	[tilespmem:$0x4A80] =	vst v63  }
0x241: {  	_ =	swait.ge [sflag:s10], $0x80  }
0x242: {  	[sflag:s10] =	ssyncset.done $0x0  }
0x243: {  	[sflag:s10] =	ssyncadd.s32 $0xFFFFFF80  }
0x244: {  	_ =	swait.ge [sflag:s10], $0x80  }
0x245: {  	[sflag:s10] =	ssyncset.done $0x0  }
0x246: {  	[sflag:s10] =	ssyncadd.s32 $0xFFFFFF80  }
0x247: {  	_ =	swait.ge [sflag:s10], $0x80  }
0x248: {  	[sflag:s10] =	ssyncset.done $0x0  }
0x249: {  	[sflag:s10] =	ssyncadd.s32 $0xFFFFFF80  }
0x24a: {  	_ =	swait.ge [sflag:s10], $0x80  }
0x24b: {  	[sflag:s10] =	ssyncset.done $0x0  }
0x24c: {  	[sflag:s10] =	ssyncadd.s32 $0xFFFFFF80  }
0x24d: {  	_ =	swait.ge [sflag:s10], $0x80  }
0x24e: {  	[sflag:s10] =	ssyncset.done $0x0  }
0x24f: {  	[sflag:s10] =	ssyncadd.s32 $0xFFFFFF80  }
0x250: {  	_ =	swait.ge [sflag:s10], $0x80  }
0x251: {  	[sflag:s10] =	ssyncset.done $0x0  }
0x252: {  	[sflag:s10] =	ssyncadd.s32 $0xFFFFFF80  }
0x253: {  	_ =	swait.ge [sflag:s10], $0x80  }
0x254: {  	[sflag:s10] =	ssyncset.done $0x0  }
0x255: {  	[sflag:s10] =	ssyncadd.s32 $0xFFFFFF80  }
0x256: {  	_ =	swait.ge [sflag:s10], $0x80  }
0x257: {  	[sflag:s10] =	ssyncset.done $0x0  }
0x258: {  	[sflag:s10] =	ssyncadd.s32 $0xFFFFFF80  }
0x259: {  	_ =	swait.ge [sflag:s10], $0x80  }
0x25a: {  	[sflag:s10] =	ssyncset.done $0x0  }
0x25b: {  	[sflag:s10] =	ssyncadd.s32 $0xFFFFFF80  }
0x25c: {  	_ =	swait.ge [sflag:s10], $0x80  }
0x25d: {  	[sflag:s10] =	ssyncset.done $0x0  }
0x25e: {  	[sflag:s10] =	ssyncadd.s32 $0xFFFFFF80  }
0x25f: {  	_ =	swait.ge [sflag:s10], $0x80  }
0x260: {  	[sflag:s10] =	ssyncset.done $0x0  }
0x261: {  	[sflag:s10] =	ssyncadd.s32 $0xFFFFFF80  }
0x262: {  	_ =	swait.ge [sflag:s10], $0x80  }
0x263: {  	[sflag:s10] =	ssyncset.done $0x0  }
0x264: {  	[sflag:s10] =	ssyncadd.s32 $0xFFFFFF80  }
0x265: {  	_ =	swait.ge [sflag:s10], $0x80  }
0x266: {  	[sflag:s10] =	ssyncset.done $0x0  }
0x267: {  	[sflag:s10] =	ssyncadd.s32 $0xFFFFFF80  }
0x268: {  	_ =	swait.ge [sflag:s10], $0x80  }
0x269: {  	[sflag:s10] =	ssyncset.done $0x0  }
0x26a: {  	[sflag:s10] =	ssyncadd.s32 $0xFFFFFF80  }
0x26b: {  	_ =	swait.ge [sflag:s10], $0x80  }
0x26c: {  	[sflag:s10] =	ssyncset.done $0x0  }
0x26d: {  	[sflag:s10] =	ssyncadd.s32 $0xFFFFFF80  }
0x26e: {  	_ =	swait.ge [sflag:s10], $0x80  }
0x26f: {  	[sflag:s10] =	ssyncset.done $0x0  }
0x270: {  	s0 =	rddreg [dreg:$0x1e];
	[sflag:s10] =	ssyncadd.s32 $0xFFFFFF80  }
0x271: {  	[spmem:s2] =	stream.indirect.scatter.add.f32 [tilespmem:s12], [sflag:$0x1], $0x1, s9, s11, $0xb8;
	[tilespmem:$0x4A80] =	vst v63  }
0x272: {  	s4 =	rddreg [dreg:$0x1f]  }
0x273: {  	[spmem:s2] =	stream.indirect.scatter.add.f32 [tilespmem:s12], [sflag:$0x1], $0x1, s0, s11, $0xb8;
	[tilespmem:$0x4A80] =	vst v63  }
0x274: {  	s31 =	sld [smem:$0x7FC]  }
0x275: {  	[spmem:s2] =	stream.indirect.scatter.add.f32 [tilespmem:s12], [sflag:$0x1], $0x1, s4, s11, $0xb8;
	[tilespmem:$0x4A80] =	vst v63  }
0x276: {  	s0 =	sld [smem:$0x7FD]  }
0x277: {  	[spmem:s2] =	stream.indirect.scatter.add.f32 [tilespmem:s12], [sflag:$0x1], $0x1, s31, s11, $0xb8;
	[tilespmem:$0x4A80] =	vst v63  }
0x278: {  	_ = 	snop  }
0x279: {  	[spmem:s2] =	stream.indirect.scatter.add.f32 [tilespmem:s12], [sflag:$0x1], $0x1, s0, s11, $0xb8;
	[tilespmem:$0x4A80] =	vst v63  }
0x27a: {  	_ = 	snop  }
0x27b: {  	[spmem:s2] =	stream.indirect.scatter.add.f32 [tilespmem:s12], [sflag:$0x1], $0x1, s13, s11, $0xb8;
	[tilespmem:$0x4A80] =	vst v63  }
0x27c: {  	_ = 	snop  }
0x27d: {  	[spmem:s2] =	stream.indirect.scatter.add.f32 [tilespmem:s12], [sflag:$0x1], $0x1, s14, s11, $0xb8;
	[tilespmem:$0x4A80] =	vst v63  }
0x27e: {  	_ = 	snop  }
0x27f: {  	[spmem:s2] =	stream.indirect.scatter.add.f32 [tilespmem:s12], [sflag:$0x1], $0x1, s15, s11, $0xb8;
	[tilespmem:$0x4A80] =	vst v63  }
0x280: {  	_ = 	snop  }
0x281: {  	[spmem:s2] =	stream.indirect.scatter.add.f32 [tilespmem:s12], [sflag:$0x1], $0x1, s16, s11, $0xb8;
	[tilespmem:$0x4A80] =	vst v63  }
0x282: {  	_ = 	snop  }
0x283: {  	[spmem:s2] =	stream.indirect.scatter.add.f32 [tilespmem:s12], [sflag:$0x1], $0x1, s17, s11, $0xb8;
	[tilespmem:$0x4A80] =	vst v63  }
0x284: {  	_ = 	snop  }
0x285: {  	[spmem:s2] =	stream.indirect.scatter.add.f32 [tilespmem:s12], [sflag:$0x1], $0x1, s18, s11, $0xb8;
	[tilespmem:$0x4A80] =	vst v63  }
0x286: {  	_ = 	snop  }
0x287: {  	[spmem:s2] =	stream.indirect.scatter.add.f32 [tilespmem:s12], [sflag:$0x1], $0x1, s19, s11, $0xb8;
	[tilespmem:$0x4A80] =	vst v63  }
0x288: {  	_ = 	snop  }
0x289: {  	[spmem:s2] =	stream.indirect.scatter.add.f32 [tilespmem:s12], [sflag:$0x1], $0x1, s20, s11, $0xb8;
	[tilespmem:$0x4A80] =	vst v63  }
0x28a: {  	_ = 	snop  }
0x28b: {  	[spmem:s2] =	stream.indirect.scatter.add.f32 [tilespmem:s12], [sflag:$0x1], $0x1, s21, s11, $0xb8;
	[tilespmem:$0x4A80] =	vst v63  }
0x28c: {  	_ = 	snop  }
0x28d: {  	[spmem:s2] =	stream.indirect.scatter.add.f32 [tilespmem:s12], [sflag:$0x1], $0x1, s22, s11, $0xb8;
	[tilespmem:$0x4A80] =	vst v63  }
0x28e: {  	_ = 	snop  }
0x28f: {  	[spmem:s2] =	stream.indirect.scatter.add.f32 [tilespmem:s12], [sflag:$0x1], $0x1, s23, s11, $0xb8;
	[tilespmem:$0x4A80] =	vst v63  }
0x290: {  	_ =	swait.ge [sflag:s10], $0x80  }
0x291: {  	[sflag:s10] =	ssyncset.done $0x0  }
0x292: {  	[sflag:s10] =	ssyncadd.s32 $0xFFFFFF80  }
0x293: {  	_ =	swait.ge [sflag:s10], $0x80  }
0x294: {  	[sflag:s10] =	ssyncset.done $0x0  }
0x295: {  	[sflag:s10] =	ssyncadd.s32 $0xFFFFFF80  }
0x296: {  	_ =	swait.ge [sflag:s10], $0x80  }
0x297: {  	[sflag:s10] =	ssyncset.done $0x0  }
0x298: {  	[sflag:s10] =	ssyncadd.s32 $0xFFFFFF80  }
0x299: {  	_ =	swait.ge [sflag:s10], $0x80  }
0x29a: {  	[sflag:s10] =	ssyncset.done $0x0  }
0x29b: {  	[sflag:s10] =	ssyncadd.s32 $0xFFFFFF80  }
0x29c: {  	_ =	swait.ge [sflag:s10], $0x80  }
0x29d: {  	[sflag:s10] =	ssyncset.done $0x0  }
0x29e: {  	[sflag:s10] =	ssyncadd.s32 $0xFFFFFF80  }
0x29f: {  	_ =	swait.ge [sflag:s10], $0x80  }
0x2a0: {  	[sflag:s10] =	ssyncset.done $0x0  }
0x2a1: {  	[sflag:s10] =	ssyncadd.s32 $0xFFFFFF80  }
0x2a2: {  	_ =	swait.ge [sflag:s10], $0x80  }
0x2a3: {  	[sflag:s10] =	ssyncset.done $0x0  }
0x2a4: {  	[sflag:s10] =	ssyncadd.s32 $0xFFFFFF80  }
0x2a5: {  	_ =	swait.ge [sflag:s10], $0x80  }
0x2a6: {  	[sflag:s10] =	ssyncset.done $0x0  }
0x2a7: {  	[sflag:s10] =	ssyncadd.s32 $0xFFFFFF80  }
0x2a8: {  	_ =	swait.ge [sflag:s10], $0x80  }
0x2a9: {  	[sflag:s10] =	ssyncset.done $0x0  }
0x2aa: {  	[sflag:s10] =	ssyncadd.s32 $0xFFFFFF80  }
0x2ab: {  	_ =	swait.ge [sflag:s10], $0x80  }
0x2ac: {  	[sflag:s10] =	ssyncset.done $0x0  }
0x2ad: {  	[sflag:s10] =	ssyncadd.s32 $0xFFFFFF80  }
0x2ae: {  	_ =	swait.ge [sflag:s10], $0x80  }
0x2af: {  	[sflag:s10] =	ssyncset.done $0x0  }
0x2b0: {  	[sflag:s10] =	ssyncadd.s32 $0xFFFFFF80  }
0x2b1: {  	_ =	swait.ge [sflag:s10], $0x80  }
0x2b2: {  	[sflag:s10] =	ssyncset.done $0x0  }
0x2b3: {  	[sflag:s10] =	ssyncadd.s32 $0xFFFFFF80  }
0x2b4: {  	_ =	swait.ge [sflag:s10], $0x80  }
0x2b5: {  	[sflag:s10] =	ssyncset.done $0x0  }
0x2b6: {  	[sflag:s10] =	ssyncadd.s32 $0xFFFFFF80  }
0x2b7: {  	_ =	swait.ge [sflag:s10], $0x80  }
0x2b8: {  	[sflag:s10] =	ssyncset.done $0x0  }
0x2b9: {  	[sflag:s10] =	ssyncadd.s32 $0xFFFFFF80  }
0x2ba: {  	_ =	swait.ge [sflag:s10], $0x80  }
0x2bb: {  	[sflag:s10] =	ssyncset.done $0x0  }
0x2bc: {  	[sflag:s10] =	ssyncadd.s32 $0xFFFFFF80  }
0x2bd: {  	_ =	swait.ge [sflag:s10], $0x80  }
0x2be: {  	[sflag:s10] =	ssyncset.done $0x0  }
0x2bf: {  	[sflag:s10] =	ssyncadd.s32 $0xFFFFFF80  }
0x2c0: {  	[bflag:$0x0] =	sbarrier.arrive $0xFFFF  }
0x2c1: {  	s31 =	rddreg [dreg:$0xe]  }
0x2c2: {  	[hbm:s31@s25], [sflag:s24] =	dma.strided [spmem:s28@s26], $0x320, s10, $0x10   }
0x2c3: {  	p0 =	sne.s32 s30, $0x1;
	s0 =	rddreg [dreg:$0xf]  }
0x2c4: {  	[hbm:s0@s25], [sflag:s24] =	dma.strided [spmem:s29@s26], $0x320, s10, $0x10   }
.Ltmp1:
0x2c5: {  	_ = 	snop;
	(pc) =	sbr.rel @p0 .LBB2_1-.Ltmp1, $4  }
0x2c6: {  	_ =	swait.ge [sflag:s10], $0x320  }
0x2c7: {  	[sflag:s10] =	ssyncset.done $0x0  }
0x2c8: {  	[sflag:s10] =	ssyncadd.s32 $0xFFFFFCE0  }
0x2c9: {  	s30 =	sadd.s32 $0xFFFFFFFF, s30;
	_ =	swait.ge [sflag:s10], $0x320  }
.LBB2_2:
0x2ca: {  	[sflag:s10] =	ssyncset.done $0x0  }
0x2cb: {  	[sflag:s10] =	ssyncadd.s32 $0xFFFFFCE0  }
0x2cc: {  	_ =	sfence.sel $0x180000  }
0x2cd: {  	[bflag:$0x0] =	sbarrier.arrive $0xFFFF  }
0x2ce: {  	_ =	strace $0x90000047  }
0x2cf: {  	s0 =	stileid.u32;
	[bflag:$0x2] =	sbarrier.arrive $0xFFFF  }
0x2d0: {  	p0 =	sne.s32 s0, $0x0;
	s0 =	rddreg [dreg:$0x5]  }
0x2d1: {  	s0 =	sadd.s32 @!p0 $0x100000, s0  }
0x2d2: {  	[sflag:s0] =	ssyncadd.tile.s32 @!p0 $0x1;
	_ =	shalt  }
.Lfunc_end2:
_tile_overlayer_lowered:
.L_overlay_start_2:
0x2d3: {  	(tag) =	ssettag $0x2  }
0x2d4: {  	s0 =	rddreg [dreg:$0x0];
	s2 =	stileid.u32  }
0x2d5: {  	s1 =	rddreg [dreg:$0x1];
	p0 =	sne.s32 s2, $0x0  }
0x2d6: {  	s3 =	rddreg [dreg:$0x2];
	[bflag:$0x3] =	sbarrier.arrive $0xFFFF;
	s2 =	simm.s32 @!p0 $0x1C02  }
0x2d7: {  	[timem:s3], [sflag:s2] =	dma.local @!p0 [hbm:s0], s1  }
0x2d8: {  	s0 =	simm.s32 @!p0 $0x2  }
0x2d9: {  	_ =	swait.ge @!p0 [sflag:s0], s1  }
0x2da: {  	s1 =	ssub.s32 @!p0 $0x0, s1;
	[sflag:s0] =	ssyncset.done @!p0 $0x0  }
0x2db: {  	[sflag:s0] =	ssyncadd.s32 @!p0 s1  }
0x2dc: {  	[bflag:$0x3] =	sbarrier.arrive $0xFFFF  }
0x2dd: {  	_ =	shalt  }

</sc_bundles>
